<compile_context>
chip_gen: v7x
topology: tpu7x:2x2x1
jax: 0.10.2.dev20260603
libtpu: 0.0.44.dev20260713+nightly
codegen_flags: <defaults>
</compile_context>

<pallas_src>
import functools

import jax
import jax.numpy as jnp
from jax import lax
from jax.experimental import pallas as pl
from jax.experimental.pallas import tpu as pltpu
from jax.experimental.pallas import tpu_sc as plsc

F = 128
CH = 128
GH = CH // 2
NCORES = 2
NSUB = 16
NW = NCORES * NSUB
TA = 4096
TN = 2000


def _leaky(v, s):
    return jnp.where(v >= 0, v, s * v)


def _dot3(a, b):
    a_hi = a.astype(jnp.bfloat16)
    a_lo = (a - a_hi.astype(jnp.float32)).astype(jnp.bfloat16)
    b_hi = b.astype(jnp.bfloat16)
    b_lo = (b - b_hi.astype(jnp.float32)).astype(jnp.bfloat16)
    return (jnp.dot(a_hi, b_lo, preferred_element_type=jnp.float32)
            + jnp.dot(a_lo, b_hi, preferred_element_type=jnp.float32)
            + jnp.dot(a_hi, b_hi, preferred_element_type=jnp.float32))



def _colmax_body(etot, kr_ref, w1t_ref, w2t_ref, b2_ref, m_ref):
    i = pl.program_id(0)
    kr = kr_ref[...].astype(jnp.bfloat16)
    h = jnp.dot(kr, w1t_ref[...].astype(jnp.bfloat16),
                preferred_element_type=jnp.float32)
    h = _leaky(h, 0.2).astype(jnp.bfloat16)
    ew = jnp.dot(h, w2t_ref[...].astype(jnp.bfloat16),
                 preferred_element_type=jnp.float32) + b2_ref[...]
    rows = i * TA + lax.broadcasted_iota(jnp.int32, (TA, F), 0)
    ew = jnp.where(rows < etot, ew, -1e30)
    tmax = jnp.max(ew, axis=0, keepdims=True)

    @pl.when(i == 0)
    def _():
        m_ref[...] = jnp.full((8, F), -1e30, jnp.float32)

    m_ref[...] = jnp.maximum(m_ref[...], jnp.broadcast_to(tmax, (8, F)))


def _colmax(kr, w1t, w2t, b2, etot, epad):
    nc = kr.shape[1]
    kmax = -(-etot // TA) - 1
    return pl.pallas_call(
        functools.partial(_colmax_body, etot),
        grid=(epad // TA,),
        in_specs=[
            pl.BlockSpec((TA, nc), lambda i: (jnp.minimum(i, kmax), 0)),
            pl.BlockSpec((nc, F), lambda i: (0, 0)),
            pl.BlockSpec((F, F), lambda i: (0, 0)),
            pl.BlockSpec((1, F), lambda i: (0, 0)),
        ],
        out_specs=pl.BlockSpec((8, F), lambda i: (0, 0)),
        out_shape=jax.ShapeDtypeStruct((8, F), jnp.float32),
    )(kr, w1t, w2t, b2)



def _exp_body(etot, kr_ref, w1t_ref, w2t_ref, b2_ref, m_ref, e_ref):
    i = pl.program_id(0)
    h = jnp.dot(kr_ref[...], w1t_ref[...], preferred_element_type=jnp.float32)
    h = _leaky(h, 0.2)
    ew = _dot3(h, w2t_ref[...]) + b2_ref[...]
    rows = i * TA + lax.broadcasted_iota(jnp.int32, (TA, F), 0)
    e_ref[...] = jnp.where(rows < etot, jnp.exp(ew - m_ref[...]), 0.0)


def _compute_e(kr, w1t, w2t, b2, m_row, etot, epad):
    nc = kr.shape[1]
    kmax = -(-etot // TA) - 1
    return pl.pallas_call(
        functools.partial(_exp_body, etot),
        grid=(epad // TA,),
        in_specs=[
            pl.BlockSpec((TA, nc), lambda i: (jnp.minimum(i, kmax), 0)),
            pl.BlockSpec((nc, F), lambda i: (0, 0)),
            pl.BlockSpec((F, F), lambda i: (0, 0)),
            pl.BlockSpec((1, F), lambda i: (0, 0)),
            pl.BlockSpec((1, F), lambda i: (0, 0)),
        ],
        out_specs=pl.BlockSpec((TA, F), lambda i: (i, 0)),
        out_shape=jax.ShapeDtypeStruct((epad, F), jnp.float32),
    )(kr, w1t, w2t, b2, m_row)



def _slice_plan(n):
    nz = (n // NSUB) & ~7
    tail = n - nz * NSUB
    return nz, tail


def _zero_table_slice(stable, zerobuf, sub, n):
    nz, tail = _slice_plan(n)

    def zrow(r, carry):
        for j in range(F // 16):
            zerobuf[r, pl.ds(j * 16, 16)] = jnp.zeros((16,), jnp.float32)
        return carry
    lax.fori_loop(0, CH, zrow, 0)
    base = sub * nz
    nfull = nz // CH
    for k in range(nfull):
        pltpu.sync_copy(zerobuf, stable.at[pl.ds(base + k * CH, CH)])
    rem = nz - nfull * CH
    if rem:
        pltpu.sync_copy(zerobuf.at[pl.ds(0, rem)],
                        stable.at[pl.ds(base + nfull * CH, rem)])
    if tail:
        @pl.when(sub == 0)
        def _():
            pltpu.sync_copy(zerobuf.at[pl.ds(0, tail)],
                            stable.at[pl.ds(nz * NSUB, tail)])


def _copy_out_table(stable, out_hbm, c, sub, n):
    nz, tail = _slice_plan(n)
    pltpu.sync_copy(stable.at[pl.ds(sub * nz, nz)],
                    out_hbm.at[c, pl.ds(sub * nz, nz)])
    if tail:
        @pl.when(sub == 0)
        def _():
            pltpu.sync_copy(stable.at[pl.ds(nz * NSUB, tail)],
                            out_hbm.at[c, pl.ds(nz * NSUB, tail)])


def _sc_segsum_body(epad, n, e_hbm, row_hbm, s_out,
                    stable, ebuf, idxbuf, se0, se1, si0, si1, ss0, ss1):
    c = lax.axis_index("c")
    sub = lax.axis_index("s")
    wid = sub * NCORES + c
    cpw = epad // (CH * NW)
    npairs = cpw // 2
    sems = ((se0, si0, ss0), (se1, si1, ss1))

    _zero_table_slice(stable, ebuf.at[0], sub, n)
    plsc.subcore_barrier()

    def _eslice(t):
        return e_hbm.at[pl.ds((wid * cpw + t) * CH, CH)]

    def _islice(t):
        return row_hbm.at[pl.ds((wid * cpw + t) * CH, CH)]

    def _load(t, b):
        pltpu.async_copy(_eslice(t), ebuf.at[b], sems[b][0])
        pltpu.async_copy(_islice(t), idxbuf.at[b], sems[b][1])

    def _wait_load(t, b):
        pltpu.make_async_copy(_eslice(t), ebuf.at[b], sems[b][0]).wait()
        pltpu.make_async_copy(_islice(t), idxbuf.at[b], sems[b][1]).wait()

    def _scatter_start(b):
        pltpu.async_copy(ebuf.at[b], stable.at[idxbuf.at[b]], sems[b][2],
                         add=True)

    def _scatter_wait(b):
        pltpu.make_async_copy(ebuf.at[b], stable.at[idxbuf.at[b]],
                              sems[b][2]).wait()

    _load(0, 0)
    _load(1, 1)

    def pair(p, carry):
        t0 = 2 * p
        _wait_load(t0, 0)
        _scatter_start(0)
        _wait_load(t0 + 1, 1)
        _scatter_start(1)

        @pl.when(p < npairs - 1)
        def _():
            _scatter_wait(0)
            _load(t0 + 2, 0)
            _scatter_wait(1)
            _load(t0 + 3, 1)
        return carry
    lax.fori_loop(0, npairs, pair, 0)
    _scatter_wait(0)
    _scatter_wait(1)

    plsc.subcore_barrier()
    _copy_out_table(stable, s_out, c, sub, n)


def _sc_aggregate_body(epad, n, e_hbm, row_hbm, col_hbm, z_hbm, o_out,
                       stable, ebuf, zbuf, idxb,
                       se0, se1, sr0, sr1, sc0, sc1, sg0, sg1, ss0, ss1):
    c = lax.axis_index("c")
    sub = lax.axis_index("s")
    wid = sub * NCORES + c
    cpw = epad // (CH * NW)
    npairs = cpw // 2
    sems = ((se0, sr0, sc0, ss0), (se1, sr1, sc1, ss1))

    _zero_table_slice(stable, ebuf.at[0], sub, n)
    plsc.subcore_barrier()

    def _sl(hbm, t):
        return hbm.at[pl.ds((wid * cpw + t) * CH, CH)]

    def _load(t, b):
        pltpu.async_copy(_sl(e_hbm, t), ebuf.at[b], sems[b][0])
        pltpu.async_copy(_sl(row_hbm, t), idxb.at[b], sems[b][1])
        pltpu.async_copy(_sl(col_hbm, t), idxb.at[2 + b], sems[b][2])

    def _wait_idxr(t, b):
        pltpu.make_async_copy(_sl(row_hbm, t), idxb.at[b], sems[b][1]).wait()

    def _wait_rest(t, b):
        pltpu.make_async_copy(_sl(e_hbm, t), ebuf.at[b], sems[b][0]).wait()
        pltpu.make_async_copy(_sl(col_hbm, t), idxb.at[2 + b],
                              sems[b][2]).wait()

    def _gather_start(b, half, sem):
        pltpu.async_copy(z_hbm.at[idxb.at[b, pl.ds(half * GH, GH)]],
                         zbuf.at[pl.ds(half * GH, GH)], sem)

    def _gather_wait(b, half, sem):
        pltpu.make_async_copy(z_hbm.at[idxb.at[b, pl.ds(half * GH, GH)]],
                              zbuf.at[pl.ds(half * GH, GH)], sem).wait()

    def _scatter_start(b):
        pltpu.async_copy(ebuf.at[b], stable.at[idxb.at[2 + b]], sems[b][3],
                         add=True)

    def _scatter_wait(b):
        pltpu.make_async_copy(ebuf.at[b], stable.at[idxb.at[2 + b]],
                              sems[b][3]).wait()

    def _mul_half(b, half):
        def rowb(r, carry2):
            for j in range(F // 16):
                sl = pl.ds(j * 16, 16)
                ebuf[b, r, sl] = ebuf[b, r, sl] * zbuf[r, sl]
            return carry2
        lax.fori_loop(half * GH, (half + 1) * GH, rowb, 0)

    def _process(t, b):
        _wait_idxr(t, b)
        _gather_start(b, 0, sg0)
        _gather_start(b, 1, sg1)
        _wait_rest(t, b)
        _gather_wait(b, 0, sg0)
        _mul_half(b, 0)
        _gather_wait(b, 1, sg1)
        _mul_half(b, 1)
        _scatter_start(b)

    _load(0, 0)
    _load(1, 1)

    def pair(p, carry):
        t0 = 2 * p
        _process(t0, 0)
        _process(t0 + 1, 1)

        @pl.when(p < npairs - 1)
        def _():
            _scatter_wait(0)
            _load(t0 + 2, 0)
            _scatter_wait(1)
            _load(t0 + 3, 1)
        return carry
    lax.fori_loop(0, npairs, pair, 0)
    _scatter_wait(0)
    _scatter_wait(1)

    plsc.subcore_barrier()
    _copy_out_table(stable, o_out, c, sub, n)


def _sc_mesh():
    return plsc.VectorSubcoreMesh(core_axis_name="c", subcore_axis_name="s")


def _sc_segsum(e_arr, row_pad, n):
    epad = e_arr.shape[0]
    return pl.kernel(
        functools.partial(_sc_segsum_body, epad, n),
        out_type=jax.ShapeDtypeStruct((NCORES, n, F), jnp.float32),
        mesh=_sc_mesh(),
        scratch_types=[
            pltpu.VMEM_SHARED((n, F), jnp.float32),
            pltpu.VMEM((2, CH, F), jnp.float32),
            pltpu.VMEM((2, CH), jnp.int32),
        ] + [pltpu.SemaphoreType.DMA] * 6,
    )(e_arr, row_pad)


def _sc_aggregate(e_arr, row_pad, col_pad, z, n):
    epad = e_arr.shape[0]
    return pl.kernel(
        functools.partial(_sc_aggregate_body, epad, n),
        out_type=jax.ShapeDtypeStruct((NCORES, n, F), jnp.float32),
        mesh=_sc_mesh(),
        scratch_types=[
            pltpu.VMEM_SHARED((n, F), jnp.float32),
            pltpu.VMEM((2, CH, F), jnp.float32),
            pltpu.VMEM((CH, F), jnp.float32),
            pltpu.VMEM((4, CH), jnp.int32),
        ] + [pltpu.SemaphoreType.DMA] * 10,
    )(e_arr, row_pad, col_pad, z)



def _z_body(x_ref, wt_ref, s_ref, z_ref):
    xw = jnp.dot(x_ref[...], wt_ref[...], preferred_element_type=jnp.float32)
    z_ref[...] = xw / (s_ref[0] + s_ref[1] + 1e-16)


def _compute_z(x, wlt, s_pair):
    n = x.shape[0]
    return pl.pallas_call(
        _z_body,
        grid=(n // TN,),
        in_specs=[
            pl.BlockSpec((TN, F), lambda i: (i, 0)),
            pl.BlockSpec((F, F), lambda i: (0, 0)),
            pl.BlockSpec((NCORES, TN, F), lambda i: (0, i, 0)),
        ],
        out_specs=pl.BlockSpec((TN, F), lambda i: (i, 0)),
        out_shape=jax.ShapeDtypeStruct((n, F), jnp.float32),
    )(x, wlt, s_pair)



def _final_body(o_ref, ep_ref, w1t_ref, w2t_ref, b2_ref, bias_ref, alpha_ref,
                out_ref):
    p = jnp.dot(ep_ref[...], w1t_ref[...], preferred_element_type=jnp.float32)
    p = _leaky(p, 0.2)
    p = jnp.dot(p, w2t_ref[...], preferred_element_type=jnp.float32) + b2_ref[...]
    p = _leaky(p, 0.01)
    out_ref[...] = o_ref[0] + o_ref[1] + bias_ref[...] + alpha_ref[...] * p


def _finalize(o_pair, e_poinc, ham_w1t, ham_w2t, b2, bias, alpha_b):
    n = e_poinc.shape[0]
    ncp = e_poinc.shape[1]
    return pl.pallas_call(
        _final_body,
        grid=(n // TN,),
        in_specs=[
            pl.BlockSpec((NCORES, TN, F), lambda i: (0, i, 0)),
            pl.BlockSpec((TN, ncp), lambda i: (i, 0)),
            pl.BlockSpec((ncp, F), lambda i: (0, 0)),
            pl.BlockSpec((F, F), lambda i: (0, 0)),
            pl.BlockSpec((1, F), lambda i: (0, 0)),
            pl.BlockSpec((1, F), lambda i: (0, 0)),
            pl.BlockSpec((1, F), lambda i: (0, 0)),
        ],
        out_specs=pl.BlockSpec((TN, F), lambda i: (i, 0)),
        out_shape=jax.ShapeDtypeStruct((n, F), jnp.float32),
    )(o_pair, e_poinc, ham_w1t, ham_w2t, b2, bias, alpha_b)



def kernel(x, k_ricci, e_poinc, alpha_hp, W_lin, hm_W1, hm_W2, hm_b2,
           ham_W1, ham_W2, ham_b2, bias, edge_index):
    n = x.shape[0]
    e = edge_index.shape[1]
    etot = e + n
    epad = -(-etot // (2 * CH * NW)) * (2 * CH * NW)

    loops = jnp.arange(n, dtype=edge_index.dtype)
    pad_idx = jnp.arange(epad - etot, dtype=edge_index.dtype) % n
    row_pad = jnp.concatenate([edge_index[0], loops, pad_idx])
    col_pad = jnp.concatenate([edge_index[1], loops, pad_idx])

    m8 = _colmax(k_ricci, hm_W1.T, hm_W2.T, hm_b2.reshape(1, F), etot, epad)
    e_arr = _compute_e(k_ricci, hm_W1.T, hm_W2.T, hm_b2.reshape(1, F),
                       m8[0:1], etot, epad)

    s_pair = _sc_segsum(e_arr, row_pad, n)
    z = _compute_z(x, W_lin.T, s_pair)
    o_pair = _sc_aggregate(e_arr, row_pad, col_pad, z, n)

    return _finalize(
        o_pair, e_poinc, ham_W1.T, ham_W2.T, ham_b2.reshape(1, F),
        bias.reshape(1, F),
        jnp.broadcast_to(jnp.reshape(alpha_hp, (1, 1)), (1, F)))

# --- scband reference (transcript-rebuilt; emitter-appended) ---
"""Pipeline reference for scband-net-27762668601980 (READ-ONLY COPY).

The authoritative reference and input builder live on the scoring server;
editing this copy changes nothing except your own understanding.
"""

import jax, jax.numpy as jnp
import numpy as np

N = 10000
E = 320000
F_IN = 128
F_OUT = 128
NC = 16
NCP = 16


def _leaky(x, s):
    return jnp.where(x >= 0, x, s * x)


def setup_inputs(seed: int = 0) -> dict:
    key = jax.random.key(seed)
    ks = jax.random.split(key, 12)
    x = jax.random.normal(ks[0], (N, F_IN), dtype=jnp.float32)
    edge_index = jax.random.randint(ks[1], (2, E), 0, N, dtype=jnp.int32)
    k_ricci = jax.random.normal(ks[2], (E + N, NC), dtype=jnp.float32)
    e_poinc = jax.random.normal(ks[3], (N, NCP), dtype=jnp.float32)
    alpha_hp = jnp.ones((), dtype=jnp.float32)
    W_lin = jax.random.normal(ks[4], (F_OUT, F_IN), dtype=jnp.float32) / np.sqrt(F_IN)
    hm_W1 = jax.random.normal(ks[5], (F_OUT, NC), dtype=jnp.float32) / np.sqrt(NC)
    hm_W2 = jax.random.normal(ks[6], (F_OUT, F_OUT), dtype=jnp.float32) / np.sqrt(F_OUT)
    hm_b2 = jnp.zeros((F_OUT,), dtype=jnp.float32)
    ham_W1 = jax.random.normal(ks[7], (F_OUT, NCP), dtype=jnp.float32) / np.sqrt(NCP)
    ham_W2 = jax.random.normal(ks[8], (F_OUT, F_OUT), dtype=jnp.float32) / np.sqrt(F_OUT)
    ham_b2 = jnp.zeros((F_OUT,), dtype=jnp.float32)
    bias = jnp.zeros((F_OUT,), dtype=jnp.float32)
    return {
        'x': x, 'k_ricci': k_ricci, 'e_poinc': e_poinc, 'alpha_hp': alpha_hp,
        'W_lin': W_lin, 'hm_W1': hm_W1, 'hm_W2': hm_W2, 'hm_b2': hm_b2,
        'ham_W1': ham_W1, 'ham_W2': ham_W2, 'ham_b2': ham_b2, 'bias': bias,
        'edge_index': edge_index,
    }


def reference(x, k_ricci, e_poinc, alpha_hp, W_lin, hm_W1, hm_W2, hm_b2,
              ham_W1, ham_W2, ham_b2, bias, edge_index):
    n = x.shape[0]
    loops = jnp.arange(n, dtype=edge_index.dtype)
    ei = jnp.concatenate([edge_index, jnp.stack([loops, loops], axis=0)], axis=1)
    row = ei[0]
    col = ei[1]
    # gcn_norm (source_to_target): computed as in the original forward, but its
    # normalized edge_weight is overwritten by hmpnn(k_ricci) downstream.
    ew0 = jnp.ones((ei.shape[1],), dtype=x.dtype)
    deg = jax.ops.segment_sum(ew0, col, num_segments=n)
    dis = jnp.where(deg > 0, 1.0 / jnp.sqrt(deg), 0.0)
    _norm = dis[row] * ew0 * dis[col]
    # x = self.lin(x)
    xw = x @ W_lin.T
    # edge_weight = self.hmpnn(self.k_ricci): Linear(no bias) -> LeakyReLU(0.2) -> Linear(bias)
    ew = _leaky(k_ricci @ hm_W1.T, 0.2) @ hm_W2.T + hm_b2
    # PyG softmax grouped by edge_index[0] (source node)
    m = jax.ops.segment_max(ew, row, num_segments=n)
    m = jnp.where(jnp.isfinite(m), m, 0.0)
    e = jnp.exp(ew - m[row])
    s = jax.ops.segment_sum(e, row, num_segments=n)
    attn = e / (s[row] + 1e-16)
    # propagate: message = edge_weight * x_j, aggr='add' at destination (col)
    out = jax.ops.segment_sum(attn * xw[row], col, num_segments=n)
    # p_weight = F.leaky_relu(self.ham(self.e_poinc))  (outer slope 0.01)
    p = _leaky(_leaky(e_poinc @ ham_W1.T, 0.2) @ ham_W2.T + ham_b2, 0.01)
    out = out + bias
    return out + alpha_hp * p

if __name__ == "__main__":
    import jax
    _d = setup_inputs()
    print(jax.jit(kernel)(*tuple(_d.values())))

</pallas_src>

<mosaic_0001>
#map = affine_map<(d0, d1) -> (0, 0)>
#map1 = affine_map<(d0, d1) -> (0)>
#map2 = affine_map<(d0, d1) -> (0, 0, 0)>
module attributes {stable_mosaic.version = 14 : i64} {
  func.func @_sc_segsum_body(%arg0: i32, %arg1: i32, %arg2: memref<335872x128xf32, #tpu.memory_space<hbm>>, %arg3: memref<335872xi32, #tpu.memory_space<hbm>>, %arg4: memref<2x10000x128xf32, #tpu.memory_space<hbm>>, %arg5: memref<10000x128xf32, #tpu.memory_space<vmem_shared>>, %arg6: memref<2x128x128xf32, #tpu.memory_space<vmem>>, %arg7: memref<2x128xi32, #tpu.memory_space<vmem>>, %arg8: memref<!tpu.dma_semaphore, #tpu.memory_space<semaphore_mem>>, %arg9: memref<!tpu.dma_semaphore, #tpu.memory_space<semaphore_mem>>, %arg10: memref<!tpu.dma_semaphore, #tpu.memory_space<semaphore_mem>>, %arg11: memref<!tpu.dma_semaphore, #tpu.memory_space<semaphore_mem>>, %arg12: memref<!tpu.dma_semaphore, #tpu.memory_space<semaphore_mem>>, %arg13: memref<!tpu.dma_semaphore, #tpu.memory_space<semaphore_mem>>) attributes {dimension_semantics = [#tpu.dimension_semantics<core_parallel>, #tpu.dimension_semantics<subcore_parallel>], iteration_bounds = array<i64: 2, 16>, scalar_prefetch = 0 : i64, scratch_operands = 9 : i64, tpu.core_type = #tpu.core_type<sc_vector_subcore>, window_params = [{transform_indices = #map}, {transform_indices = #map1}, {transform_indices = #map2}]} {
    %mul3A = arith.constant 2 : i32
    %mul3A_0 = arith.muli %arg1, %mul3A : i32
    %add3A = arith.addi %mul3A_0, %arg0 : i32
    %scan3A = arith.constant 0 : i32
    %scan3A_1 = arith.constant 0 : i32
    %scan3A_2 = arith.constant 0 : i32
    %scan3A_3 = arith.constant 128 : i32
    %scan3A_4 = arith.addi %scan3A_2, %scan3A_3 : i32
    %scan3A_5 = arith.constant 1 : i32
    scf.for %scan3A_132 = %scan3A_2 to %scan3A_4 step %scan3A_5  : i32 {
      %broadcast_in_dim3A = arith.constant 0.000000e+00 : f32
      %broadcast_in_dim3A_133 = vector.broadcast %broadcast_in_dim3A : f32 to vector<16xf32>
      %swap3A = arith.constant 0 : i32
      %swap3A_134 = arith.constant 0 : i32
      %swap3A_135 = tpu.memref_slice %arg6[%scan3A_1, %swap3A, %swap3A_134] : memref<2x128x128xf32, #tpu.memory_space<vmem>> -> memref<1x128x128xf32, #tpu.memory_space<vmem>>
      %swap3A_136 = tpu.memref_squeeze %swap3A_135 : memref<1x128x128xf32, #tpu.memory_space<vmem>> -> memref<128x128xf32, #tpu.memory_space<vmem>>
      %swap3A_137 = arith.index_cast %scan3A_132 : i32 to index
      %swap3A_138 = arith.constant 0 : index
      %swap3A_139 = tpu.vector_load %swap3A_136[%swap3A_137, %swap3A_138] {strides = array<i32>} : memref<128x128xf32, #tpu.memory_space<vmem>>, vector<1x16xf32>,
      %swap3A_140 = vector.shape_cast %swap3A_139 : vector<1x16xf32> to vector<16xf32>
      %swap3A_141 = vector.shape_cast %broadcast_in_dim3A_133 : vector<16xf32> to vector<1x16xf32>
      tpu.vector_store %swap3A_136[%swap3A_137, %swap3A_138], %swap3A_141 {strides = array<i32>} : memref<128x128xf32, #tpu.memory_space<vmem>>, vector<1x16xf32>,
      %broadcast_in_dim3A_142 = arith.constant 0.000000e+00 : f32
      %broadcast_in_dim3A_143 = vector.broadcast %broadcast_in_dim3A_142 : f32 to vector<16xf32>
      %swap3A_144 = arith.constant 0 : i32
      %swap3A_145 = arith.constant 0 : i32
      %swap3A_146 = tpu.memref_slice %arg6[%scan3A_1, %swap3A_144, %swap3A_145] : memref<2x128x128xf32, #tpu.memory_space<vmem>> -> memref<1x128x128xf32, #tpu.memory_space<vmem>>
      %swap3A_147 = tpu.memref_squeeze %swap3A_146 : memref<1x128x128xf32, #tpu.memory_space<vmem>> -> memref<128x128xf32, #tpu.memory_space<vmem>>
      %swap3A_148 = arith.index_cast %scan3A_132 : i32 to index
      %swap3A_149 = arith.constant 16 : index
      %swap3A_150 = tpu.vector_load %swap3A_147[%swap3A_148, %swap3A_149] {strides = array<i32>} : memref<128x128xf32, #tpu.memory_space<vmem>>, vector<1x16xf32>,
      %swap3A_151 = vector.shape_cast %swap3A_150 : vector<1x16xf32> to vector<16xf32>
      %swap3A_152 = vector.shape_cast %broadcast_in_dim3A_143 : vector<16xf32> to vector<1x16xf32>
      tpu.vector_store %swap3A_147[%swap3A_148, %swap3A_149], %swap3A_152 {strides = array<i32>} : memref<128x128xf32, #tpu.memory_space<vmem>>, vector<1x16xf32>,
      %broadcast_in_dim3A_153 = arith.constant 0.000000e+00 : f32
      %broadcast_in_dim3A_154 = vector.broadcast %broadcast_in_dim3A_153 : f32 to vector<16xf32>
      %swap3A_155 = arith.constant 0 : i32
      %swap3A_156 = arith.constant 0 : i32
      %swap3A_157 = tpu.memref_slice %arg6[%scan3A_1, %swap3A_155, %swap3A_156] : memref<2x128x128xf32, #tpu.memory_space<vmem>> -> memref<1x128x128xf32, #tpu.memory_space<vmem>>
      %swap3A_158 = tpu.memref_squeeze %swap3A_157 : memref<1x128x128xf32, #tpu.memory_space<vmem>> -> memref<128x128xf32, #tpu.memory_space<vmem>>
      %swap3A_159 = arith.index_cast %scan3A_132 : i32 to index
      %swap3A_160 = arith.constant 32 : index
      %swap3A_161 = tpu.vector_load %swap3A_158[%swap3A_159, %swap3A_160] {strides = array<i32>} : memref<128x128xf32, #tpu.memory_space<vmem>>, vector<1x16xf32>,
      %swap3A_162 = vector.shape_cast %swap3A_161 : vector<1x16xf32> to vector<16xf32>
      %swap3A_163 = vector.shape_cast %broadcast_in_dim3A_154 : vector<16xf32> to vector<1x16xf32>
      tpu.vector_store %swap3A_158[%swap3A_159, %swap3A_160], %swap3A_163 {strides = array<i32>} : memref<128x128xf32, #tpu.memory_space<vmem>>, vector<1x16xf32>,
      %broadcast_in_dim3A_164 = arith.constant 0.000000e+00 : f32
      %broadcast_in_dim3A_165 = vector.broadcast %broadcast_in_dim3A_164 : f32 to vector<16xf32>
      %swap3A_166 = arith.constant 0 : i32
      %swap3A_167 = arith.constant 0 : i32
      %swap3A_168 = tpu.memref_slice %arg6[%scan3A_1, %swap3A_166, %swap3A_167] : memref<2x128x128xf32, #tpu.memory_space<vmem>> -> memref<1x128x128xf32, #tpu.memory_space<vmem>>
      %swap3A_169 = tpu.memref_squeeze %swap3A_168 : memref<1x128x128xf32, #tpu.memory_space<vmem>> -> memref<128x128xf32, #tpu.memory_space<vmem>>
      %swap3A_170 = arith.index_cast %scan3A_132 : i32 to index
      %swap3A_171 = arith.constant 48 : index
      %swap3A_172 = tpu.vector_load %swap3A_169[%swap3A_170, %swap3A_171] {strides = array<i32>} : memref<128x128xf32, #tpu.memory_space<vmem>>, vector<1x16xf32>,
      %swap3A_173 = vector.shape_cast %swap3A_172 : vector<1x16xf32> to vector<16xf32>
      %swap3A_174 = vector.shape_cast %broadcast_in_dim3A_165 : vector<16xf32> to vector<1x16xf32>
      tpu.vector_store %swap3A_169[%swap3A_170, %swap3A_171], %swap3A_174 {strides = array<i32>} : memref<128x128xf32, #tpu.memory_space<vmem>>, vector<1x16xf32>,
      %broadcast_in_dim3A_175 = arith.constant 0.000000e+00 : f32
      %broadcast_in_dim3A_176 = vector.broadcast %broadcast_in_dim3A_175 : f32 to vector<16xf32>
      %swap3A_177 = arith.constant 0 : i32
      %swap3A_178 = arith.constant 0 : i32
      %swap3A_179 = tpu.memref_slice %arg6[%scan3A_1, %swap3A_177, %swap3A_178] : memref<2x128x128xf32, #tpu.memory_space<vmem>> -> memref<1x128x128xf32, #tpu.memory_space<vmem>>
      %swap3A_180 = tpu.memref_squeeze %swap3A_179 : memref<1x128x128xf32, #tpu.memory_space<vmem>> -> memref<128x128xf32, #tpu.memory_space<vmem>>
      %swap3A_181 = arith.index_cast %scan3A_132 : i32 to index
      %swap3A_182 = arith.constant 64 : index
      %swap3A_183 = tpu.vector_load %swap3A_180[%swap3A_181, %swap3A_182] {strides = array<i32>} : memref<128x128xf32, #tpu.memory_space<vmem>>, vector<1x16xf32>,
      %swap3A_184 = vector.shape_cast %swap3A_183 : vector<1x16xf32> to vector<16xf32>
      %swap3A_185 = vector.shape_cast %broadcast_in_dim3A_176 : vector<16xf32> to vector<1x16xf32>
      tpu.vector_store %swap3A_180[%swap3A_181, %swap3A_182], %swap3A_185 {strides = array<i32>} : memref<128x128xf32, #tpu.memory_space<vmem>>, vector<1x16xf32>,
      %broadcast_in_dim3A_186 = arith.constant 0.000000e+00 : f32
      %broadcast_in_dim3A_187 = vector.broadcast %broadcast_in_dim3A_186 : f32 to vector<16xf32>
      %swap3A_188 = arith.constant 0 : i32
      %swap3A_189 = arith.constant 0 : i32
      %swap3A_190 = tpu.memref_slice %arg6[%scan3A_1, %swap3A_188, %swap3A_189] : memref<2x128x128xf32, #tpu.memory_space<vmem>> -> memref<1x128x128xf32, #tpu.memory_space<vmem>>
      %swap3A_191 = tpu.memref_squeeze %swap3A_190 : memref<1x128x128xf32, #tpu.memory_space<vmem>> -> memref<128x128xf32, #tpu.memory_space<vmem>>
      %swap3A_192 = arith.index_cast %scan3A_132 : i32 to index
      %swap3A_193 = arith.constant 80 : index
      %swap3A_194 = tpu.vector_load %swap3A_191[%swap3A_192, %swap3A_193] {strides = array<i32>} : memref<128x128xf32, #tpu.memory_space<vmem>>, vector<1x16xf32>,
      %swap3A_195 = vector.shape_cast %swap3A_194 : vector<1x16xf32> to vector<16xf32>
      %swap3A_196 = vector.shape_cast %broadcast_in_dim3A_187 : vector<16xf32> to vector<1x16xf32>
      tpu.vector_store %swap3A_191[%swap3A_192, %swap3A_193], %swap3A_196 {strides = array<i32>} : memref<128x128xf32, #tpu.memory_space<vmem>>, vector<1x16xf32>,
      %broadcast_in_dim3A_197 = arith.constant 0.000000e+00 : f32
      %broadcast_in_dim3A_198 = vector.broadcast %broadcast_in_dim3A_197 : f32 to vector<16xf32>
      %swap3A_199 = arith.constant 0 : i32
      %swap3A_200 = arith.constant 0 : i32
      %swap3A_201 = tpu.memref_slice %arg6[%scan3A_1, %swap3A_199, %swap3A_200] : memref<2x128x128xf32, #tpu.memory_space<vmem>> -> memref<1x128x128xf32, #tpu.memory_space<vmem>>
      %swap3A_202 = tpu.memref_squeeze %swap3A_201 : memref<1x128x128xf32, #tpu.memory_space<vmem>> -> memref<128x128xf32, #tpu.memory_space<vmem>>
      %swap3A_203 = arith.index_cast %scan3A_132 : i32 to index
      %swap3A_204 = arith.constant 96 : index
      %swap3A_205 = tpu.vector_load %swap3A_202[%swap3A_203, %swap3A_204] {strides = array<i32>} : memref<128x128xf32, #tpu.memory_space<vmem>>, vector<1x16xf32>,
      %swap3A_206 = vector.shape_cast %swap3A_205 : vector<1x16xf32> to vector<16xf32>
      %swap3A_207 = vector.shape_cast %broadcast_in_dim3A_198 : vector<16xf32> to vector<1x16xf32>
      tpu.vector_store %swap3A_202[%swap3A_203, %swap3A_204], %swap3A_207 {strides = array<i32>} : memref<128x128xf32, #tpu.memory_space<vmem>>, vector<1x16xf32>,
      %broadcast_in_dim3A_208 = arith.constant 0.000000e+00 : f32
      %broadcast_in_dim3A_209 = vector.broadcast %broadcast_in_dim3A_208 : f32 to vector<16xf32>
      %swap3A_210 = arith.constant 0 : i32
      %swap3A_211 = arith.constant 0 : i32
      %swap3A_212 = tpu.memref_slice %arg6[%scan3A_1, %swap3A_210, %swap3A_211] : memref<2x128x128xf32, #tpu.memory_space<vmem>> -> memref<1x128x128xf32, #tpu.memory_space<vmem>>
      %swap3A_213 = tpu.memref_squeeze %swap3A_212 : memref<1x128x128xf32, #tpu.memory_space<vmem>> -> memref<128x128xf32, #tpu.memory_space<vmem>>
      %swap3A_214 = arith.index_cast %scan3A_132 : i32 to index
      %swap3A_215 = arith.constant 112 : index
      %swap3A_216 = tpu.vector_load %swap3A_213[%swap3A_214, %swap3A_215] {strides = array<i32>} : memref<128x128xf32, #tpu.memory_space<vmem>>, vector<1x16xf32>,
      %swap3A_217 = vector.shape_cast %swap3A_216 : vector<1x16xf32> to vector<16xf32>
      %swap3A_218 = vector.shape_cast %broadcast_in_dim3A_209 : vector<16xf32> to vector<1x16xf32>
      tpu.vector_store %swap3A_213[%swap3A_214, %swap3A_215], %swap3A_218 {strides = array<i32>} : memref<128x128xf32, #tpu.memory_space<vmem>>, vector<1x16xf32>,
    }
    %scan3A_6 = arith.constant 128 : i32
    %mul3A_7 = arith.constant 624 : i32
    %mul3A_8 = arith.muli %arg1, %mul3A_7 : i32
    %add3A_9 = arith.constant 0 : i32
    %add3A_10 = arith.addi %mul3A_8, %add3A_9 : i32
    %run_scoped3A = arith.constant 0 : i32
    "tpu.region"() ({
      %run_scoped3A_132 = tpu.sem_alloc : memref<!tpu.dma_semaphore, #tpu.memory_space<semaphore_mem>>
      %dma_start3A_133 = arith.constant 0 : i32
      %dma_start3A_134 = arith.constant 0 : i32
      %dma_start3A_135 = tpu.memref_slice %arg6[%run_scoped3A, %dma_start3A_133, %dma_start3A_134] : memref<2x128x128xf32, #tpu.memory_space<vmem>> -> memref<1x128x128xf32, #tpu.memory_space<vmem>>
      %dma_start3A_136 = tpu.memref_squeeze %dma_start3A_135 : memref<1x128x128xf32, #tpu.memory_space<vmem>> -> memref<128x128xf32, #tpu.memory_space<vmem>>
      %dma_start3A_137 = arith.constant 0 : i32
      %dma_start3A_138 = tpu.memref_slice %arg5[%add3A_10, %dma_start3A_137] : memref<10000x128xf32, #tpu.memory_space<vmem_shared>> -> memref<128x128xf32, #tpu.memory_space<vmem_shared>>
      %dma_start3A_139 = arith.constant 0 : i32
      %dma_start3A_140 = tpu.memref_slice %arg5[%add3A_10, %dma_start3A_139] : memref<10000x128xf32, #tpu.memory_space<vmem_shared>> -> memref<128x128xf32, #tpu.memory_space<vmem_shared>>
      %dma_start3A_141 = arith.constant 0 : i32
      %dma_start3A_142 = arith.constant 0 : i32
      %dma_start3A_143 = tpu.memref_slice %arg6[%run_scoped3A, %dma_start3A_141, %dma_start3A_142] : memref<2x128x128xf32, #tpu.memory_space<vmem>> -> memref<1x128x128xf32, #tpu.memory_space<vmem>>
      %dma_start3A_144 = tpu.memref_squeeze %dma_start3A_143 : memref<1x128x128xf32, #tpu.memory_space<vmem>> -> memref<128x128xf32, #tpu.memory_space<vmem>>
      tpu.enqueue_dma source(%dma_start3A_144 : memref<128x128xf32, #tpu.memory_space<vmem>>) target(%dma_start3A_140 : memref<128x128xf32, #tpu.memory_space<vmem_shared>>) target_semaphore(%run_scoped3A_132 : memref<!tpu.dma_semaphore, #tpu.memory_space<semaphore_mem>>)
      %dma_wait3A_145 = arith.constant 0 : i32
      %dma_wait3A_146 = arith.constant 0 : i32
      %dma_wait3A_147 = tpu.memref_slice %arg6[%run_scoped3A, %dma_wait3A_145, %dma_wait3A_146] : memref<2x128x128xf32, #tpu.memory_space<vmem>> -> memref<1x128x128xf32, #tpu.memory_space<vmem>>
      %dma_wait3A_148 = tpu.memref_squeeze %dma_wait3A_147 : memref<1x128x128xf32, #tpu.memory_space<vmem>> -> memref<128x128xf32, #tpu.memory_space<vmem>>
      %dma_wait3A_149 = arith.constant 0 : i32
      %dma_wait3A_150 = tpu.memref_slice %arg5[%add3A_10, %dma_wait3A_149] : memref<10000x128xf32, #tpu.memory_space<vmem_shared>> -> memref<128x128xf32, #tpu.memory_space<vmem_shared>>
      %dma_wait3A_151 = arith.constant 0 : i32
      %dma_wait3A_152 = tpu.memref_slice %arg5[%add3A_10, %dma_wait3A_151] : memref<10000x128xf32, #tpu.memory_space<vmem_shared>> -> memref<128x128xf32, #tpu.memory_space<vmem_shared>>
      %dma_wait3A_153 = arith.constant 0 : i32
      %dma_wait3A_154 = arith.constant 0 : i32
      %dma_wait3A_155 = tpu.memref_slice %arg6[%run_scoped3A, %dma_wait3A_153, %dma_wait3A_154] : memref<2x128x128xf32, #tpu.memory_space<vmem>> -> memref<1x128x128xf32, #tpu.memory_space<vmem>>
      %dma_wait3A_156 = tpu.memref_squeeze %dma_wait3A_155 : memref<1x128x128xf32, #tpu.memory_space<vmem>> -> memref<128x128xf32, #tpu.memory_space<vmem>>
      tpu.wait_dma2 semaphore(%run_scoped3A_132 : memref<!tpu.dma_semaphore, #tpu.memory_space<semaphore_mem>>) src(%dma_wait3A_156 : memref<128x128xf32, #tpu.memory_space<vmem>>) dst(%dma_wait3A_152 : memref<128x128xf32, #tpu.memory_space<vmem_shared>>)
      tpu.yield
    }) : () -> ()
    %add3A_11 = arith.constant 128 : i32
    %add3A_12 = arith.addi %mul3A_8, %add3A_11 : i32
    %run_scoped3A_13 = arith.constant 0 : i32
    "tpu.region"() ({
      %run_scoped3A_132 = tpu.sem_alloc : memref<!tpu.dma_semaphore, #tpu.memory_space<semaphore_mem>>
      %dma_start3A_133 = arith.constant 0 : i32
      %dma_start3A_134 = arith.constant 0 : i32
      %dma_start3A_135 = tpu.memref_slice %arg6[%run_scoped3A_13, %dma_start3A_133, %dma_start3A_134] : memref<2x128x128xf32, #tpu.memory_space<vmem>> -> memref<1x128x128xf32, #tpu.memory_space<vmem>>
      %dma_start3A_136 = tpu.memref_squeeze %dma_start3A_135 : memref<1x128x128xf32, #tpu.memory_space<vmem>> -> memref<128x128xf32, #tpu.memory_space<vmem>>
      %dma_start3A_137 = arith.constant 0 : i32
      %dma_start3A_138 = tpu.memref_slice %arg5[%add3A_12, %dma_start3A_137] : memref<10000x128xf32, #tpu.memory_space<vmem_shared>> -> memref<128x128xf32, #tpu.memory_space<vmem_shared>>
      %dma_start3A_139 = arith.constant 0 : i32
      %dma_start3A_140 = tpu.memref_slice %arg5[%add3A_12, %dma_start3A_139] : memref<10000x128xf32, #tpu.memory_space<vmem_shared>> -> memref<128x128xf32, #tpu.memory_space<vmem_shared>>
      %dma_start3A_141 = arith.constant 0 : i32
      %dma_start3A_142 = arith.constant 0 : i32
      %dma_start3A_143 = tpu.memref_slice %arg6[%run_scoped3A_13, %dma_start3A_141, %dma_start3A_142] : memref<2x128x128xf32, #tpu.memory_space<vmem>> -> memref<1x128x128xf32, #tpu.memory_space<vmem>>
      %dma_start3A_144 = tpu.memref_squeeze %dma_start3A_143 : memref<1x128x128xf32, #tpu.memory_space<vmem>> -> memref<128x128xf32, #tpu.memory_space<vmem>>
      tpu.enqueue_dma source(%dma_start3A_144 : memref<128x128xf32, #tpu.memory_space<vmem>>) target(%dma_start3A_140 : memref<128x128xf32, #tpu.memory_space<vmem_shared>>) target_semaphore(%run_scoped3A_132 : memref<!tpu.dma_semaphore, #tpu.memory_space<semaphore_mem>>)
      %dma_wait3A_145 = arith.constant 0 : i32
      %dma_wait3A_146 = arith.constant 0 : i32
      %dma_wait3A_147 = tpu.memref_slice %arg6[%run_scoped3A_13, %dma_wait3A_145, %dma_wait3A_146] : memref<2x128x128xf32, #tpu.memory_space<vmem>> -> memref<1x128x128xf32, #tpu.memory_space<vmem>>
      %dma_wait3A_148 = tpu.memref_squeeze %dma_wait3A_147 : memref<1x128x128xf32, #tpu.memory_space<vmem>> -> memref<128x128xf32, #tpu.memory_space<vmem>>
      %dma_wait3A_149 = arith.constant 0 : i32
      %dma_wait3A_150 = tpu.memref_slice %arg5[%add3A_12, %dma_wait3A_149] : memref<10000x128xf32, #tpu.memory_space<vmem_shared>> -> memref<128x128xf32, #tpu.memory_space<vmem_shared>>
      %dma_wait3A_151 = arith.constant 0 : i32
      %dma_wait3A_152 = tpu.memref_slice %arg5[%add3A_12, %dma_wait3A_151] : memref<10000x128xf32, #tpu.memory_space<vmem_shared>> -> memref<128x128xf32, #tpu.memory_space<vmem_shared>>
      %dma_wait3A_153 = arith.constant 0 : i32
      %dma_wait3A_154 = arith.constant 0 : i32
      %dma_wait3A_155 = tpu.memref_slice %arg6[%run_scoped3A_13, %dma_wait3A_153, %dma_wait3A_154] : memref<2x128x128xf32, #tpu.memory_space<vmem>> -> memref<1x128x128xf32, #tpu.memory_space<vmem>>
      %dma_wait3A_156 = tpu.memref_squeeze %dma_wait3A_155 : memref<1x128x128xf32, #tpu.memory_space<vmem>> -> memref<128x128xf32, #tpu.memory_space<vmem>>
      tpu.wait_dma2 semaphore(%run_scoped3A_132 : memref<!tpu.dma_semaphore, #tpu.memory_space<semaphore_mem>>) src(%dma_wait3A_156 : memref<128x128xf32, #tpu.memory_space<vmem>>) dst(%dma_wait3A_152 : memref<128x128xf32, #tpu.memory_space<vmem_shared>>)
      tpu.yield
    }) : () -> ()
    %add3A_14 = arith.constant 256 : i32
    %add3A_15 = arith.addi %mul3A_8, %add3A_14 : i32
    %run_scoped3A_16 = arith.constant 0 : i32
    "tpu.region"() ({
      %run_scoped3A_132 = tpu.sem_alloc : memref<!tpu.dma_semaphore, #tpu.memory_space<semaphore_mem>>
      %dma_start3A_133 = arith.constant 0 : i32
      %dma_start3A_134 = arith.constant 0 : i32
      %dma_start3A_135 = tpu.memref_slice %arg6[%run_scoped3A_16, %dma_start3A_133, %dma_start3A_134] : memref<2x128x128xf32, #tpu.memory_space<vmem>> -> memref<1x128x128xf32, #tpu.memory_space<vmem>>
      %dma_start3A_136 = tpu.memref_squeeze %dma_start3A_135 : memref<1x128x128xf32, #tpu.memory_space<vmem>> -> memref<128x128xf32, #tpu.memory_space<vmem>>
      %dma_start3A_137 = arith.constant 0 : i32
      %dma_start3A_138 = tpu.memref_slice %arg5[%add3A_15, %dma_start3A_137] : memref<10000x128xf32, #tpu.memory_space<vmem_shared>> -> memref<128x128xf32, #tpu.memory_space<vmem_shared>>
      %dma_start3A_139 = arith.constant 0 : i32
      %dma_start3A_140 = tpu.memref_slice %arg5[%add3A_15, %dma_start3A_139] : memref<10000x128xf32, #tpu.memory_space<vmem_shared>> -> memref<128x128xf32, #tpu.memory_space<vmem_shared>>
      %dma_start3A_141 = arith.constant 0 : i32
      %dma_start3A_142 = arith.constant 0 : i32
      %dma_start3A_143 = tpu.memref_slice %arg6[%run_scoped3A_16, %dma_start3A_141, %dma_start3A_142] : memref<2x128x128xf32, #tpu.memory_space<vmem>> -> memref<1x128x128xf32, #tpu.memory_space<vmem>>
      %dma_start3A_144 = tpu.memref_squeeze %dma_start3A_143 : memref<1x128x128xf32, #tpu.memory_space<vmem>> -> memref<128x128xf32, #tpu.memory_space<vmem>>
      tpu.enqueue_dma source(%dma_start3A_144 : memref<128x128xf32, #tpu.memory_space<vmem>>) target(%dma_start3A_140 : memref<128x128xf32, #tpu.memory_space<vmem_shared>>) target_semaphore(%run_scoped3A_132 : memref<!tpu.dma_semaphore, #tpu.memory_space<semaphore_mem>>)
      %dma_wait3A_145 = arith.constant 0 : i32
      %dma_wait3A_146 = arith.constant 0 : i32
      %dma_wait3A_147 = tpu.memref_slice %arg6[%run_scoped3A_16, %dma_wait3A_145, %dma_wait3A_146] : memref<2x128x128xf32, #tpu.memory_space<vmem>> -> memref<1x128x128xf32, #tpu.memory_space<vmem>>
      %dma_wait3A_148 = tpu.memref_squeeze %dma_wait3A_147 : memref<1x128x128xf32, #tpu.memory_space<vmem>> -> memref<128x128xf32, #tpu.memory_space<vmem>>
      %dma_wait3A_149 = arith.constant 0 : i32
      %dma_wait3A_150 = tpu.memref_slice %arg5[%add3A_15, %dma_wait3A_149] : memref<10000x128xf32, #tpu.memory_space<vmem_shared>> -> memref<128x128xf32, #tpu.memory_space<vmem_shared>>
      %dma_wait3A_151 = arith.constant 0 : i32
      %dma_wait3A_152 = tpu.memref_slice %arg5[%add3A_15, %dma_wait3A_151] : memref<10000x128xf32, #tpu.memory_space<vmem_shared>> -> memref<128x128xf32, #tpu.memory_space<vmem_shared>>
      %dma_wait3A_153 = arith.constant 0 : i32
      %dma_wait3A_154 = arith.constant 0 : i32
      %dma_wait3A_155 = tpu.memref_slice %arg6[%run_scoped3A_16, %dma_wait3A_153, %dma_wait3A_154] : memref<2x128x128xf32, #tpu.memory_space<vmem>> -> memref<1x128x128xf32, #tpu.memory_space<vmem>>
      %dma_wait3A_156 = tpu.memref_squeeze %dma_wait3A_155 : memref<1x128x128xf32, #tpu.memory_space<vmem>> -> memref<128x128xf32, #tpu.memory_space<vmem>>
      tpu.wait_dma2 semaphore(%run_scoped3A_132 : memref<!tpu.dma_semaphore, #tpu.memory_space<semaphore_mem>>) src(%dma_wait3A_156 : memref<128x128xf32, #tpu.memory_space<vmem>>) dst(%dma_wait3A_152 : memref<128x128xf32, #tpu.memory_space<vmem_shared>>)
      tpu.yield
    }) : () -> ()
    %add3A_17 = arith.constant 384 : i32
    %add3A_18 = arith.addi %mul3A_8, %add3A_17 : i32
    %run_scoped3A_19 = arith.constant 0 : i32
    "tpu.region"() ({
      %run_scoped3A_132 = tpu.sem_alloc : memref<!tpu.dma_semaphore, #tpu.memory_space<semaphore_mem>>
      %dma_start3A_133 = arith.constant 0 : i32
      %dma_start3A_134 = arith.constant 0 : i32
      %dma_start3A_135 = tpu.memref_slice %arg6[%run_scoped3A_19, %dma_start3A_133, %dma_start3A_134] : memref<2x128x128xf32, #tpu.memory_space<vmem>> -> memref<1x128x128xf32, #tpu.memory_space<vmem>>
      %dma_start3A_136 = tpu.memref_squeeze %dma_start3A_135 : memref<1x128x128xf32, #tpu.memory_space<vmem>> -> memref<128x128xf32, #tpu.memory_space<vmem>>
      %dma_start3A_137 = arith.constant 0 : i32
      %dma_start3A_138 = tpu.memref_slice %arg5[%add3A_18, %dma_start3A_137] : memref<10000x128xf32, #tpu.memory_space<vmem_shared>> -> memref<128x128xf32, #tpu.memory_space<vmem_shared>>
      %dma_start3A_139 = arith.constant 0 : i32
      %dma_start3A_140 = tpu.memref_slice %arg5[%add3A_18, %dma_start3A_139] : memref<10000x128xf32, #tpu.memory_space<vmem_shared>> -> memref<128x128xf32, #tpu.memory_space<vmem_shared>>
      %dma_start3A_141 = arith.constant 0 : i32
      %dma_start3A_142 = arith.constant 0 : i32
      %dma_start3A_143 = tpu.memref_slice %arg6[%run_scoped3A_19, %dma_start3A_141, %dma_start3A_142] : memref<2x128x128xf32, #tpu.memory_space<vmem>> -> memref<1x128x128xf32, #tpu.memory_space<vmem>>
      %dma_start3A_144 = tpu.memref_squeeze %dma_start3A_143 : memref<1x128x128xf32, #tpu.memory_space<vmem>> -> memref<128x128xf32, #tpu.memory_space<vmem>>
      tpu.enqueue_dma source(%dma_start3A_144 : memref<128x128xf32, #tpu.memory_space<vmem>>) target(%dma_start3A_140 : memref<128x128xf32, #tpu.memory_space<vmem_shared>>) target_semaphore(%run_scoped3A_132 : memref<!tpu.dma_semaphore, #tpu.memory_space<semaphore_mem>>)
      %dma_wait3A_145 = arith.constant 0 : i32
      %dma_wait3A_146 = arith.constant 0 : i32
      %dma_wait3A_147 = tpu.memref_slice %arg6[%run_scoped3A_19, %dma_wait3A_145, %dma_wait3A_146] : memref<2x128x128xf32, #tpu.memory_space<vmem>> -> memref<1x128x128xf32, #tpu.memory_space<vmem>>
      %dma_wait3A_148 = tpu.memref_squeeze %dma_wait3A_147 : memref<1x128x128xf32, #tpu.memory_space<vmem>> -> memref<128x128xf32, #tpu.memory_space<vmem>>
      %dma_wait3A_149 = arith.constant 0 : i32
      %dma_wait3A_150 = tpu.memref_slice %arg5[%add3A_18, %dma_wait3A_149] : memref<10000x128xf32, #tpu.memory_space<vmem_shared>> -> memref<128x128xf32, #tpu.memory_space<vmem_shared>>
      %dma_wait3A_151 = arith.constant 0 : i32
      %dma_wait3A_152 = tpu.memref_slice %arg5[%add3A_18, %dma_wait3A_151] : memref<10000x128xf32, #tpu.memory_space<vmem_shared>> -> memref<128x128xf32, #tpu.memory_space<vmem_shared>>
      %dma_wait3A_153 = arith.constant 0 : i32
      %dma_wait3A_154 = arith.constant 0 : i32
      %dma_wait3A_155 = tpu.memref_slice %arg6[%run_scoped3A_19, %dma_wait3A_153, %dma_wait3A_154] : memref<2x128x128xf32, #tpu.memory_space<vmem>> -> memref<1x128x128xf32, #tpu.memory_space<vmem>>
      %dma_wait3A_156 = tpu.memref_squeeze %dma_wait3A_155 : memref<1x128x128xf32, #tpu.memory_space<vmem>> -> memref<128x128xf32, #tpu.memory_space<vmem>>
      tpu.wait_dma2 semaphore(%run_scoped3A_132 : memref<!tpu.dma_semaphore, #tpu.memory_space<semaphore_mem>>) src(%dma_wait3A_156 : memref<128x128xf32, #tpu.memory_space<vmem>>) dst(%dma_wait3A_152 : memref<128x128xf32, #tpu.memory_space<vmem_shared>>)
      tpu.yield
    }) : () -> ()
    %add3A_20 = arith.constant 512 : i32
    %add3A_21 = arith.addi %mul3A_8, %add3A_20 : i32
    %run_scoped3A_22 = arith.constant 0 : i32
    "tpu.region"() ({
      %run_scoped3A_132 = tpu.sem_alloc : memref<!tpu.dma_semaphore, #tpu.memory_space<semaphore_mem>>
      %dma_start3A_133 = arith.constant 0 : i32
      %dma_start3A_134 = arith.constant 0 : i32
      %dma_start3A_135 = tpu.memref_slice %arg6[%run_scoped3A_22, %dma_start3A_133, %dma_start3A_134] : memref<2x128x128xf32, #tpu.memory_space<vmem>> -> memref<1x128x128xf32, #tpu.memory_space<vmem>>
      %dma_start3A_136 = tpu.memref_squeeze %dma_start3A_135 : memref<1x128x128xf32, #tpu.memory_space<vmem>> -> memref<128x128xf32, #tpu.memory_space<vmem>>
      %dma_start3A_137 = arith.constant 0 : i32
      %dma_start3A_138 = arith.constant 0 : i32
      %dma_start3A_139 = tpu.memref_slice %dma_start3A_136[%dma_start3A_137, %dma_start3A_138] : memref<128x128xf32, #tpu.memory_space<vmem>> -> memref<112x128xf32, #tpu.memory_space<vmem>>
      %dma_start3A_140 = arith.constant 0 : i32
      %dma_start3A_141 = tpu.memref_slice %arg5[%add3A_21, %dma_start3A_140] : memref<10000x128xf32, #tpu.memory_space<vmem_shared>> -> memref<112x128xf32, #tpu.memory_space<vmem_shared>>
      %dma_start3A_142 = arith.constant 0 : i32
      %dma_start3A_143 = tpu.memref_slice %arg5[%add3A_21, %dma_start3A_142] : memref<10000x128xf32, #tpu.memory_space<vmem_shared>> -> memref<112x128xf32, #tpu.memory_space<vmem_shared>>
      %dma_start3A_144 = arith.constant 0 : i32
      %dma_start3A_145 = arith.constant 0 : i32
      %dma_start3A_146 = tpu.memref_slice %arg6[%run_scoped3A_22, %dma_start3A_144, %dma_start3A_145] : memref<2x128x128xf32, #tpu.memory_space<vmem>> -> memref<1x128x128xf32, #tpu.memory_space<vmem>>
      %dma_start3A_147 = tpu.memref_squeeze %dma_start3A_146 : memref<1x128x128xf32, #tpu.memory_space<vmem>> -> memref<128x128xf32, #tpu.memory_space<vmem>>
      %dma_start3A_148 = arith.constant 0 : i32
      %dma_start3A_149 = arith.constant 0 : i32
      %dma_start3A_150 = tpu.memref_slice %dma_start3A_147[%dma_start3A_148, %dma_start3A_149] : memref<128x128xf32, #tpu.memory_space<vmem>> -> memref<112x128xf32, #tpu.memory_space<vmem>>
      tpu.enqueue_dma source(%dma_start3A_150 : memref<112x128xf32, #tpu.memory_space<vmem>>) target(%dma_start3A_143 : memref<112x128xf32, #tpu.memory_space<vmem_shared>>) target_semaphore(%run_scoped3A_132 : memref<!tpu.dma_semaphore, #tpu.memory_space<semaphore_mem>>)
      %dma_wait3A_151 = arith.constant 0 : i32
      %dma_wait3A_152 = arith.constant 0 : i32
      %dma_wait3A_153 = tpu.memref_slice %arg6[%run_scoped3A_22, %dma_wait3A_151, %dma_wait3A_152] : memref<2x128x128xf32, #tpu.memory_space<vmem>> -> memref<1x128x128xf32, #tpu.memory_space<vmem>>
      %dma_wait3A_154 = tpu.memref_squeeze %dma_wait3A_153 : memref<1x128x128xf32, #tpu.memory_space<vmem>> -> memref<128x128xf32, #tpu.memory_space<vmem>>
      %dma_wait3A_155 = arith.constant 0 : i32
      %dma_wait3A_156 = arith.constant 0 : i32
      %dma_wait3A_157 = tpu.memref_slice %dma_wait3A_154[%dma_wait3A_155, %dma_wait3A_156] : memref<128x128xf32, #tpu.memory_space<vmem>> -> memref<112x128xf32, #tpu.memory_space<vmem>>
      %dma_wait3A_158 = arith.constant 0 : i32
      %dma_wait3A_159 = tpu.memref_slice %arg5[%add3A_21, %dma_wait3A_158] : memref<10000x128xf32, #tpu.memory_space<vmem_shared>> -> memref<112x128xf32, #tpu.memory_space<vmem_shared>>
      %dma_wait3A_160 = arith.constant 0 : i32
      %dma_wait3A_161 = tpu.memref_slice %arg5[%add3A_21, %dma_wait3A_160] : memref<10000x128xf32, #tpu.memory_space<vmem_shared>> -> memref<112x128xf32, #tpu.memory_space<vmem_shared>>
      %dma_wait3A_162 = arith.constant 0 : i32
      %dma_wait3A_163 = arith.constant 0 : i32
      %dma_wait3A_164 = tpu.memref_slice %arg6[%run_scoped3A_22, %dma_wait3A_162, %dma_wait3A_163] : memref<2x128x128xf32, #tpu.memory_space<vmem>> -> memref<1x128x128xf32, #tpu.memory_space<vmem>>
      %dma_wait3A_165 = tpu.memref_squeeze %dma_wait3A_164 : memref<1x128x128xf32, #tpu.memory_space<vmem>> -> memref<128x128xf32, #tpu.memory_space<vmem>>
      %dma_wait3A_166 = arith.constant 0 : i32
      %dma_wait3A_167 = arith.constant 0 : i32
      %dma_wait3A_168 = tpu.memref_slice %dma_wait3A_165[%dma_wait3A_166, %dma_wait3A_167] : memref<128x128xf32, #tpu.memory_space<vmem>> -> memref<112x128xf32, #tpu.memory_space<vmem>>
      tpu.wait_dma2 semaphore(%run_scoped3A_132 : memref<!tpu.dma_semaphore, #tpu.memory_space<semaphore_mem>>) src(%dma_wait3A_168 : memref<112x128xf32, #tpu.memory_space<vmem>>) dst(%dma_wait3A_161 : memref<112x128xf32, #tpu.memory_space<vmem_shared>>)
      tpu.yield
    }) : () -> ()
    %eq3A = arith.constant 0 : i32
    %eq3A_23 = arith.cmpi eq, %arg1, %eq3A : i32
    %convert_element_type3A = arith.extui %eq3A_23 : i1 to i32
    %cond3A = arith.constant 0 : i32
    %cond3A_24 = arith.constant 0 : i32
    %cond3A_25 = arith.cmpi ne, %convert_element_type3A, %cond3A_24 : i32
    scf.if %cond3A_25 {
      "tpu.region"() ({
        %run_scoped3A_132 = tpu.sem_alloc : memref<!tpu.dma_semaphore, #tpu.memory_space<semaphore_mem>>
        %dma_start3A_133 = arith.constant 0 : i32
        %dma_start3A_134 = arith.constant 0 : i32
        %dma_start3A_135 = tpu.memref_slice %arg6[%cond3A, %dma_start3A_133, %dma_start3A_134] : memref<2x128x128xf32, #tpu.memory_space<vmem>> -> memref<1x128x128xf32, #tpu.memory_space<vmem>>
        %dma_start3A_136 = tpu.memref_squeeze %dma_start3A_135 : memref<1x128x128xf32, #tpu.memory_space<vmem>> -> memref<128x128xf32, #tpu.memory_space<vmem>>
        %dma_start3A_137 = arith.constant 0 : i32
        %dma_start3A_138 = arith.constant 0 : i32
        %dma_start3A_139 = tpu.memref_slice %dma_start3A_136[%dma_start3A_137, %dma_start3A_138] : memref<128x128xf32, #tpu.memory_space<vmem>> -> memref<16x128xf32, #tpu.memory_space<vmem>>
        %dma_start3A_140 = arith.constant 9984 : i32
        %dma_start3A_141 = arith.constant 0 : i32
        %dma_start3A_142 = tpu.memref_slice %arg5[%dma_start3A_140, %dma_start3A_141] : memref<10000x128xf32, #tpu.memory_space<vmem_shared>> -> memref<16x128xf32, #tpu.memory_space<vmem_shared>>
        %dma_start3A_143 = arith.constant 9984 : i32
        %dma_start3A_144 = arith.constant 0 : i32
        %dma_start3A_145 = tpu.memref_slice %arg5[%dma_start3A_143, %dma_start3A_144] : memref<10000x128xf32, #tpu.memory_space<vmem_shared>> -> memref<16x128xf32, #tpu.memory_space<vmem_shared>>
        %dma_start3A_146 = arith.constant 0 : i32
        %dma_start3A_147 = arith.constant 0 : i32
        %dma_start3A_148 = tpu.memref_slice %arg6[%cond3A, %dma_start3A_146, %dma_start3A_147] : memref<2x128x128xf32, #tpu.memory_space<vmem>> -> memref<1x128x128xf32, #tpu.memory_space<vmem>>
        %dma_start3A_149 = tpu.memref_squeeze %dma_start3A_148 : memref<1x128x128xf32, #tpu.memory_space<vmem>> -> memref<128x128xf32, #tpu.memory_space<vmem>>
        %dma_start3A_150 = arith.constant 0 : i32
        %dma_start3A_151 = arith.constant 0 : i32
        %dma_start3A_152 = tpu.memref_slice %dma_start3A_149[%dma_start3A_150, %dma_start3A_151] : memref<128x128xf32, #tpu.memory_space<vmem>> -> memref<16x128xf32, #tpu.memory_space<vmem>>
        tpu.enqueue_dma source(%dma_start3A_152 : memref<16x128xf32, #tpu.memory_space<vmem>>) target(%dma_start3A_145 : memref<16x128xf32, #tpu.memory_space<vmem_shared>>) target_semaphore(%run_scoped3A_132 : memref<!tpu.dma_semaphore, #tpu.memory_space<semaphore_mem>>)
        %dma_wait3A_153 = arith.constant 0 : i32
        %dma_wait3A_154 = arith.constant 0 : i32
        %dma_wait3A_155 = tpu.memref_slice %arg6[%cond3A, %dma_wait3A_153, %dma_wait3A_154] : memref<2x128x128xf32, #tpu.memory_space<vmem>> -> memref<1x128x128xf32, #tpu.memory_space<vmem>>
        %dma_wait3A_156 = tpu.memref_squeeze %dma_wait3A_155 : memref<1x128x128xf32, #tpu.memory_space<vmem>> -> memref<128x128xf32, #tpu.memory_space<vmem>>
        %dma_wait3A_157 = arith.constant 0 : i32
        %dma_wait3A_158 = arith.constant 0 : i32
        %dma_wait3A_159 = tpu.memref_slice %dma_wait3A_156[%dma_wait3A_157, %dma_wait3A_158] : memref<128x128xf32, #tpu.memory_space<vmem>> -> memref<16x128xf32, #tpu.memory_space<vmem>>
        %dma_wait3A_160 = arith.constant 9984 : i32
        %dma_wait3A_161 = arith.constant 0 : i32
        %dma_wait3A_162 = tpu.memref_slice %arg5[%dma_wait3A_160, %dma_wait3A_161] : memref<10000x128xf32, #tpu.memory_space<vmem_shared>> -> memref<16x128xf32, #tpu.memory_space<vmem_shared>>
        %dma_wait3A_163 = arith.constant 9984 : i32
        %dma_wait3A_164 = arith.constant 0 : i32
        %dma_wait3A_165 = tpu.memref_slice %arg5[%dma_wait3A_163, %dma_wait3A_164] : memref<10000x128xf32, #tpu.memory_space<vmem_shared>> -> memref<16x128xf32, #tpu.memory_space<vmem_shared>>
        %dma_wait3A_166 = arith.constant 0 : i32
        %dma_wait3A_167 = arith.constant 0 : i32
        %dma_wait3A_168 = tpu.memref_slice %arg6[%cond3A, %dma_wait3A_166, %dma_wait3A_167] : memref<2x128x128xf32, #tpu.memory_space<vmem>> -> memref<1x128x128xf32, #tpu.memory_space<vmem>>
        %dma_wait3A_169 = tpu.memref_squeeze %dma_wait3A_168 : memref<1x128x128xf32, #tpu.memory_space<vmem>> -> memref<128x128xf32, #tpu.memory_space<vmem>>
        %dma_wait3A_170 = arith.constant 0 : i32
        %dma_wait3A_171 = arith.constant 0 : i32
        %dma_wait3A_172 = tpu.memref_slice %dma_wait3A_169[%dma_wait3A_170, %dma_wait3A_171] : memref<128x128xf32, #tpu.memory_space<vmem>> -> memref<16x128xf32, #tpu.memory_space<vmem>>
        tpu.wait_dma2 semaphore(%run_scoped3A_132 : memref<!tpu.dma_semaphore, #tpu.memory_space<semaphore_mem>>) src(%dma_wait3A_172 : memref<16x128xf32, #tpu.memory_space<vmem>>) dst(%dma_wait3A_165 : memref<16x128xf32, #tpu.memory_space<vmem_shared>>)
        tpu.yield
      }) : () -> ()
    } else {
    }
    %barrier3A = arith.constant 0 : index
    tpu.barrier barrier_id(%barrier3A)
    %mul3A_26 = arith.constant 82 : i32
    %mul3A_27 = arith.muli %add3A, %mul3A_26 : i32
    %add3A_28 = arith.constant 0 : i32
    %add3A_29 = arith.addi %mul3A_27, %add3A_28 : i32
    %mul3A_30 = arith.constant 128 : i32
    %mul3A_31 = arith.muli %add3A_29, %mul3A_30 : i32
    %dma_start3A = arith.constant 0 : i32
    %dma_start3A_32 = arith.constant 0 : i32
    %dma_start3A_33 = arith.constant 0 : i32
    %dma_start3A_34 = tpu.memref_slice %arg6[%dma_start3A, %dma_start3A_32, %dma_start3A_33] : memref<2x128x128xf32, #tpu.memory_space<vmem>> -> memref<1x128x128xf32, #tpu.memory_space<vmem>>
    %dma_start3A_35 = tpu.memref_squeeze %dma_start3A_34 : memref<1x128x128xf32, #tpu.memory_space<vmem>> -> memref<128x128xf32, #tpu.memory_space<vmem>>
    %dma_start3A_36 = arith.constant 0 : i32
    %dma_start3A_37 = tpu.memref_slice %arg2[%mul3A_31, %dma_start3A_36] : memref<335872x128xf32, #tpu.memory_space<hbm>> -> memref<128x128xf32, #tpu.memory_space<hbm>>
    %dma_start3A_38 = arith.constant 0 : i32
    %dma_start3A_39 = arith.constant 0 : i32
    %dma_start3A_40 = tpu.memref_slice %arg6[%dma_start3A, %dma_start3A_38, %dma_start3A_39] : memref<2x128x128xf32, #tpu.memory_space<vmem>> -> memref<1x128x128xf32, #tpu.memory_space<vmem>>
    %dma_start3A_41 = tpu.memref_squeeze %dma_start3A_40 : memref<1x128x128xf32, #tpu.memory_space<vmem>> -> memref<128x128xf32, #tpu.memory_space<vmem>>
    %dma_start3A_42 = arith.constant 0 : i32
    %dma_start3A_43 = tpu.memref_slice %arg2[%mul3A_31, %dma_start3A_42] : memref<335872x128xf32, #tpu.memory_space<hbm>> -> memref<128x128xf32, #tpu.memory_space<hbm>>
    tpu.enqueue_dma source(%dma_start3A_43 : memref<128x128xf32, #tpu.memory_space<hbm>>) target(%dma_start3A_41 : memref<128x128xf32, #tpu.memory_space<vmem>>) target_semaphore(%arg8 : memref<!tpu.dma_semaphore, #tpu.memory_space<semaphore_mem>>)
    %mul3A_44 = arith.constant 82 : i32
    %mul3A_45 = arith.muli %add3A, %mul3A_44 : i32
    %add3A_46 = arith.constant 0 : i32
    %add3A_47 = arith.addi %mul3A_45, %add3A_46 : i32
    %mul3A_48 = arith.constant 128 : i32
    %mul3A_49 = arith.muli %add3A_47, %mul3A_48 : i32
    %dma_start3A_50 = arith.constant 0 : i32
    %dma_start3A_51 = arith.constant 0 : i32
    %dma_start3A_52 = tpu.memref_slice %arg7[%dma_start3A_50, %dma_start3A_51] : memref<2x128xi32, #tpu.memory_space<vmem>> -> memref<1x128xi32, #tpu.memory_space<vmem>>
    %dma_start3A_53 = tpu.memref_squeeze %dma_start3A_52 : memref<1x128xi32, #tpu.memory_space<vmem>> -> memref<128xi32, #tpu.memory_space<vmem>>
    %dma_start3A_54 = tpu.memref_slice %arg3[%mul3A_49] : memref<335872xi32, #tpu.memory_space<hbm>> -> memref<128xi32, #tpu.memory_space<hbm>>
    %dma_start3A_55 = arith.constant 0 : i32
    %dma_start3A_56 = tpu.memref_slice %arg7[%dma_start3A_50, %dma_start3A_55] : memref<2x128xi32, #tpu.memory_space<vmem>> -> memref<1x128xi32, #tpu.memory_space<vmem>>
    %dma_start3A_57 = tpu.memref_squeeze %dma_start3A_56 : memref<1x128xi32, #tpu.memory_space<vmem>> -> memref<128xi32, #tpu.memory_space<vmem>>
    %dma_start3A_58 = tpu.memref_slice %arg3[%mul3A_49] : memref<335872xi32, #tpu.memory_space<hbm>> -> memref<128xi32, #tpu.memory_space<hbm>>
    tpu.enqueue_dma source(%dma_start3A_58 : memref<128xi32, #tpu.memory_space<hbm>>) target(%dma_start3A_57 : memref<128xi32, #tpu.memory_space<vmem>>) target_semaphore(%arg10 : memref<!tpu.dma_semaphore, #tpu.memory_space<semaphore_mem>>)
    %mul3A_59 = arith.constant 82 : i32
    %mul3A_60 = arith.muli %add3A, %mul3A_59 : i32
    %add3A_61 = arith.constant 1 : i32
    %add3A_62 = arith.addi %mul3A_60, %add3A_61 : i32
    %mul3A_63 = arith.constant 128 : i32
    %mul3A_64 = arith.muli %add3A_62, %mul3A_63 : i32
    %dma_start3A_65 = arith.constant 1 : i32
    %dma_start3A_66 = arith.constant 0 : i32
    %dma_start3A_67 = arith.constant 0 : i32
    %dma_start3A_68 = tpu.memref_slice %arg6[%dma_start3A_65, %dma_start3A_66, %dma_start3A_67] : memref<2x128x128xf32, #tpu.memory_space<vmem>> -> memref<1x128x128xf32, #tpu.memory_space<vmem>>
    %dma_start3A_69 = tpu.memref_squeeze %dma_start3A_68 : memref<1x128x128xf32, #tpu.memory_space<vmem>> -> memref<128x128xf32, #tpu.memory_space<vmem>>
    %dma_start3A_70 = arith.constant 0 : i32
    %dma_start3A_71 = tpu.memref_slice %arg2[%mul3A_64, %dma_start3A_70] : memref<335872x128xf32, #tpu.memory_space<hbm>> -> memref<128x128xf32, #tpu.memory_space<hbm>>
    %dma_start3A_72 = arith.constant 0 : i32
    %dma_start3A_73 = arith.constant 0 : i32
    %dma_start3A_74 = tpu.memref_slice %arg6[%dma_start3A_65, %dma_start3A_72, %dma_start3A_73] : memref<2x128x128xf32, #tpu.memory_space<vmem>> -> memref<1x128x128xf32, #tpu.memory_space<vmem>>
    %dma_start3A_75 = tpu.memref_squeeze %dma_start3A_74 : memref<1x128x128xf32, #tpu.memory_space<vmem>> -> memref<128x128xf32, #tpu.memory_space<vmem>>
    %dma_start3A_76 = arith.constant 0 : i32
    %dma_start3A_77 = tpu.memref_slice %arg2[%mul3A_64, %dma_start3A_76] : memref<335872x128xf32, #tpu.memory_space<hbm>> -> memref<128x128xf32, #tpu.memory_space<hbm>>
    tpu.enqueue_dma source(%dma_start3A_77 : memref<128x128xf32, #tpu.memory_space<hbm>>) target(%dma_start3A_75 : memref<128x128xf32, #tpu.memory_space<vmem>>) target_semaphore(%arg9 : memref<!tpu.dma_semaphore, #tpu.memory_space<semaphore_mem>>)
    %mul3A_78 = arith.constant 82 : i32
    %mul3A_79 = arith.muli %add3A, %mul3A_78 : i32
    %add3A_80 = arith.constant 1 : i32
    %add3A_81 = arith.addi %mul3A_79, %add3A_80 : i32
    %mul3A_82 = arith.constant 128 : i32
    %mul3A_83 = arith.muli %add3A_81, %mul3A_82 : i32
    %dma_start3A_84 = arith.constant 1 : i32
    %dma_start3A_85 = arith.constant 0 : i32
    %dma_start3A_86 = tpu.memref_slice %arg7[%dma_start3A_84, %dma_start3A_85] : memref<2x128xi32, #tpu.memory_space<vmem>> -> memref<1x128xi32, #tpu.memory_space<vmem>>
    %dma_start3A_87 = tpu.memref_squeeze %dma_start3A_86 : memref<1x128xi32, #tpu.memory_space<vmem>> -> memref<128xi32, #tpu.memory_space<vmem>>
    %dma_start3A_88 = tpu.memref_slice %arg3[%mul3A_83] : memref<335872xi32, #tpu.memory_space<hbm>> -> memref<128xi32, #tpu.memory_space<hbm>>
    %dma_start3A_89 = arith.constant 0 : i32
    %dma_start3A_90 = tpu.memref_slice %arg7[%dma_start3A_84, %dma_start3A_89] : memref<2x128xi32, #tpu.memory_space<vmem>> -> memref<1x128xi32, #tpu.memory_space<vmem>>
    %dma_start3A_91 = tpu.memref_squeeze %dma_start3A_90 : memref<1x128xi32, #tpu.memory_space<vmem>> -> memref<128xi32, #tpu.memory_space<vmem>>
    %dma_start3A_92 = tpu.memref_slice %arg3[%mul3A_83] : memref<335872xi32, #tpu.memory_space<hbm>> -> memref<128xi32, #tpu.memory_space<hbm>>
    tpu.enqueue_dma source(%dma_start3A_92 : memref<128xi32, #tpu.memory_space<hbm>>) target(%dma_start3A_91 : memref<128xi32, #tpu.memory_space<vmem>>) target_semaphore(%arg11 : memref<!tpu.dma_semaphore, #tpu.memory_space<semaphore_mem>>)
    %scan3A_93 = arith.constant 0 : i32
    %scan3A_94 = arith.constant 0 : i32
    %scan3A_95 = arith.constant 41 : i32
    %scan3A_96 = arith.addi %scan3A_94, %scan3A_95 : i32
    %scan3A_97 = arith.constant 1 : i32
    scf.for %scan3A_132 = %scan3A_94 to %scan3A_96 step %scan3A_97  : i32 {
      %mul3A_133 = arith.constant 2 : i32
      %mul3A_134 = arith.muli %mul3A_133, %scan3A_132 : i32
      %mul3A_135 = arith.constant 82 : i32
      %mul3A_136 = arith.muli %add3A, %mul3A_135 : i32
      %add3A_137 = arith.addi %mul3A_136, %mul3A_134 : i32
      %mul3A_138 = arith.constant 128 : i32
      %mul3A_139 = arith.muli %add3A_137, %mul3A_138 : i32
      %dma_wait3A_140 = arith.constant 0 : i32
      %dma_wait3A_141 = arith.constant 0 : i32
      %dma_wait3A_142 = arith.constant 0 : i32
      %dma_wait3A_143 = tpu.memref_slice %arg6[%dma_wait3A_140, %dma_wait3A_141, %dma_wait3A_142] : memref<2x128x128xf32, #tpu.memory_space<vmem>> -> memref<1x128x128xf32, #tpu.memory_space<vmem>>
      %dma_wait3A_144 = tpu.memref_squeeze %dma_wait3A_143 : memref<1x128x128xf32, #tpu.memory_space<vmem>> -> memref<128x128xf32, #tpu.memory_space<vmem>>
      %dma_wait3A_145 = arith.constant 0 : i32
      %dma_wait3A_146 = tpu.memref_slice %arg2[%mul3A_139, %dma_wait3A_145] : memref<335872x128xf32, #tpu.memory_space<hbm>> -> memref<128x128xf32, #tpu.memory_space<hbm>>
      %dma_wait3A_147 = arith.constant 0 : i32
      %dma_wait3A_148 = arith.constant 0 : i32
      %dma_wait3A_149 = tpu.memref_slice %arg6[%dma_wait3A_140, %dma_wait3A_147, %dma_wait3A_148] : memref<2x128x128xf32, #tpu.memory_space<vmem>> -> memref<1x128x128xf32, #tpu.memory_space<vmem>>
      %dma_wait3A_150 = tpu.memref_squeeze %dma_wait3A_149 : memref<1x128x128xf32, #tpu.memory_space<vmem>> -> memref<128x128xf32, #tpu.memory_space<vmem>>
      %dma_wait3A_151 = arith.constant 0 : i32
      %dma_wait3A_152 = tpu.memref_slice %arg2[%mul3A_139, %dma_wait3A_151] : memref<335872x128xf32, #tpu.memory_space<hbm>> -> memref<128x128xf32, #tpu.memory_space<hbm>>
      tpu.wait_dma2 semaphore(%arg8 : memref<!tpu.dma_semaphore, #tpu.memory_space<semaphore_mem>>) src(%dma_wait3A_152 : memref<128x128xf32, #tpu.memory_space<hbm>>) dst(%dma_wait3A_150 : memref<128x128xf32, #tpu.memory_space<vmem>>)
      %mul3A_153 = arith.constant 82 : i32
      %mul3A_154 = arith.muli %add3A, %mul3A_153 : i32
      %add3A_155 = arith.addi %mul3A_154, %mul3A_134 : i32
      %mul3A_156 = arith.constant 128 : i32
      %mul3A_157 = arith.muli %add3A_155, %mul3A_156 : i32
      %dma_wait3A_158 = arith.constant 0 : i32
      %dma_wait3A_159 = arith.constant 0 : i32
      %dma_wait3A_160 = tpu.memref_slice %arg7[%dma_wait3A_158, %dma_wait3A_159] : memref<2x128xi32, #tpu.memory_space<vmem>> -> memref<1x128xi32, #tpu.memory_space<vmem>>
      %dma_wait3A_161 = tpu.memref_squeeze %dma_wait3A_160 : memref<1x128xi32, #tpu.memory_space<vmem>> -> memref<128xi32, #tpu.memory_space<vmem>>
      %dma_wait3A_162 = tpu.memref_slice %arg3[%mul3A_157] : memref<335872xi32, #tpu.memory_space<hbm>> -> memref<128xi32, #tpu.memory_space<hbm>>
      %dma_wait3A_163 = arith.constant 0 : i32
      %dma_wait3A_164 = tpu.memref_slice %arg7[%dma_wait3A_158, %dma_wait3A_163] : memref<2x128xi32, #tpu.memory_space<vmem>> -> memref<1x128xi32, #tpu.memory_space<vmem>>
      %dma_wait3A_165 = tpu.memref_squeeze %dma_wait3A_164 : memref<1x128xi32, #tpu.memory_space<vmem>> -> memref<128xi32, #tpu.memory_space<vmem>>
      %dma_wait3A_166 = tpu.memref_slice %arg3[%mul3A_157] : memref<335872xi32, #tpu.memory_space<hbm>> -> memref<128xi32, #tpu.memory_space<hbm>>
      tpu.wait_dma2 semaphore(%arg10 : memref<!tpu.dma_semaphore, #tpu.memory_space<semaphore_mem>>) src(%dma_wait3A_166 : memref<128xi32, #tpu.memory_space<hbm>>) dst(%dma_wait3A_165 : memref<128xi32, #tpu.memory_space<vmem>>)
      %dma_start3A_167 = arith.constant 0 : i32
      %dma_start3A_168 = arith.constant 0 : i32
      %dma_start3A_169 = arith.constant 0 : i32
      %dma_start3A_170 = arith.constant 0 : i32
      %dma_start3A_171 = tpu.memref_slice %arg6[%dma_start3A_167, %dma_start3A_169, %dma_start3A_170] : memref<2x128x128xf32, #tpu.memory_space<vmem>> -> memref<1x128x128xf32, #tpu.memory_space<vmem>>
      %dma_start3A_172 = tpu.memref_squeeze %dma_start3A_171 : memref<1x128x128xf32, #tpu.memory_space<vmem>> -> memref<128x128xf32, #tpu.memory_space<vmem>>
      %dma_start3A_173 = arith.constant 0 : i32
      %dma_start3A_174 = tpu.memref_slice %arg7[%dma_start3A_168, %dma_start3A_173] : memref<2x128xi32, #tpu.memory_space<vmem>> -> memref<1x128xi32, #tpu.memory_space<vmem>>
      %dma_start3A_175 = tpu.memref_squeeze %dma_start3A_174 : memref<1x128xi32, #tpu.memory_space<vmem>> -> memref<128xi32, #tpu.memory_space<vmem>>
      %dma_start3A_176 = arith.constant 0 : i32
      %dma_start3A_177 = arith.constant 0 : i32
      %dma_start3A_178 = tpu.memref_slice %arg5[%dma_start3A_176, %dma_start3A_177] : memref<10000x128xf32, #tpu.memory_space<vmem_shared>> -> memref<10000x128xf32, #tpu.memory_space<vmem_shared>>
      tpu.enqueue_indirect_dma source(%dma_start3A_172 : memref<128x128xf32, #tpu.memory_space<vmem>>) target(%dma_start3A_178 : memref<10000x128xf32, #tpu.memory_space<vmem_shared>>) offsets(%dma_start3A_175 : memref<128xi32, #tpu.memory_space<vmem>>) semaphore(%arg12 : memref<!tpu.dma_semaphore, #tpu.memory_space<semaphore_mem>>) {add = true}
      %add3A_179 = arith.constant 1 : i32
      %add3A_180 = arith.addi %mul3A_134, %add3A_179 : i32
      %mul3A_181 = arith.constant 82 : i32
      %mul3A_182 = arith.muli %add3A, %mul3A_181 : i32
      %add3A_183 = arith.addi %mul3A_182, %add3A_180 : i32
      %mul3A_184 = arith.constant 128 : i32
      %mul3A_185 = arith.muli %add3A_183, %mul3A_184 : i32
      %dma_wait3A_186 = arith.constant 1 : i32
      %dma_wait3A_187 = arith.constant 0 : i32
      %dma_wait3A_188 = arith.constant 0 : i32
      %dma_wait3A_189 = tpu.memref_slice %arg6[%dma_wait3A_186, %dma_wait3A_187, %dma_wait3A_188] : memref<2x128x128xf32, #tpu.memory_space<vmem>> -> memref<1x128x128xf32, #tpu.memory_space<vmem>>
      %dma_wait3A_190 = tpu.memref_squeeze %dma_wait3A_189 : memref<1x128x128xf32, #tpu.memory_space<vmem>> -> memref<128x128xf32, #tpu.memory_space<vmem>>
      %dma_wait3A_191 = arith.constant 0 : i32
      %dma_wait3A_192 = tpu.memref_slice %arg2[%mul3A_185, %dma_wait3A_191] : memref<335872x128xf32, #tpu.memory_space<hbm>> -> memref<128x128xf32, #tpu.memory_space<hbm>>
      %dma_wait3A_193 = arith.constant 0 : i32
      %dma_wait3A_194 = arith.constant 0 : i32
      %dma_wait3A_195 = tpu.memref_slice %arg6[%dma_wait3A_186, %dma_wait3A_193, %dma_wait3A_194] : memref<2x128x128xf32, #tpu.memory_space<vmem>> -> memref<1x128x128xf32, #tpu.memory_space<vmem>>
      %dma_wait3A_196 = tpu.memref_squeeze %dma_wait3A_195 : memref<1x128x128xf32, #tpu.memory_space<vmem>> -> memref<128x128xf32, #tpu.memory_space<vmem>>
      %dma_wait3A_197 = arith.constant 0 : i32
      %dma_wait3A_198 = tpu.memref_slice %arg2[%mul3A_185, %dma_wait3A_197] : memref<335872x128xf32, #tpu.memory_space<hbm>> -> memref<128x128xf32, #tpu.memory_space<hbm>>
      tpu.wait_dma2 semaphore(%arg9 : memref<!tpu.dma_semaphore, #tpu.memory_space<semaphore_mem>>) src(%dma_wait3A_198 : memref<128x128xf32, #tpu.memory_space<hbm>>) dst(%dma_wait3A_196 : memref<128x128xf32, #tpu.memory_space<vmem>>)
      %mul3A_199 = arith.constant 82 : i32
      %mul3A_200 = arith.muli %add3A, %mul3A_199 : i32
      %add3A_201 = arith.addi %mul3A_200, %add3A_180 : i32
      %mul3A_202 = arith.constant 128 : i32
      %mul3A_203 = arith.muli %add3A_201, %mul3A_202 : i32
      %dma_wait3A_204 = arith.constant 1 : i32
      %dma_wait3A_205 = arith.constant 0 : i32
      %dma_wait3A_206 = tpu.memref_slice %arg7[%dma_wait3A_204, %dma_wait3A_205] : memref<2x128xi32, #tpu.memory_space<vmem>> -> memref<1x128xi32, #tpu.memory_space<vmem>>
      %dma_wait3A_207 = tpu.memref_squeeze %dma_wait3A_206 : memref<1x128xi32, #tpu.memory_space<vmem>> -> memref<128xi32, #tpu.memory_space<vmem>>
      %dma_wait3A_208 = tpu.memref_slice %arg3[%mul3A_203] : memref<335872xi32, #tpu.memory_space<hbm>> -> memref<128xi32, #tpu.memory_space<hbm>>
      %dma_wait3A_209 = arith.constant 0 : i32
      %dma_wait3A_210 = tpu.memref_slice %arg7[%dma_wait3A_204, %dma_wait3A_209] : memref<2x128xi32, #tpu.memory_space<vmem>> -> memref<1x128xi32, #tpu.memory_space<vmem>>
      %dma_wait3A_211 = tpu.memref_squeeze %dma_wait3A_210 : memref<1x128xi32, #tpu.memory_space<vmem>> -> memref<128xi32, #tpu.memory_space<vmem>>
      %dma_wait3A_212 = tpu.memref_slice %arg3[%mul3A_203] : memref<335872xi32, #tpu.memory_space<hbm>> -> memref<128xi32, #tpu.memory_space<hbm>>
      tpu.wait_dma2 semaphore(%arg11 : memref<!tpu.dma_semaphore, #tpu.memory_space<semaphore_mem>>) src(%dma_wait3A_212 : memref<128xi32, #tpu.memory_space<hbm>>) dst(%dma_wait3A_211 : memref<128xi32, #tpu.memory_space<vmem>>)
      %dma_start3A_213 = arith.constant 1 : i32
      %dma_start3A_214 = arith.constant 1 : i32
      %dma_start3A_215 = arith.constant 0 : i32
      %dma_start3A_216 = arith.constant 0 : i32
      %dma_start3A_217 = tpu.memref_slice %arg6[%dma_start3A_213, %dma_start3A_215, %dma_start3A_216] : memref<2x128x128xf32, #tpu.memory_space<vmem>> -> memref<1x128x128xf32, #tpu.memory_space<vmem>>
      %dma_start3A_218 = tpu.memref_squeeze %dma_start3A_217 : memref<1x128x128xf32, #tpu.memory_space<vmem>> -> memref<128x128xf32, #tpu.memory_space<vmem>>
      %dma_start3A_219 = arith.constant 0 : i32
      %dma_start3A_220 = tpu.memref_slice %arg7[%dma_start3A_214, %dma_start3A_219] : memref<2x128xi32, #tpu.memory_space<vmem>> -> memref<1x128xi32, #tpu.memory_space<vmem>>
      %dma_start3A_221 = tpu.memref_squeeze %dma_start3A_220 : memref<1x128xi32, #tpu.memory_space<vmem>> -> memref<128xi32, #tpu.memory_space<vmem>>
      %dma_start3A_222 = arith.constant 0 : i32
      %dma_start3A_223 = arith.constant 0 : i32
      %dma_start3A_224 = tpu.memref_slice %arg5[%dma_start3A_222, %dma_start3A_223] : memref<10000x128xf32, #tpu.memory_space<vmem_shared>> -> memref<10000x128xf32, #tpu.memory_space<vmem_shared>>
      tpu.enqueue_indirect_dma source(%dma_start3A_218 : memref<128x128xf32, #tpu.memory_space<vmem>>) target(%dma_start3A_224 : memref<10000x128xf32, #tpu.memory_space<vmem_shared>>) offsets(%dma_start3A_221 : memref<128xi32, #tpu.memory_space<vmem>>) semaphore(%arg13 : memref<!tpu.dma_semaphore, #tpu.memory_space<semaphore_mem>>) {add = true}
      %lt3A = arith.constant 40 : i32
      %lt3A_225 = arith.cmpi slt, %scan3A_132, %lt3A : i32
      %convert_element_type3A_226 = arith.extui %lt3A_225 : i1 to i32
      %cond3A_227 = arith.constant 0 : i32
      %cond3A_228 = arith.cmpi ne, %convert_element_type3A_226, %cond3A_227 : i32
      scf.if %cond3A_228 {
        %dma_wait3A_229 = arith.constant 0 : i32
        %dma_wait3A_230 = arith.constant 0 : i32
        %dma_wait3A_231 = arith.constant 0 : i32
        %dma_wait3A_232 = arith.constant 0 : i32
        %dma_wait3A_233 = tpu.memref_slice %arg6[%dma_wait3A_229, %dma_wait3A_231, %dma_wait3A_232] : memref<2x128x128xf32, #tpu.memory_space<vmem>> -> memref<1x128x128xf32, #tpu.memory_space<vmem>>
        %dma_wait3A_234 = tpu.memref_squeeze %dma_wait3A_233 : memref<1x128x128xf32, #tpu.memory_space<vmem>> -> memref<128x128xf32, #tpu.memory_space<vmem>>
        %dma_wait3A_235 = arith.constant 0 : i32
        %dma_wait3A_236 = tpu.memref_slice %arg7[%dma_wait3A_230, %dma_wait3A_235] : memref<2x128xi32, #tpu.memory_space<vmem>> -> memref<1x128xi32, #tpu.memory_space<vmem>>
        %dma_wait3A_237 = tpu.memref_squeeze %dma_wait3A_236 : memref<1x128xi32, #tpu.memory_space<vmem>> -> memref<128xi32, #tpu.memory_space<vmem>>
        %dma_wait3A_238 = arith.constant 0 : i32
        %dma_wait3A_239 = arith.constant 0 : i32
        %dma_wait3A_240 = tpu.memref_slice %arg5[%dma_wait3A_238, %dma_wait3A_239] : memref<10000x128xf32, #tpu.memory_space<vmem_shared>> -> memref<10000x128xf32, #tpu.memory_space<vmem_shared>>
        tpu.wait_indirect_dma semaphore(%arg12 : memref<!tpu.dma_semaphore, #tpu.memory_space<semaphore_mem>>) src(%dma_wait3A_234 : memref<128x128xf32, #tpu.memory_space<vmem>>) dst(%dma_wait3A_240 : memref<10000x128xf32, #tpu.memory_space<vmem_shared>>)
        %add3A_241 = arith.constant 2 : i32
        %add3A_242 = arith.addi %mul3A_134, %add3A_241 : i32
        %mul3A_243 = arith.constant 82 : i32
        %mul3A_244 = arith.muli %add3A, %mul3A_243 : i32
        %add3A_245 = arith.addi %mul3A_244, %add3A_242 : i32
        %mul3A_246 = arith.constant 128 : i32
        %mul3A_247 = arith.muli %add3A_245, %mul3A_246 : i32
        %dma_start3A_248 = arith.constant 0 : i32
        %dma_start3A_249 = arith.constant 0 : i32
        %dma_start3A_250 = arith.constant 0 : i32
        %dma_start3A_251 = tpu.memref_slice %arg6[%dma_start3A_248, %dma_start3A_249, %dma_start3A_250] : memref<2x128x128xf32, #tpu.memory_space<vmem>> -> memref<1x128x128xf32, #tpu.memory_space<vmem>>
        %dma_start3A_252 = tpu.memref_squeeze %dma_start3A_251 : memref<1x128x128xf32, #tpu.memory_space<vmem>> -> memref<128x128xf32, #tpu.memory_space<vmem>>
        %dma_start3A_253 = arith.constant 0 : i32
        %dma_start3A_254 = tpu.memref_slice %arg2[%mul3A_247, %dma_start3A_253] : memref<335872x128xf32, #tpu.memory_space<hbm>> -> memref<128x128xf32, #tpu.memory_space<hbm>>
        %dma_start3A_255 = arith.constant 0 : i32
        %dma_start3A_256 = arith.constant 0 : i32
        %dma_start3A_257 = tpu.memref_slice %arg6[%dma_start3A_248, %dma_start3A_255, %dma_start3A_256] : memref<2x128x128xf32, #tpu.memory_space<vmem>> -> memref<1x128x128xf32, #tpu.memory_space<vmem>>
        %dma_start3A_258 = tpu.memref_squeeze %dma_start3A_257 : memref<1x128x128xf32, #tpu.memory_space<vmem>> -> memref<128x128xf32, #tpu.memory_space<vmem>>
        %dma_start3A_259 = arith.constant 0 : i32
        %dma_start3A_260 = tpu.memref_slice %arg2[%mul3A_247, %dma_start3A_259] : memref<335872x128xf32, #tpu.memory_space<hbm>> -> memref<128x128xf32, #tpu.memory_space<hbm>>
        tpu.enqueue_dma source(%dma_start3A_260 : memref<128x128xf32, #tpu.memory_space<hbm>>) target(%dma_start3A_258 : memref<128x128xf32, #tpu.memory_space<vmem>>) target_semaphore(%arg8 : memref<!tpu.dma_semaphore, #tpu.memory_space<semaphore_mem>>)
        %mul3A_261 = arith.constant 82 : i32
        %mul3A_262 = arith.muli %add3A, %mul3A_261 : i32
        %add3A_263 = arith.addi %mul3A_262, %add3A_242 : i32
        %mul3A_264 = arith.constant 128 : i32
        %mul3A_265 = arith.muli %add3A_263, %mul3A_264 : i32
        %dma_start3A_266 = arith.constant 0 : i32
        %dma_start3A_267 = arith.constant 0 : i32
        %dma_start3A_268 = tpu.memref_slice %arg7[%dma_start3A_266, %dma_start3A_267] : memref<2x128xi32, #tpu.memory_space<vmem>> -> memref<1x128xi32, #tpu.memory_space<vmem>>
        %dma_start3A_269 = tpu.memref_squeeze %dma_start3A_268 : memref<1x128xi32, #tpu.memory_space<vmem>> -> memref<128xi32, #tpu.memory_space<vmem>>
        %dma_start3A_270 = tpu.memref_slice %arg3[%mul3A_265] : memref<335872xi32, #tpu.memory_space<hbm>> -> memref<128xi32, #tpu.memory_space<hbm>>
        %dma_start3A_271 = arith.constant 0 : i32
        %dma_start3A_272 = tpu.memref_slice %arg7[%dma_start3A_266, %dma_start3A_271] : memref<2x128xi32, #tpu.memory_space<vmem>> -> memref<1x128xi32, #tpu.memory_space<vmem>>
        %dma_start3A_273 = tpu.memref_squeeze %dma_start3A_272 : memref<1x128xi32, #tpu.memory_space<vmem>> -> memref<128xi32, #tpu.memory_space<vmem>>
        %dma_start3A_274 = tpu.memref_slice %arg3[%mul3A_265] : memref<335872xi32, #tpu.memory_space<hbm>> -> memref<128xi32, #tpu.memory_space<hbm>>
        tpu.enqueue_dma source(%dma_start3A_274 : memref<128xi32, #tpu.memory_space<hbm>>) target(%dma_start3A_273 : memref<128xi32, #tpu.memory_space<vmem>>) target_semaphore(%arg10 : memref<!tpu.dma_semaphore, #tpu.memory_space<semaphore_mem>>)
        %dma_wait3A_275 = arith.constant 1 : i32
        %dma_wait3A_276 = arith.constant 1 : i32
        %dma_wait3A_277 = arith.constant 0 : i32
        %dma_wait3A_278 = arith.constant 0 : i32
        %dma_wait3A_279 = tpu.memref_slice %arg6[%dma_wait3A_275, %dma_wait3A_277, %dma_wait3A_278] : memref<2x128x128xf32, #tpu.memory_space<vmem>> -> memref<1x128x128xf32, #tpu.memory_space<vmem>>
        %dma_wait3A_280 = tpu.memref_squeeze %dma_wait3A_279 : memref<1x128x128xf32, #tpu.memory_space<vmem>> -> memref<128x128xf32, #tpu.memory_space<vmem>>
        %dma_wait3A_281 = arith.constant 0 : i32
        %dma_wait3A_282 = tpu.memref_slice %arg7[%dma_wait3A_276, %dma_wait3A_281] : memref<2x128xi32, #tpu.memory_space<vmem>> -> memref<1x128xi32, #tpu.memory_space<vmem>>
        %dma_wait3A_283 = tpu.memref_squeeze %dma_wait3A_282 : memref<1x128xi32, #tpu.memory_space<vmem>> -> memref<128xi32, #tpu.memory_space<vmem>>
        %dma_wait3A_284 = arith.constant 0 : i32
        %dma_wait3A_285 = arith.constant 0 : i32
        %dma_wait3A_286 = tpu.memref_slice %arg5[%dma_wait3A_284, %dma_wait3A_285] : memref<10000x128xf32, #tpu.memory_space<vmem_shared>> -> memref<10000x128xf32, #tpu.memory_space<vmem_shared>>
        tpu.wait_indirect_dma semaphore(%arg13 : memref<!tpu.dma_semaphore, #tpu.memory_space<semaphore_mem>>) src(%dma_wait3A_280 : memref<128x128xf32, #tpu.memory_space<vmem>>) dst(%dma_wait3A_286 : memref<10000x128xf32, #tpu.memory_space<vmem_shared>>)
        %add3A_287 = arith.constant 3 : i32
        %add3A_288 = arith.addi %mul3A_134, %add3A_287 : i32
        %mul3A_289 = arith.constant 82 : i32
        %mul3A_290 = arith.muli %add3A, %mul3A_289 : i32
        %add3A_291 = arith.addi %mul3A_290, %add3A_288 : i32
        %mul3A_292 = arith.constant 128 : i32
        %mul3A_293 = arith.muli %add3A_291, %mul3A_292 : i32
        %dma_start3A_294 = arith.constant 1 : i32
        %dma_start3A_295 = arith.constant 0 : i32
        %dma_start3A_296 = arith.constant 0 : i32
        %dma_start3A_297 = tpu.memref_slice %arg6[%dma_start3A_294, %dma_start3A_295, %dma_start3A_296] : memref<2x128x128xf32, #tpu.memory_space<vmem>> -> memref<1x128x128xf32, #tpu.memory_space<vmem>>
        %dma_start3A_298 = tpu.memref_squeeze %dma_start3A_297 : memref<1x128x128xf32, #tpu.memory_space<vmem>> -> memref<128x128xf32, #tpu.memory_space<vmem>>
        %dma_start3A_299 = arith.constant 0 : i32
        %dma_start3A_300 = tpu.memref_slice %arg2[%mul3A_293, %dma_start3A_299] : memref<335872x128xf32, #tpu.memory_space<hbm>> -> memref<128x128xf32, #tpu.memory_space<hbm>>
        %dma_start3A_301 = arith.constant 0 : i32
        %dma_start3A_302 = arith.constant 0 : i32
        %dma_start3A_303 = tpu.memref_slice %arg6[%dma_start3A_294, %dma_start3A_301, %dma_start3A_302] : memref<2x128x128xf32, #tpu.memory_space<vmem>> -> memref<1x128x128xf32, #tpu.memory_space<vmem>>
        %dma_start3A_304 = tpu.memref_squeeze %dma_start3A_303 : memref<1x128x128xf32, #tpu.memory_space<vmem>> -> memref<128x128xf32, #tpu.memory_space<vmem>>
        %dma_start3A_305 = arith.constant 0 : i32
        %dma_start3A_306 = tpu.memref_slice %arg2[%mul3A_293, %dma_start3A_305] : memref<335872x128xf32, #tpu.memory_space<hbm>> -> memref<128x128xf32, #tpu.memory_space<hbm>>
        tpu.enqueue_dma source(%dma_start3A_306 : memref<128x128xf32, #tpu.memory_space<hbm>>) target(%dma_start3A_304 : memref<128x128xf32, #tpu.memory_space<vmem>>) target_semaphore(%arg9 : memref<!tpu.dma_semaphore, #tpu.memory_space<semaphore_mem>>)
        %mul3A_307 = arith.constant 82 : i32
        %mul3A_308 = arith.muli %add3A, %mul3A_307 : i32
        %add3A_309 = arith.addi %mul3A_308, %add3A_288 : i32
        %mul3A_310 = arith.constant 128 : i32
        %mul3A_311 = arith.muli %add3A_309, %mul3A_310 : i32
        %dma_start3A_312 = arith.constant 1 : i32
        %dma_start3A_313 = arith.constant 0 : i32
        %dma_start3A_314 = tpu.memref_slice %arg7[%dma_start3A_312, %dma_start3A_313] : memref<2x128xi32, #tpu.memory_space<vmem>> -> memref<1x128xi32, #tpu.memory_space<vmem>>
        %dma_start3A_315 = tpu.memref_squeeze %dma_start3A_314 : memref<1x128xi32, #tpu.memory_space<vmem>> -> memref<128xi32, #tpu.memory_space<vmem>>
        %dma_start3A_316 = tpu.memref_slice %arg3[%mul3A_311] : memref<335872xi32, #tpu.memory_space<hbm>> -> memref<128xi32, #tpu.memory_space<hbm>>
        %dma_start3A_317 = arith.constant 0 : i32
        %dma_start3A_318 = tpu.memref_slice %arg7[%dma_start3A_312, %dma_start3A_317] : memref<2x128xi32, #tpu.memory_space<vmem>> -> memref<1x128xi32, #tpu.memory_space<vmem>>
        %dma_start3A_319 = tpu.memref_squeeze %dma_start3A_318 : memref<1x128xi32, #tpu.memory_space<vmem>> -> memref<128xi32, #tpu.memory_space<vmem>>
        %dma_start3A_320 = tpu.memref_slice %arg3[%mul3A_311] : memref<335872xi32, #tpu.memory_space<hbm>> -> memref<128xi32, #tpu.memory_space<hbm>>
        tpu.enqueue_dma source(%dma_start3A_320 : memref<128xi32, #tpu.memory_space<hbm>>) target(%dma_start3A_319 : memref<128xi32, #tpu.memory_space<vmem>>) target_semaphore(%arg11 : memref<!tpu.dma_semaphore, #tpu.memory_space<semaphore_mem>>)
      } else {
      }
    }
    %scan3A_98 = arith.constant 41 : i32
    %dma_wait3A = arith.constant 0 : i32
    %dma_wait3A_99 = arith.constant 0 : i32
    %dma_wait3A_100 = arith.constant 0 : i32
    %dma_wait3A_101 = arith.constant 0 : i32
    %dma_wait3A_102 = tpu.memref_slice %arg6[%dma_wait3A, %dma_wait3A_100, %dma_wait3A_101] : memref<2x128x128xf32, #tpu.memory_space<vmem>> -> memref<1x128x128xf32, #tpu.memory_space<vmem>>
    %dma_wait3A_103 = tpu.memref_squeeze %dma_wait3A_102 : memref<1x128x128xf32, #tpu.memory_space<vmem>> -> memref<128x128xf32, #tpu.memory_space<vmem>>
    %dma_wait3A_104 = arith.constant 0 : i32
    %dma_wait3A_105 = tpu.memref_slice %arg7[%dma_wait3A_99, %dma_wait3A_104] : memref<2x128xi32, #tpu.memory_space<vmem>> -> memref<1x128xi32, #tpu.memory_space<vmem>>
    %dma_wait3A_106 = tpu.memref_squeeze %dma_wait3A_105 : memref<1x128xi32, #tpu.memory_space<vmem>> -> memref<128xi32, #tpu.memory_space<vmem>>
    %dma_wait3A_107 = arith.constant 0 : i32
    %dma_wait3A_108 = arith.constant 0 : i32
    %dma_wait3A_109 = tpu.memref_slice %arg5[%dma_wait3A_107, %dma_wait3A_108] : memref<10000x128xf32, #tpu.memory_space<vmem_shared>> -> memref<10000x128xf32, #tpu.memory_space<vmem_shared>>
    tpu.wait_indirect_dma semaphore(%arg12 : memref<!tpu.dma_semaphore, #tpu.memory_space<semaphore_mem>>) src(%dma_wait3A_103 : memref<128x128xf32, #tpu.memory_space<vmem>>) dst(%dma_wait3A_109 : memref<10000x128xf32, #tpu.memory_space<vmem_shared>>)
    %dma_wait3A_110 = arith.constant 1 : i32
    %dma_wait3A_111 = arith.constant 1 : i32
    %dma_wait3A_112 = arith.constant 0 : i32
    %dma_wait3A_113 = arith.constant 0 : i32
    %dma_wait3A_114 = tpu.memref_slice %arg6[%dma_wait3A_110, %dma_wait3A_112, %dma_wait3A_113] : memref<2x128x128xf32, #tpu.memory_space<vmem>> -> memref<1x128x128xf32, #tpu.memory_space<vmem>>
    %dma_wait3A_115 = tpu.memref_squeeze %dma_wait3A_114 : memref<1x128x128xf32, #tpu.memory_space<vmem>> -> memref<128x128xf32, #tpu.memory_space<vmem>>
    %dma_wait3A_116 = arith.constant 0 : i32
    %dma_wait3A_117 = tpu.memref_slice %arg7[%dma_wait3A_111, %dma_wait3A_116] : memref<2x128xi32, #tpu.memory_space<vmem>> -> memref<1x128xi32, #tpu.memory_space<vmem>>
    %dma_wait3A_118 = tpu.memref_squeeze %dma_wait3A_117 : memref<1x128xi32, #tpu.memory_space<vmem>> -> memref<128xi32, #tpu.memory_space<vmem>>
    %dma_wait3A_119 = arith.constant 0 : i32
    %dma_wait3A_120 = arith.constant 0 : i32
    %dma_wait3A_121 = tpu.memref_slice %arg5[%dma_wait3A_119, %dma_wait3A_120] : memref<10000x128xf32, #tpu.memory_space<vmem_shared>> -> memref<10000x128xf32, #tpu.memory_space<vmem_shared>>
    tpu.wait_indirect_dma semaphore(%arg13 : memref<!tpu.dma_semaphore, #tpu.memory_space<semaphore_mem>>) src(%dma_wait3A_115 : memref<128x128xf32, #tpu.memory_space<vmem>>) dst(%dma_wait3A_121 : memref<10000x128xf32, #tpu.memory_space<vmem_shared>>)
    %barrier3A_122 = arith.constant 0 : index
    tpu.barrier barrier_id(%barrier3A_122)
    %mul3A_123 = arith.constant 624 : i32
    %mul3A_124 = arith.muli %arg1, %mul3A_123 : i32
    %mul3A_125 = arith.constant 624 : i32
    %mul3A_126 = arith.muli %arg1, %mul3A_125 : i32
    "tpu.region"() ({
      %run_scoped3A_132 = tpu.sem_alloc : memref<!tpu.dma_semaphore, #tpu.memory_space<semaphore_mem>>
      %dma_start3A_133 = arith.constant 0 : i32
      %dma_start3A_134 = tpu.memref_slice %arg4[%arg0, %mul3A_126, %dma_start3A_133] : memref<2x10000x128xf32, #tpu.memory_space<hbm>> -> memref<1x624x128xf32, #tpu.memory_space<hbm>>
      %dma_start3A_135 = tpu.memref_squeeze %dma_start3A_134 : memref<1x624x128xf32, #tpu.memory_space<hbm>> -> memref<624x128xf32, #tpu.memory_space<hbm>>
      %dma_start3A_136 = arith.constant 0 : i32
      %dma_start3A_137 = tpu.memref_slice %arg5[%mul3A_124, %dma_start3A_136] : memref<10000x128xf32, #tpu.memory_space<vmem_shared>> -> memref<624x128xf32, #tpu.memory_space<vmem_shared>>
      tpu.enqueue_dma source(%dma_start3A_137 : memref<624x128xf32, #tpu.memory_space<vmem_shared>>) target(%dma_start3A_135 : memref<624x128xf32, #tpu.memory_space<hbm>>) target_semaphore(%run_scoped3A_132 : memref<!tpu.dma_semaphore, #tpu.memory_space<semaphore_mem>>)
      %dma_wait3A_138 = arith.constant 0 : i32
      %dma_wait3A_139 = tpu.memref_slice %arg4[%arg0, %mul3A_126, %dma_wait3A_138] : memref<2x10000x128xf32, #tpu.memory_space<hbm>> -> memref<1x624x128xf32, #tpu.memory_space<hbm>>
      %dma_wait3A_140 = tpu.memref_squeeze %dma_wait3A_139 : memref<1x624x128xf32, #tpu.memory_space<hbm>> -> memref<624x128xf32, #tpu.memory_space<hbm>>
      %dma_wait3A_141 = arith.constant 0 : i32
      %dma_wait3A_142 = tpu.memref_slice %arg5[%mul3A_124, %dma_wait3A_141] : memref<10000x128xf32, #tpu.memory_space<vmem_shared>> -> memref<624x128xf32, #tpu.memory_space<vmem_shared>>
      tpu.wait_dma2 semaphore(%run_scoped3A_132 : memref<!tpu.dma_semaphore, #tpu.memory_space<semaphore_mem>>) src(%dma_wait3A_142 : memref<624x128xf32, #tpu.memory_space<vmem_shared>>) dst(%dma_wait3A_140 : memref<624x128xf32, #tpu.memory_space<hbm>>)
      tpu.yield
    }) : () -> ()
    %eq3A_127 = arith.constant 0 : i32
    %eq3A_128 = arith.cmpi eq, %arg1, %eq3A_127 : i32
    %convert_element_type3A_129 = arith.extui %eq3A_128 : i1 to i32
    %cond3A_130 = arith.constant 0 : i32
    %cond3A_131 = arith.cmpi ne, %convert_element_type3A_129, %cond3A_130 : i32
    scf.if %cond3A_131 {
      "tpu.region"() ({
        %run_scoped3A_132 = tpu.sem_alloc : memref<!tpu.dma_semaphore, #tpu.memory_space<semaphore_mem>>
        %dma_start3A_133 = arith.constant 9984 : i32
        %dma_start3A_134 = arith.constant 0 : i32
        %dma_start3A_135 = tpu.memref_slice %arg4[%arg0, %dma_start3A_133, %dma_start3A_134] : memref<2x10000x128xf32, #tpu.memory_space<hbm>> -> memref<1x16x128xf32, #tpu.memory_space<hbm>>
        %dma_start3A_136 = tpu.memref_squeeze %dma_start3A_135 : memref<1x16x128xf32, #tpu.memory_space<hbm>> -> memref<16x128xf32, #tpu.memory_space<hbm>>
        %dma_start3A_137 = arith.constant 9984 : i32
        %dma_start3A_138 = arith.constant 0 : i32
        %dma_start3A_139 = tpu.memref_slice %arg5[%dma_start3A_137, %dma_start3A_138] : memref<10000x128xf32, #tpu.memory_space<vmem_shared>> -> memref<16x128xf32, #tpu.memory_space<vmem_shared>>
        tpu.enqueue_dma source(%dma_start3A_139 : memref<16x128xf32, #tpu.memory_space<vmem_shared>>) target(%dma_start3A_136 : memref<16x128xf32, #tpu.memory_space<hbm>>) target_semaphore(%run_scoped3A_132 : memref<!tpu.dma_semaphore, #tpu.memory_space<semaphore_mem>>)
        %dma_wait3A_140 = arith.constant 9984 : i32
        %dma_wait3A_141 = arith.constant 0 : i32
        %dma_wait3A_142 = tpu.memref_slice %arg4[%arg0, %dma_wait3A_140, %dma_wait3A_141] : memref<2x10000x128xf32, #tpu.memory_space<hbm>> -> memref<1x16x128xf32, #tpu.memory_space<hbm>>
        %dma_wait3A_143 = tpu.memref_squeeze %dma_wait3A_142 : memref<1x16x128xf32, #tpu.memory_space<hbm>> -> memref<16x128xf32, #tpu.memory_space<hbm>>
        %dma_wait3A_144 = arith.constant 9984 : i32
        %dma_wait3A_145 = arith.constant 0 : i32
        %dma_wait3A_146 = tpu.memref_slice %arg5[%dma_wait3A_144, %dma_wait3A_145] : memref<10000x128xf32, #tpu.memory_space<vmem_shared>> -> memref<16x128xf32, #tpu.memory_space<vmem_shared>>
        tpu.wait_dma2 semaphore(%run_scoped3A_132 : memref<!tpu.dma_semaphore, #tpu.memory_space<semaphore_mem>>) src(%dma_wait3A_146 : memref<16x128xf32, #tpu.memory_space<vmem_shared>>) dst(%dma_wait3A_143 : memref<16x128xf32, #tpu.memory_space<hbm>>)
        tpu.yield
      }) : () -> ()
    } else {
    }
    return
  }
}

#map = affine_map<(d0, d1) -> (0, 0)>
#map1 = affine_map<(d0, d1) -> (0)>
#map2 = affine_map<(d0, d1) -> (0, 0, 0)>
module attributes {stable_mosaic.version = 14 : i64} {
  func.func @_sc_aggregate_body(%arg0: i32, %arg1: i32, %arg2: memref<335872x128xf32, #tpu.memory_space<hbm>>, %arg3: memref<335872xi32, #tpu.memory_space<hbm>>, %arg4: memref<335872xi32, #tpu.memory_space<hbm>>, %arg5: memref<10000x128xf32, #tpu.memory_space<hbm>>, %arg6: memref<2x10000x128xf32, #tpu.memory_space<hbm>>, %arg7: memref<10000x128xf32, #tpu.memory_space<vmem_shared>>, %arg8: memref<2x128x128xf32, #tpu.memory_space<vmem>>, %arg9: memref<128x128xf32, #tpu.memory_space<vmem>>, %arg10: memref<4x128xi32, #tpu.memory_space<vmem>>, %arg11: memref<!tpu.dma_semaphore, #tpu.memory_space<semaphore_mem>>, %arg12: memref<!tpu.dma_semaphore, #tpu.memory_space<semaphore_mem>>, %arg13: memref<!tpu.dma_semaphore, #tpu.memory_space<semaphore_mem>>, %arg14: memref<!tpu.dma_semaphore, #tpu.memory_space<semaphore_mem>>, %arg15: memref<!tpu.dma_semaphore, #tpu.memory_space<semaphore_mem>>, %arg16: memref<!tpu.dma_semaphore, #tpu.memory_space<semaphore_mem>>, %arg17: memref<!tpu.dma_semaphore, #tpu.memory_space<semaphore_mem>>, %arg18: memref<!tpu.dma_semaphore, #tpu.memory_space<semaphore_mem>>, %arg19: memref<!tpu.dma_semaphore, #tpu.memory_space<semaphore_mem>>, %arg20: memref<!tpu.dma_semaphore, #tpu.memory_space<semaphore_mem>>) attributes {dimension_semantics = [#tpu.dimension_semantics<core_parallel>, #tpu.dimension_semantics<subcore_parallel>], iteration_bounds = array<i64: 2, 16>, scalar_prefetch = 0 : i64, scratch_operands = 14 : i64, tpu.core_type = #tpu.core_type<sc_vector_subcore>, window_params = [{transform_indices = #map}, {transform_indices = #map1}, {transform_indices = #map1}, {transform_indices = #map}, {transform_indices = #map2}]} {
    %mul3A = arith.constant 2 : i32
    %mul3A_0 = arith.muli %arg1, %mul3A : i32
    %add3A = arith.addi %mul3A_0, %arg0 : i32
    %scan3A = arith.constant 0 : i32
    %scan3A_1 = arith.constant 0 : i32
    %scan3A_2 = arith.constant 0 : i32
    %scan3A_3 = arith.constant 128 : i32
    %scan3A_4 = arith.addi %scan3A_2, %scan3A_3 : i32
    %scan3A_5 = arith.constant 1 : i32
    scf.for %scan3A_162 = %scan3A_2 to %scan3A_4 step %scan3A_5  : i32 {
      %broadcast_in_dim3A = arith.constant 0.000000e+00 : f32
      %broadcast_in_dim3A_163 = vector.broadcast %broadcast_in_dim3A : f32 to vector<16xf32>
      %swap3A = arith.constant 0 : i32
      %swap3A_164 = arith.constant 0 : i32
      %swap3A_165 = tpu.memref_slice %arg8[%scan3A_1, %swap3A, %swap3A_164] : memref<2x128x128xf32, #tpu.memory_space<vmem>> -> memref<1x128x128xf32, #tpu.memory_space<vmem>>
      %swap3A_166 = tpu.memref_squeeze %swap3A_165 : memref<1x128x128xf32, #tpu.memory_space<vmem>> -> memref<128x128xf32, #tpu.memory_space<vmem>>
      %swap3A_167 = arith.index_cast %scan3A_162 : i32 to index
      %swap3A_168 = arith.constant 0 : index
      %swap3A_169 = tpu.vector_load %swap3A_166[%swap3A_167, %swap3A_168] {strides = array<i32>} : memref<128x128xf32, #tpu.memory_space<vmem>>, vector<1x16xf32>,
      %swap3A_170 = vector.shape_cast %swap3A_169 : vector<1x16xf32> to vector<16xf32>
      %swap3A_171 = vector.shape_cast %broadcast_in_dim3A_163 : vector<16xf32> to vector<1x16xf32>
      tpu.vector_store %swap3A_166[%swap3A_167, %swap3A_168], %swap3A_171 {strides = array<i32>} : memref<128x128xf32, #tpu.memory_space<vmem>>, vector<1x16xf32>,
      %broadcast_in_dim3A_172 = arith.constant 0.000000e+00 : f32
      %broadcast_in_dim3A_173 = vector.broadcast %broadcast_in_dim3A_172 : f32 to vector<16xf32>
      %swap3A_174 = arith.constant 0 : i32
      %swap3A_175 = arith.constant 0 : i32
      %swap3A_176 = tpu.memref_slice %arg8[%scan3A_1, %swap3A_174, %swap3A_175] : memref<2x128x128xf32, #tpu.memory_space<vmem>> -> memref<1x128x128xf32, #tpu.memory_space<vmem>>
      %swap3A_177 = tpu.memref_squeeze %swap3A_176 : memref<1x128x128xf32, #tpu.memory_space<vmem>> -> memref<128x128xf32, #tpu.memory_space<vmem>>
      %swap3A_178 = arith.index_cast %scan3A_162 : i32 to index
      %swap3A_179 = arith.constant 16 : index
      %swap3A_180 = tpu.vector_load %swap3A_177[%swap3A_178, %swap3A_179] {strides = array<i32>} : memref<128x128xf32, #tpu.memory_space<vmem>>, vector<1x16xf32>,
      %swap3A_181 = vector.shape_cast %swap3A_180 : vector<1x16xf32> to vector<16xf32>
      %swap3A_182 = vector.shape_cast %broadcast_in_dim3A_173 : vector<16xf32> to vector<1x16xf32>
      tpu.vector_store %swap3A_177[%swap3A_178, %swap3A_179], %swap3A_182 {strides = array<i32>} : memref<128x128xf32, #tpu.memory_space<vmem>>, vector<1x16xf32>,
      %broadcast_in_dim3A_183 = arith.constant 0.000000e+00 : f32
      %broadcast_in_dim3A_184 = vector.broadcast %broadcast_in_dim3A_183 : f32 to vector<16xf32>
      %swap3A_185 = arith.constant 0 : i32
      %swap3A_186 = arith.constant 0 : i32
      %swap3A_187 = tpu.memref_slice %arg8[%scan3A_1, %swap3A_185, %swap3A_186] : memref<2x128x128xf32, #tpu.memory_space<vmem>> -> memref<1x128x128xf32, #tpu.memory_space<vmem>>
      %swap3A_188 = tpu.memref_squeeze %swap3A_187 : memref<1x128x128xf32, #tpu.memory_space<vmem>> -> memref<128x128xf32, #tpu.memory_space<vmem>>
      %swap3A_189 = arith.index_cast %scan3A_162 : i32 to index
      %swap3A_190 = arith.constant 32 : index
      %swap3A_191 = tpu.vector_load %swap3A_188[%swap3A_189, %swap3A_190] {strides = array<i32>} : memref<128x128xf32, #tpu.memory_space<vmem>>, vector<1x16xf32>,
      %swap3A_192 = vector.shape_cast %swap3A_191 : vector<1x16xf32> to vector<16xf32>
      %swap3A_193 = vector.shape_cast %broadcast_in_dim3A_184 : vector<16xf32> to vector<1x16xf32>
      tpu.vector_store %swap3A_188[%swap3A_189, %swap3A_190], %swap3A_193 {strides = array<i32>} : memref<128x128xf32, #tpu.memory_space<vmem>>, vector<1x16xf32>,
      %broadcast_in_dim3A_194 = arith.constant 0.000000e+00 : f32
      %broadcast_in_dim3A_195 = vector.broadcast %broadcast_in_dim3A_194 : f32 to vector<16xf32>
      %swap3A_196 = arith.constant 0 : i32
      %swap3A_197 = arith.constant 0 : i32
      %swap3A_198 = tpu.memref_slice %arg8[%scan3A_1, %swap3A_196, %swap3A_197] : memref<2x128x128xf32, #tpu.memory_space<vmem>> -> memref<1x128x128xf32, #tpu.memory_space<vmem>>
      %swap3A_199 = tpu.memref_squeeze %swap3A_198 : memref<1x128x128xf32, #tpu.memory_space<vmem>> -> memref<128x128xf32, #tpu.memory_space<vmem>>
      %swap3A_200 = arith.index_cast %scan3A_162 : i32 to index
      %swap3A_201 = arith.constant 48 : index
      %swap3A_202 = tpu.vector_load %swap3A_199[%swap3A_200, %swap3A_201] {strides = array<i32>} : memref<128x128xf32, #tpu.memory_space<vmem>>, vector<1x16xf32>,
      %swap3A_203 = vector.shape_cast %swap3A_202 : vector<1x16xf32> to vector<16xf32>
      %swap3A_204 = vector.shape_cast %broadcast_in_dim3A_195 : vector<16xf32> to vector<1x16xf32>
      tpu.vector_store %swap3A_199[%swap3A_200, %swap3A_201], %swap3A_204 {strides = array<i32>} : memref<128x128xf32, #tpu.memory_space<vmem>>, vector<1x16xf32>,
      %broadcast_in_dim3A_205 = arith.constant 0.000000e+00 : f32
      %broadcast_in_dim3A_206 = vector.broadcast %broadcast_in_dim3A_205 : f32 to vector<16xf32>
      %swap3A_207 = arith.constant 0 : i32
      %swap3A_208 = arith.constant 0 : i32
      %swap3A_209 = tpu.memref_slice %arg8[%scan3A_1, %swap3A_207, %swap3A_208] : memref<2x128x128xf32, #tpu.memory_space<vmem>> -> memref<1x128x128xf32, #tpu.memory_space<vmem>>
      %swap3A_210 = tpu.memref_squeeze %swap3A_209 : memref<1x128x128xf32, #tpu.memory_space<vmem>> -> memref<128x128xf32, #tpu.memory_space<vmem>>
      %swap3A_211 = arith.index_cast %scan3A_162 : i32 to index
      %swap3A_212 = arith.constant 64 : index
      %swap3A_213 = tpu.vector_load %swap3A_210[%swap3A_211, %swap3A_212] {strides = array<i32>} : memref<128x128xf32, #tpu.memory_space<vmem>>, vector<1x16xf32>,
      %swap3A_214 = vector.shape_cast %swap3A_213 : vector<1x16xf32> to vector<16xf32>
      %swap3A_215 = vector.shape_cast %broadcast_in_dim3A_206 : vector<16xf32> to vector<1x16xf32>
      tpu.vector_store %swap3A_210[%swap3A_211, %swap3A_212], %swap3A_215 {strides = array<i32>} : memref<128x128xf32, #tpu.memory_space<vmem>>, vector<1x16xf32>,
      %broadcast_in_dim3A_216 = arith.constant 0.000000e+00 : f32
      %broadcast_in_dim3A_217 = vector.broadcast %broadcast_in_dim3A_216 : f32 to vector<16xf32>
      %swap3A_218 = arith.constant 0 : i32
      %swap3A_219 = arith.constant 0 : i32
      %swap3A_220 = tpu.memref_slice %arg8[%scan3A_1, %swap3A_218, %swap3A_219] : memref<2x128x128xf32, #tpu.memory_space<vmem>> -> memref<1x128x128xf32, #tpu.memory_space<vmem>>
      %swap3A_221 = tpu.memref_squeeze %swap3A_220 : memref<1x128x128xf32, #tpu.memory_space<vmem>> -> memref<128x128xf32, #tpu.memory_space<vmem>>
      %swap3A_222 = arith.index_cast %scan3A_162 : i32 to index
      %swap3A_223 = arith.constant 80 : index
      %swap3A_224 = tpu.vector_load %swap3A_221[%swap3A_222, %swap3A_223] {strides = array<i32>} : memref<128x128xf32, #tpu.memory_space<vmem>>, vector<1x16xf32>,
      %swap3A_225 = vector.shape_cast %swap3A_224 : vector<1x16xf32> to vector<16xf32>
      %swap3A_226 = vector.shape_cast %broadcast_in_dim3A_217 : vector<16xf32> to vector<1x16xf32>
      tpu.vector_store %swap3A_221[%swap3A_222, %swap3A_223], %swap3A_226 {strides = array<i32>} : memref<128x128xf32, #tpu.memory_space<vmem>>, vector<1x16xf32>,
      %broadcast_in_dim3A_227 = arith.constant 0.000000e+00 : f32
      %broadcast_in_dim3A_228 = vector.broadcast %broadcast_in_dim3A_227 : f32 to vector<16xf32>
      %swap3A_229 = arith.constant 0 : i32
      %swap3A_230 = arith.constant 0 : i32
      %swap3A_231 = tpu.memref_slice %arg8[%scan3A_1, %swap3A_229, %swap3A_230] : memref<2x128x128xf32, #tpu.memory_space<vmem>> -> memref<1x128x128xf32, #tpu.memory_space<vmem>>
      %swap3A_232 = tpu.memref_squeeze %swap3A_231 : memref<1x128x128xf32, #tpu.memory_space<vmem>> -> memref<128x128xf32, #tpu.memory_space<vmem>>
      %swap3A_233 = arith.index_cast %scan3A_162 : i32 to index
      %swap3A_234 = arith.constant 96 : index
      %swap3A_235 = tpu.vector_load %swap3A_232[%swap3A_233, %swap3A_234] {strides = array<i32>} : memref<128x128xf32, #tpu.memory_space<vmem>>, vector<1x16xf32>,
      %swap3A_236 = vector.shape_cast %swap3A_235 : vector<1x16xf32> to vector<16xf32>
      %swap3A_237 = vector.shape_cast %broadcast_in_dim3A_228 : vector<16xf32> to vector<1x16xf32>
      tpu.vector_store %swap3A_232[%swap3A_233, %swap3A_234], %swap3A_237 {strides = array<i32>} : memref<128x128xf32, #tpu.memory_space<vmem>>, vector<1x16xf32>,
      %broadcast_in_dim3A_238 = arith.constant 0.000000e+00 : f32
      %broadcast_in_dim3A_239 = vector.broadcast %broadcast_in_dim3A_238 : f32 to vector<16xf32>
      %swap3A_240 = arith.constant 0 : i32
      %swap3A_241 = arith.constant 0 : i32
      %swap3A_242 = tpu.memref_slice %arg8[%scan3A_1, %swap3A_240, %swap3A_241] : memref<2x128x128xf32, #tpu.memory_space<vmem>> -> memref<1x128x128xf32, #tpu.memory_space<vmem>>
      %swap3A_243 = tpu.memref_squeeze %swap3A_242 : memref<1x128x128xf32, #tpu.memory_space<vmem>> -> memref<128x128xf32, #tpu.memory_space<vmem>>
      %swap3A_244 = arith.index_cast %scan3A_162 : i32 to index
      %swap3A_245 = arith.constant 112 : index
      %swap3A_246 = tpu.vector_load %swap3A_243[%swap3A_244, %swap3A_245] {strides = array<i32>} : memref<128x128xf32, #tpu.memory_space<vmem>>, vector<1x16xf32>,
      %swap3A_247 = vector.shape_cast %swap3A_246 : vector<1x16xf32> to vector<16xf32>
      %swap3A_248 = vector.shape_cast %broadcast_in_dim3A_239 : vector<16xf32> to vector<1x16xf32>
      tpu.vector_store %swap3A_243[%swap3A_244, %swap3A_245], %swap3A_248 {strides = array<i32>} : memref<128x128xf32, #tpu.memory_space<vmem>>, vector<1x16xf32>,
    }
    %scan3A_6 = arith.constant 128 : i32
    %mul3A_7 = arith.constant 624 : i32
    %mul3A_8 = arith.muli %arg1, %mul3A_7 : i32
    %add3A_9 = arith.constant 0 : i32
    %add3A_10 = arith.addi %mul3A_8, %add3A_9 : i32
    %run_scoped3A = arith.constant 0 : i32
    "tpu.region"() ({
      %run_scoped3A_162 = tpu.sem_alloc : memref<!tpu.dma_semaphore, #tpu.memory_space<semaphore_mem>>
      %dma_start3A_163 = arith.constant 0 : i32
      %dma_start3A_164 = arith.constant 0 : i32
      %dma_start3A_165 = tpu.memref_slice %arg8[%run_scoped3A, %dma_start3A_163, %dma_start3A_164] : memref<2x128x128xf32, #tpu.memory_space<vmem>> -> memref<1x128x128xf32, #tpu.memory_space<vmem>>
      %dma_start3A_166 = tpu.memref_squeeze %dma_start3A_165 : memref<1x128x128xf32, #tpu.memory_space<vmem>> -> memref<128x128xf32, #tpu.memory_space<vmem>>
      %dma_start3A_167 = arith.constant 0 : i32
      %dma_start3A_168 = tpu.memref_slice %arg7[%add3A_10, %dma_start3A_167] : memref<10000x128xf32, #tpu.memory_space<vmem_shared>> -> memref<128x128xf32, #tpu.memory_space<vmem_shared>>
      %dma_start3A_169 = arith.constant 0 : i32
      %dma_start3A_170 = tpu.memref_slice %arg7[%add3A_10, %dma_start3A_169] : memref<10000x128xf32, #tpu.memory_space<vmem_shared>> -> memref<128x128xf32, #tpu.memory_space<vmem_shared>>
      %dma_start3A_171 = arith.constant 0 : i32
      %dma_start3A_172 = arith.constant 0 : i32
      %dma_start3A_173 = tpu.memref_slice %arg8[%run_scoped3A, %dma_start3A_171, %dma_start3A_172] : memref<2x128x128xf32, #tpu.memory_space<vmem>> -> memref<1x128x128xf32, #tpu.memory_space<vmem>>
      %dma_start3A_174 = tpu.memref_squeeze %dma_start3A_173 : memref<1x128x128xf32, #tpu.memory_space<vmem>> -> memref<128x128xf32, #tpu.memory_space<vmem>>
      tpu.enqueue_dma source(%dma_start3A_174 : memref<128x128xf32, #tpu.memory_space<vmem>>) target(%dma_start3A_170 : memref<128x128xf32, #tpu.memory_space<vmem_shared>>) target_semaphore(%run_scoped3A_162 : memref<!tpu.dma_semaphore, #tpu.memory_space<semaphore_mem>>)
      %dma_wait3A_175 = arith.constant 0 : i32
      %dma_wait3A_176 = arith.constant 0 : i32
      %dma_wait3A_177 = tpu.memref_slice %arg8[%run_scoped3A, %dma_wait3A_175, %dma_wait3A_176] : memref<2x128x128xf32, #tpu.memory_space<vmem>> -> memref<1x128x128xf32, #tpu.memory_space<vmem>>
      %dma_wait3A_178 = tpu.memref_squeeze %dma_wait3A_177 : memref<1x128x128xf32, #tpu.memory_space<vmem>> -> memref<128x128xf32, #tpu.memory_space<vmem>>
      %dma_wait3A_179 = arith.constant 0 : i32
      %dma_wait3A_180 = tpu.memref_slice %arg7[%add3A_10, %dma_wait3A_179] : memref<10000x128xf32, #tpu.memory_space<vmem_shared>> -> memref<128x128xf32, #tpu.memory_space<vmem_shared>>
      %dma_wait3A_181 = arith.constant 0 : i32
      %dma_wait3A_182 = tpu.memref_slice %arg7[%add3A_10, %dma_wait3A_181] : memref<10000x128xf32, #tpu.memory_space<vmem_shared>> -> memref<128x128xf32, #tpu.memory_space<vmem_shared>>
      %dma_wait3A_183 = arith.constant 0 : i32
      %dma_wait3A_184 = arith.constant 0 : i32
      %dma_wait3A_185 = tpu.memref_slice %arg8[%run_scoped3A, %dma_wait3A_183, %dma_wait3A_184] : memref<2x128x128xf32, #tpu.memory_space<vmem>> -> memref<1x128x128xf32, #tpu.memory_space<vmem>>
      %dma_wait3A_186 = tpu.memref_squeeze %dma_wait3A_185 : memref<1x128x128xf32, #tpu.memory_space<vmem>> -> memref<128x128xf32, #tpu.memory_space<vmem>>
      tpu.wait_dma2 semaphore(%run_scoped3A_162 : memref<!tpu.dma_semaphore, #tpu.memory_space<semaphore_mem>>) src(%dma_wait3A_186 : memref<128x128xf32, #tpu.memory_space<vmem>>) dst(%dma_wait3A_182 : memref<128x128xf32, #tpu.memory_space<vmem_shared>>)
      tpu.yield
    }) : () -> ()
    %add3A_11 = arith.constant 128 : i32
    %add3A_12 = arith.addi %mul3A_8, %add3A_11 : i32
    %run_scoped3A_13 = arith.constant 0 : i32
    "tpu.region"() ({
      %run_scoped3A_162 = tpu.sem_alloc : memref<!tpu.dma_semaphore, #tpu.memory_space<semaphore_mem>>
      %dma_start3A_163 = arith.constant 0 : i32
      %dma_start3A_164 = arith.constant 0 : i32
      %dma_start3A_165 = tpu.memref_slice %arg8[%run_scoped3A_13, %dma_start3A_163, %dma_start3A_164] : memref<2x128x128xf32, #tpu.memory_space<vmem>> -> memref<1x128x128xf32, #tpu.memory_space<vmem>>
      %dma_start3A_166 = tpu.memref_squeeze %dma_start3A_165 : memref<1x128x128xf32, #tpu.memory_space<vmem>> -> memref<128x128xf32, #tpu.memory_space<vmem>>
      %dma_start3A_167 = arith.constant 0 : i32
      %dma_start3A_168 = tpu.memref_slice %arg7[%add3A_12, %dma_start3A_167] : memref<10000x128xf32, #tpu.memory_space<vmem_shared>> -> memref<128x128xf32, #tpu.memory_space<vmem_shared>>
      %dma_start3A_169 = arith.constant 0 : i32
      %dma_start3A_170 = tpu.memref_slice %arg7[%add3A_12, %dma_start3A_169] : memref<10000x128xf32, #tpu.memory_space<vmem_shared>> -> memref<128x128xf32, #tpu.memory_space<vmem_shared>>
      %dma_start3A_171 = arith.constant 0 : i32
      %dma_start3A_172 = arith.constant 0 : i32
      %dma_start3A_173 = tpu.memref_slice %arg8[%run_scoped3A_13, %dma_start3A_171, %dma_start3A_172] : memref<2x128x128xf32, #tpu.memory_space<vmem>> -> memref<1x128x128xf32, #tpu.memory_space<vmem>>
      %dma_start3A_174 = tpu.memref_squeeze %dma_start3A_173 : memref<1x128x128xf32, #tpu.memory_space<vmem>> -> memref<128x128xf32, #tpu.memory_space<vmem>>
      tpu.enqueue_dma source(%dma_start3A_174 : memref<128x128xf32, #tpu.memory_space<vmem>>) target(%dma_start3A_170 : memref<128x128xf32, #tpu.memory_space<vmem_shared>>) target_semaphore(%run_scoped3A_162 : memref<!tpu.dma_semaphore, #tpu.memory_space<semaphore_mem>>)
      %dma_wait3A_175 = arith.constant 0 : i32
      %dma_wait3A_176 = arith.constant 0 : i32
      %dma_wait3A_177 = tpu.memref_slice %arg8[%run_scoped3A_13, %dma_wait3A_175, %dma_wait3A_176] : memref<2x128x128xf32, #tpu.memory_space<vmem>> -> memref<1x128x128xf32, #tpu.memory_space<vmem>>
      %dma_wait3A_178 = tpu.memref_squeeze %dma_wait3A_177 : memref<1x128x128xf32, #tpu.memory_space<vmem>> -> memref<128x128xf32, #tpu.memory_space<vmem>>
      %dma_wait3A_179 = arith.constant 0 : i32
      %dma_wait3A_180 = tpu.memref_slice %arg7[%add3A_12, %dma_wait3A_179] : memref<10000x128xf32, #tpu.memory_space<vmem_shared>> -> memref<128x128xf32, #tpu.memory_space<vmem_shared>>
      %dma_wait3A_181 = arith.constant 0 : i32
      %dma_wait3A_182 = tpu.memref_slice %arg7[%add3A_12, %dma_wait3A_181] : memref<10000x128xf32, #tpu.memory_space<vmem_shared>> -> memref<128x128xf32, #tpu.memory_space<vmem_shared>>
      %dma_wait3A_183 = arith.constant 0 : i32
      %dma_wait3A_184 = arith.constant 0 : i32
      %dma_wait3A_185 = tpu.memref_slice %arg8[%run_scoped3A_13, %dma_wait3A_183, %dma_wait3A_184] : memref<2x128x128xf32, #tpu.memory_space<vmem>> -> memref<1x128x128xf32, #tpu.memory_space<vmem>>
      %dma_wait3A_186 = tpu.memref_squeeze %dma_wait3A_185 : memref<1x128x128xf32, #tpu.memory_space<vmem>> -> memref<128x128xf32, #tpu.memory_space<vmem>>
      tpu.wait_dma2 semaphore(%run_scoped3A_162 : memref<!tpu.dma_semaphore, #tpu.memory_space<semaphore_mem>>) src(%dma_wait3A_186 : memref<128x128xf32, #tpu.memory_space<vmem>>) dst(%dma_wait3A_182 : memref<128x128xf32, #tpu.memory_space<vmem_shared>>)
      tpu.yield
    }) : () -> ()
    %add3A_14 = arith.constant 256 : i32
    %add3A_15 = arith.addi %mul3A_8, %add3A_14 : i32
    %run_scoped3A_16 = arith.constant 0 : i32
    "tpu.region"() ({
      %run_scoped3A_162 = tpu.sem_alloc : memref<!tpu.dma_semaphore, #tpu.memory_space<semaphore_mem>>
      %dma_start3A_163 = arith.constant 0 : i32
      %dma_start3A_164 = arith.constant 0 : i32
      %dma_start3A_165 = tpu.memref_slice %arg8[%run_scoped3A_16, %dma_start3A_163, %dma_start3A_164] : memref<2x128x128xf32, #tpu.memory_space<vmem>> -> memref<1x128x128xf32, #tpu.memory_space<vmem>>
      %dma_start3A_166 = tpu.memref_squeeze %dma_start3A_165 : memref<1x128x128xf32, #tpu.memory_space<vmem>> -> memref<128x128xf32, #tpu.memory_space<vmem>>
      %dma_start3A_167 = arith.constant 0 : i32
      %dma_start3A_168 = tpu.memref_slice %arg7[%add3A_15, %dma_start3A_167] : memref<10000x128xf32, #tpu.memory_space<vmem_shared>> -> memref<128x128xf32, #tpu.memory_space<vmem_shared>>
      %dma_start3A_169 = arith.constant 0 : i32
      %dma_start3A_170 = tpu.memref_slice %arg7[%add3A_15, %dma_start3A_169] : memref<10000x128xf32, #tpu.memory_space<vmem_shared>> -> memref<128x128xf32, #tpu.memory_space<vmem_shared>>
      %dma_start3A_171 = arith.constant 0 : i32
      %dma_start3A_172 = arith.constant 0 : i32
      %dma_start3A_173 = tpu.memref_slice %arg8[%run_scoped3A_16, %dma_start3A_171, %dma_start3A_172] : memref<2x128x128xf32, #tpu.memory_space<vmem>> -> memref<1x128x128xf32, #tpu.memory_space<vmem>>
      %dma_start3A_174 = tpu.memref_squeeze %dma_start3A_173 : memref<1x128x128xf32, #tpu.memory_space<vmem>> -> memref<128x128xf32, #tpu.memory_space<vmem>>
      tpu.enqueue_dma source(%dma_start3A_174 : memref<128x128xf32, #tpu.memory_space<vmem>>) target(%dma_start3A_170 : memref<128x128xf32, #tpu.memory_space<vmem_shared>>) target_semaphore(%run_scoped3A_162 : memref<!tpu.dma_semaphore, #tpu.memory_space<semaphore_mem>>)
      %dma_wait3A_175 = arith.constant 0 : i32
      %dma_wait3A_176 = arith.constant 0 : i32
      %dma_wait3A_177 = tpu.memref_slice %arg8[%run_scoped3A_16, %dma_wait3A_175, %dma_wait3A_176] : memref<2x128x128xf32, #tpu.memory_space<vmem>> -> memref<1x128x128xf32, #tpu.memory_space<vmem>>
      %dma_wait3A_178 = tpu.memref_squeeze %dma_wait3A_177 : memref<1x128x128xf32, #tpu.memory_space<vmem>> -> memref<128x128xf32, #tpu.memory_space<vmem>>
      %dma_wait3A_179 = arith.constant 0 : i32
      %dma_wait3A_180 = tpu.memref_slice %arg7[%add3A_15, %dma_wait3A_179] : memref<10000x128xf32, #tpu.memory_space<vmem_shared>> -> memref<128x128xf32, #tpu.memory_space<vmem_shared>>
      %dma_wait3A_181 = arith.constant 0 : i32
      %dma_wait3A_182 = tpu.memref_slice %arg7[%add3A_15, %dma_wait3A_181] : memref<10000x128xf32, #tpu.memory_space<vmem_shared>> -> memref<128x128xf32, #tpu.memory_space<vmem_shared>>
      %dma_wait3A_183 = arith.constant 0 : i32
      %dma_wait3A_184 = arith.constant 0 : i32
      %dma_wait3A_185 = tpu.memref_slice %arg8[%run_scoped3A_16, %dma_wait3A_183, %dma_wait3A_184] : memref<2x128x128xf32, #tpu.memory_space<vmem>> -> memref<1x128x128xf32, #tpu.memory_space<vmem>>
      %dma_wait3A_186 = tpu.memref_squeeze %dma_wait3A_185 : memref<1x128x128xf32, #tpu.memory_space<vmem>> -> memref<128x128xf32, #tpu.memory_space<vmem>>
      tpu.wait_dma2 semaphore(%run_scoped3A_162 : memref<!tpu.dma_semaphore, #tpu.memory_space<semaphore_mem>>) src(%dma_wait3A_186 : memref<128x128xf32, #tpu.memory_space<vmem>>) dst(%dma_wait3A_182 : memref<128x128xf32, #tpu.memory_space<vmem_shared>>)
      tpu.yield
    }) : () -> ()
    %add3A_17 = arith.constant 384 : i32
    %add3A_18 = arith.addi %mul3A_8, %add3A_17 : i32
    %run_scoped3A_19 = arith.constant 0 : i32
    "tpu.region"() ({
      %run_scoped3A_162 = tpu.sem_alloc : memref<!tpu.dma_semaphore, #tpu.memory_space<semaphore_mem>>
      %dma_start3A_163 = arith.constant 0 : i32
      %dma_start3A_164 = arith.constant 0 : i32
      %dma_start3A_165 = tpu.memref_slice %arg8[%run_scoped3A_19, %dma_start3A_163, %dma_start3A_164] : memref<2x128x128xf32, #tpu.memory_space<vmem>> -> memref<1x128x128xf32, #tpu.memory_space<vmem>>
      %dma_start3A_166 = tpu.memref_squeeze %dma_start3A_165 : memref<1x128x128xf32, #tpu.memory_space<vmem>> -> memref<128x128xf32, #tpu.memory_space<vmem>>
      %dma_start3A_167 = arith.constant 0 : i32
      %dma_start3A_168 = tpu.memref_slice %arg7[%add3A_18, %dma_start3A_167] : memref<10000x128xf32, #tpu.memory_space<vmem_shared>> -> memref<128x128xf32, #tpu.memory_space<vmem_shared>>
      %dma_start3A_169 = arith.constant 0 : i32
      %dma_start3A_170 = tpu.memref_slice %arg7[%add3A_18, %dma_start3A_169] : memref<10000x128xf32, #tpu.memory_space<vmem_shared>> -> memref<128x128xf32, #tpu.memory_space<vmem_shared>>
      %dma_start3A_171 = arith.constant 0 : i32
      %dma_start3A_172 = arith.constant 0 : i32
      %dma_start3A_173 = tpu.memref_slice %arg8[%run_scoped3A_19, %dma_start3A_171, %dma_start3A_172] : memref<2x128x128xf32, #tpu.memory_space<vmem>> -> memref<1x128x128xf32, #tpu.memory_space<vmem>>
      %dma_start3A_174 = tpu.memref_squeeze %dma_start3A_173 : memref<1x128x128xf32, #tpu.memory_space<vmem>> -> memref<128x128xf32, #tpu.memory_space<vmem>>
      tpu.enqueue_dma source(%dma_start3A_174 : memref<128x128xf32, #tpu.memory_space<vmem>>) target(%dma_start3A_170 : memref<128x128xf32, #tpu.memory_space<vmem_shared>>) target_semaphore(%run_scoped3A_162 : memref<!tpu.dma_semaphore, #tpu.memory_space<semaphore_mem>>)
      %dma_wait3A_175 = arith.constant 0 : i32
      %dma_wait3A_176 = arith.constant 0 : i32
      %dma_wait3A_177 = tpu.memref_slice %arg8[%run_scoped3A_19, %dma_wait3A_175, %dma_wait3A_176] : memref<2x128x128xf32, #tpu.memory_space<vmem>> -> memref<1x128x128xf32, #tpu.memory_space<vmem>>
      %dma_wait3A_178 = tpu.memref_squeeze %dma_wait3A_177 : memref<1x128x128xf32, #tpu.memory_space<vmem>> -> memref<128x128xf32, #tpu.memory_space<vmem>>
      %dma_wait3A_179 = arith.constant 0 : i32
      %dma_wait3A_180 = tpu.memref_slice %arg7[%add3A_18, %dma_wait3A_179] : memref<10000x128xf32, #tpu.memory_space<vmem_shared>> -> memref<128x128xf32, #tpu.memory_space<vmem_shared>>
      %dma_wait3A_181 = arith.constant 0 : i32
      %dma_wait3A_182 = tpu.memref_slice %arg7[%add3A_18, %dma_wait3A_181] : memref<10000x128xf32, #tpu.memory_space<vmem_shared>> -> memref<128x128xf32, #tpu.memory_space<vmem_shared>>
      %dma_wait3A_183 = arith.constant 0 : i32
      %dma_wait3A_184 = arith.constant 0 : i32
      %dma_wait3A_185 = tpu.memref_slice %arg8[%run_scoped3A_19, %dma_wait3A_183, %dma_wait3A_184] : memref<2x128x128xf32, #tpu.memory_space<vmem>> -> memref<1x128x128xf32, #tpu.memory_space<vmem>>
      %dma_wait3A_186 = tpu.memref_squeeze %dma_wait3A_185 : memref<1x128x128xf32, #tpu.memory_space<vmem>> -> memref<128x128xf32, #tpu.memory_space<vmem>>
      tpu.wait_dma2 semaphore(%run_scoped3A_162 : memref<!tpu.dma_semaphore, #tpu.memory_space<semaphore_mem>>) src(%dma_wait3A_186 : memref<128x128xf32, #tpu.memory_space<vmem>>) dst(%dma_wait3A_182 : memref<128x128xf32, #tpu.memory_space<vmem_shared>>)
      tpu.yield
    }) : () -> ()
    %add3A_20 = arith.constant 512 : i32
    %add3A_21 = arith.addi %mul3A_8, %add3A_20 : i32
    %run_scoped3A_22 = arith.constant 0 : i32
    "tpu.region"() ({
      %run_scoped3A_162 = tpu.sem_alloc : memref<!tpu.dma_semaphore, #tpu.memory_space<semaphore_mem>>
      %dma_start3A_163 = arith.constant 0 : i32
      %dma_start3A_164 = arith.constant 0 : i32
      %dma_start3A_165 = tpu.memref_slice %arg8[%run_scoped3A_22, %dma_start3A_163, %dma_start3A_164] : memref<2x128x128xf32, #tpu.memory_space<vmem>> -> memref<1x128x128xf32, #tpu.memory_space<vmem>>
      %dma_start3A_166 = tpu.memref_squeeze %dma_start3A_165 : memref<1x128x128xf32, #tpu.memory_space<vmem>> -> memref<128x128xf32, #tpu.memory_space<vmem>>
      %dma_start3A_167 = arith.constant 0 : i32
      %dma_start3A_168 = arith.constant 0 : i32
      %dma_start3A_169 = tpu.memref_slice %dma_start3A_166[%dma_start3A_167, %dma_start3A_168] : memref<128x128xf32, #tpu.memory_space<vmem>> -> memref<112x128xf32, #tpu.memory_space<vmem>>
      %dma_start3A_170 = arith.constant 0 : i32
      %dma_start3A_171 = tpu.memref_slice %arg7[%add3A_21, %dma_start3A_170] : memref<10000x128xf32, #tpu.memory_space<vmem_shared>> -> memref<112x128xf32, #tpu.memory_space<vmem_shared>>
      %dma_start3A_172 = arith.constant 0 : i32
      %dma_start3A_173 = tpu.memref_slice %arg7[%add3A_21, %dma_start3A_172] : memref<10000x128xf32, #tpu.memory_space<vmem_shared>> -> memref<112x128xf32, #tpu.memory_space<vmem_shared>>
      %dma_start3A_174 = arith.constant 0 : i32
      %dma_start3A_175 = arith.constant 0 : i32
      %dma_start3A_176 = tpu.memref_slice %arg8[%run_scoped3A_22, %dma_start3A_174, %dma_start3A_175] : memref<2x128x128xf32, #tpu.memory_space<vmem>> -> memref<1x128x128xf32, #tpu.memory_space<vmem>>
      %dma_start3A_177 = tpu.memref_squeeze %dma_start3A_176 : memref<1x128x128xf32, #tpu.memory_space<vmem>> -> memref<128x128xf32, #tpu.memory_space<vmem>>
      %dma_start3A_178 = arith.constant 0 : i32
      %dma_start3A_179 = arith.constant 0 : i32
      %dma_start3A_180 = tpu.memref_slice %dma_start3A_177[%dma_start3A_178, %dma_start3A_179] : memref<128x128xf32, #tpu.memory_space<vmem>> -> memref<112x128xf32, #tpu.memory_space<vmem>>
      tpu.enqueue_dma source(%dma_start3A_180 : memref<112x128xf32, #tpu.memory_space<vmem>>) target(%dma_start3A_173 : memref<112x128xf32, #tpu.memory_space<vmem_shared>>) target_semaphore(%run_scoped3A_162 : memref<!tpu.dma_semaphore, #tpu.memory_space<semaphore_mem>>)
      %dma_wait3A_181 = arith.constant 0 : i32
      %dma_wait3A_182 = arith.constant 0 : i32
      %dma_wait3A_183 = tpu.memref_slice %arg8[%run_scoped3A_22, %dma_wait3A_181, %dma_wait3A_182] : memref<2x128x128xf32, #tpu.memory_space<vmem>> -> memref<1x128x128xf32, #tpu.memory_space<vmem>>
      %dma_wait3A_184 = tpu.memref_squeeze %dma_wait3A_183 : memref<1x128x128xf32, #tpu.memory_space<vmem>> -> memref<128x128xf32, #tpu.memory_space<vmem>>
      %dma_wait3A_185 = arith.constant 0 : i32
      %dma_wait3A_186 = arith.constant 0 : i32
      %dma_wait3A_187 = tpu.memref_slice %dma_wait3A_184[%dma_wait3A_185, %dma_wait3A_186] : memref<128x128xf32, #tpu.memory_space<vmem>> -> memref<112x128xf32, #tpu.memory_space<vmem>>
      %dma_wait3A_188 = arith.constant 0 : i32
      %dma_wait3A_189 = tpu.memref_slice %arg7[%add3A_21, %dma_wait3A_188] : memref<10000x128xf32, #tpu.memory_space<vmem_shared>> -> memref<112x128xf32, #tpu.memory_space<vmem_shared>>
      %dma_wait3A_190 = arith.constant 0 : i32
      %dma_wait3A_191 = tpu.memref_slice %arg7[%add3A_21, %dma_wait3A_190] : memref<10000x128xf32, #tpu.memory_space<vmem_shared>> -> memref<112x128xf32, #tpu.memory_space<vmem_shared>>
      %dma_wait3A_192 = arith.constant 0 : i32
      %dma_wait3A_193 = arith.constant 0 : i32
      %dma_wait3A_194 = tpu.memref_slice %arg8[%run_scoped3A_22, %dma_wait3A_192, %dma_wait3A_193] : memref<2x128x128xf32, #tpu.memory_space<vmem>> -> memref<1x128x128xf32, #tpu.memory_space<vmem>>
      %dma_wait3A_195 = tpu.memref_squeeze %dma_wait3A_194 : memref<1x128x128xf32, #tpu.memory_space<vmem>> -> memref<128x128xf32, #tpu.memory_space<vmem>>
      %dma_wait3A_196 = arith.constant 0 : i32
      %dma_wait3A_197 = arith.constant 0 : i32
      %dma_wait3A_198 = tpu.memref_slice %dma_wait3A_195[%dma_wait3A_196, %dma_wait3A_197] : memref<128x128xf32, #tpu.memory_space<vmem>> -> memref<112x128xf32, #tpu.memory_space<vmem>>
      tpu.wait_dma2 semaphore(%run_scoped3A_162 : memref<!tpu.dma_semaphore, #tpu.memory_space<semaphore_mem>>) src(%dma_wait3A_198 : memref<112x128xf32, #tpu.memory_space<vmem>>) dst(%dma_wait3A_191 : memref<112x128xf32, #tpu.memory_space<vmem_shared>>)
      tpu.yield
    }) : () -> ()
    %eq3A = arith.constant 0 : i32
    %eq3A_23 = arith.cmpi eq, %arg1, %eq3A : i32
    %convert_element_type3A = arith.extui %eq3A_23 : i1 to i32
    %cond3A = arith.constant 0 : i32
    %cond3A_24 = arith.constant 0 : i32
    %cond3A_25 = arith.cmpi ne, %convert_element_type3A, %cond3A_24 : i32
    scf.if %cond3A_25 {
      "tpu.region"() ({
        %run_scoped3A_162 = tpu.sem_alloc : memref<!tpu.dma_semaphore, #tpu.memory_space<semaphore_mem>>
        %dma_start3A_163 = arith.constant 0 : i32
        %dma_start3A_164 = arith.constant 0 : i32
        %dma_start3A_165 = tpu.memref_slice %arg8[%cond3A, %dma_start3A_163, %dma_start3A_164] : memref<2x128x128xf32, #tpu.memory_space<vmem>> -> memref<1x128x128xf32, #tpu.memory_space<vmem>>
        %dma_start3A_166 = tpu.memref_squeeze %dma_start3A_165 : memref<1x128x128xf32, #tpu.memory_space<vmem>> -> memref<128x128xf32, #tpu.memory_space<vmem>>
        %dma_start3A_167 = arith.constant 0 : i32
        %dma_start3A_168 = arith.constant 0 : i32
        %dma_start3A_169 = tpu.memref_slice %dma_start3A_166[%dma_start3A_167, %dma_start3A_168] : memref<128x128xf32, #tpu.memory_space<vmem>> -> memref<16x128xf32, #tpu.memory_space<vmem>>
        %dma_start3A_170 = arith.constant 9984 : i32
        %dma_start3A_171 = arith.constant 0 : i32
        %dma_start3A_172 = tpu.memref_slice %arg7[%dma_start3A_170, %dma_start3A_171] : memref<10000x128xf32, #tpu.memory_space<vmem_shared>> -> memref<16x128xf32, #tpu.memory_space<vmem_shared>>
        %dma_start3A_173 = arith.constant 9984 : i32
        %dma_start3A_174 = arith.constant 0 : i32
        %dma_start3A_175 = tpu.memref_slice %arg7[%dma_start3A_173, %dma_start3A_174] : memref<10000x128xf32, #tpu.memory_space<vmem_shared>> -> memref<16x128xf32, #tpu.memory_space<vmem_shared>>
        %dma_start3A_176 = arith.constant 0 : i32
        %dma_start3A_177 = arith.constant 0 : i32
        %dma_start3A_178 = tpu.memref_slice %arg8[%cond3A, %dma_start3A_176, %dma_start3A_177] : memref<2x128x128xf32, #tpu.memory_space<vmem>> -> memref<1x128x128xf32, #tpu.memory_space<vmem>>
        %dma_start3A_179 = tpu.memref_squeeze %dma_start3A_178 : memref<1x128x128xf32, #tpu.memory_space<vmem>> -> memref<128x128xf32, #tpu.memory_space<vmem>>
        %dma_start3A_180 = arith.constant 0 : i32
        %dma_start3A_181 = arith.constant 0 : i32
        %dma_start3A_182 = tpu.memref_slice %dma_start3A_179[%dma_start3A_180, %dma_start3A_181] : memref<128x128xf32, #tpu.memory_space<vmem>> -> memref<16x128xf32, #tpu.memory_space<vmem>>
        tpu.enqueue_dma source(%dma_start3A_182 : memref<16x128xf32, #tpu.memory_space<vmem>>) target(%dma_start3A_175 : memref<16x128xf32, #tpu.memory_space<vmem_shared>>) target_semaphore(%run_scoped3A_162 : memref<!tpu.dma_semaphore, #tpu.memory_space<semaphore_mem>>)
        %dma_wait3A_183 = arith.constant 0 : i32
        %dma_wait3A_184 = arith.constant 0 : i32
        %dma_wait3A_185 = tpu.memref_slice %arg8[%cond3A, %dma_wait3A_183, %dma_wait3A_184] : memref<2x128x128xf32, #tpu.memory_space<vmem>> -> memref<1x128x128xf32, #tpu.memory_space<vmem>>
        %dma_wait3A_186 = tpu.memref_squeeze %dma_wait3A_185 : memref<1x128x128xf32, #tpu.memory_space<vmem>> -> memref<128x128xf32, #tpu.memory_space<vmem>>
        %dma_wait3A_187 = arith.constant 0 : i32
        %dma_wait3A_188 = arith.constant 0 : i32
        %dma_wait3A_189 = tpu.memref_slice %dma_wait3A_186[%dma_wait3A_187, %dma_wait3A_188] : memref<128x128xf32, #tpu.memory_space<vmem>> -> memref<16x128xf32, #tpu.memory_space<vmem>>
        %dma_wait3A_190 = arith.constant 9984 : i32
        %dma_wait3A_191 = arith.constant 0 : i32
        %dma_wait3A_192 = tpu.memref_slice %arg7[%dma_wait3A_190, %dma_wait3A_191] : memref<10000x128xf32, #tpu.memory_space<vmem_shared>> -> memref<16x128xf32, #tpu.memory_space<vmem_shared>>
        %dma_wait3A_193 = arith.constant 9984 : i32
        %dma_wait3A_194 = arith.constant 0 : i32
        %dma_wait3A_195 = tpu.memref_slice %arg7[%dma_wait3A_193, %dma_wait3A_194] : memref<10000x128xf32, #tpu.memory_space<vmem_shared>> -> memref<16x128xf32, #tpu.memory_space<vmem_shared>>
        %dma_wait3A_196 = arith.constant 0 : i32
        %dma_wait3A_197 = arith.constant 0 : i32
        %dma_wait3A_198 = tpu.memref_slice %arg8[%cond3A, %dma_wait3A_196, %dma_wait3A_197] : memref<2x128x128xf32, #tpu.memory_space<vmem>> -> memref<1x128x128xf32, #tpu.memory_space<vmem>>
        %dma_wait3A_199 = tpu.memref_squeeze %dma_wait3A_198 : memref<1x128x128xf32, #tpu.memory_space<vmem>> -> memref<128x128xf32, #tpu.memory_space<vmem>>
        %dma_wait3A_200 = arith.constant 0 : i32
        %dma_wait3A_201 = arith.constant 0 : i32
        %dma_wait3A_202 = tpu.memref_slice %dma_wait3A_199[%dma_wait3A_200, %dma_wait3A_201] : memref<128x128xf32, #tpu.memory_space<vmem>> -> memref<16x128xf32, #tpu.memory_space<vmem>>
        tpu.wait_dma2 semaphore(%run_scoped3A_162 : memref<!tpu.dma_semaphore, #tpu.memory_space<semaphore_mem>>) src(%dma_wait3A_202 : memref<16x128xf32, #tpu.memory_space<vmem>>) dst(%dma_wait3A_195 : memref<16x128xf32, #tpu.memory_space<vmem_shared>>)
        tpu.yield
      }) : () -> ()
    } else {
    }
    %barrier3A = arith.constant 0 : index
    tpu.barrier barrier_id(%barrier3A)
    %mul3A_26 = arith.constant 82 : i32
    %mul3A_27 = arith.muli %add3A, %mul3A_26 : i32
    %add3A_28 = arith.constant 0 : i32
    %add3A_29 = arith.addi %mul3A_27, %add3A_28 : i32
    %mul3A_30 = arith.constant 128 : i32
    %mul3A_31 = arith.muli %add3A_29, %mul3A_30 : i32
    %dma_start3A = arith.constant 0 : i32
    %dma_start3A_32 = arith.constant 0 : i32
    %dma_start3A_33 = arith.constant 0 : i32
    %dma_start3A_34 = tpu.memref_slice %arg8[%dma_start3A, %dma_start3A_32, %dma_start3A_33] : memref<2x128x128xf32, #tpu.memory_space<vmem>> -> memref<1x128x128xf32, #tpu.memory_space<vmem>>
    %dma_start3A_35 = tpu.memref_squeeze %dma_start3A_34 : memref<1x128x128xf32, #tpu.memory_space<vmem>> -> memref<128x128xf32, #tpu.memory_space<vmem>>
    %dma_start3A_36 = arith.constant 0 : i32
    %dma_start3A_37 = tpu.memref_slice %arg2[%mul3A_31, %dma_start3A_36] : memref<335872x128xf32, #tpu.memory_space<hbm>> -> memref<128x128xf32, #tpu.memory_space<hbm>>
    %dma_start3A_38 = arith.constant 0 : i32
    %dma_start3A_39 = arith.constant 0 : i32
    %dma_start3A_40 = tpu.memref_slice %arg8[%dma_start3A, %dma_start3A_38, %dma_start3A_39] : memref<2x128x128xf32, #tpu.memory_space<vmem>> -> memref<1x128x128xf32, #tpu.memory_space<vmem>>
    %dma_start3A_41 = tpu.memref_squeeze %dma_start3A_40 : memref<1x128x128xf32, #tpu.memory_space<vmem>> -> memref<128x128xf32, #tpu.memory_space<vmem>>
    %dma_start3A_42 = arith.constant 0 : i32
    %dma_start3A_43 = tpu.memref_slice %arg2[%mul3A_31, %dma_start3A_42] : memref<335872x128xf32, #tpu.memory_space<hbm>> -> memref<128x128xf32, #tpu.memory_space<hbm>>
    tpu.enqueue_dma source(%dma_start3A_43 : memref<128x128xf32, #tpu.memory_space<hbm>>) target(%dma_start3A_41 : memref<128x128xf32, #tpu.memory_space<vmem>>) target_semaphore(%arg11 : memref<!tpu.dma_semaphore, #tpu.memory_space<semaphore_mem>>)
    %mul3A_44 = arith.constant 82 : i32
    %mul3A_45 = arith.muli %add3A, %mul3A_44 : i32
    %add3A_46 = arith.constant 0 : i32
    %add3A_47 = arith.addi %mul3A_45, %add3A_46 : i32
    %mul3A_48 = arith.constant 128 : i32
    %mul3A_49 = arith.muli %add3A_47, %mul3A_48 : i32
    %dma_start3A_50 = arith.constant 0 : i32
    %dma_start3A_51 = arith.constant 0 : i32
    %dma_start3A_52 = tpu.memref_slice %arg10[%dma_start3A_50, %dma_start3A_51] : memref<4x128xi32, #tpu.memory_space<vmem>> -> memref<1x128xi32, #tpu.memory_space<vmem>>
    %dma_start3A_53 = tpu.memref_squeeze %dma_start3A_52 : memref<1x128xi32, #tpu.memory_space<vmem>> -> memref<128xi32, #tpu.memory_space<vmem>>
    %dma_start3A_54 = tpu.memref_slice %arg3[%mul3A_49] : memref<335872xi32, #tpu.memory_space<hbm>> -> memref<128xi32, #tpu.memory_space<hbm>>
    %dma_start3A_55 = arith.constant 0 : i32
    %dma_start3A_56 = tpu.memref_slice %arg10[%dma_start3A_50, %dma_start3A_55] : memref<4x128xi32, #tpu.memory_space<vmem>> -> memref<1x128xi32, #tpu.memory_space<vmem>>
    %dma_start3A_57 = tpu.memref_squeeze %dma_start3A_56 : memref<1x128xi32, #tpu.memory_space<vmem>> -> memref<128xi32, #tpu.memory_space<vmem>>
    %dma_start3A_58 = tpu.memref_slice %arg3[%mul3A_49] : memref<335872xi32, #tpu.memory_space<hbm>> -> memref<128xi32, #tpu.memory_space<hbm>>
    tpu.enqueue_dma source(%dma_start3A_58 : memref<128xi32, #tpu.memory_space<hbm>>) target(%dma_start3A_57 : memref<128xi32, #tpu.memory_space<vmem>>) target_semaphore(%arg13 : memref<!tpu.dma_semaphore, #tpu.memory_space<semaphore_mem>>)
    %mul3A_59 = arith.constant 82 : i32
    %mul3A_60 = arith.muli %add3A, %mul3A_59 : i32
    %add3A_61 = arith.constant 0 : i32
    %add3A_62 = arith.addi %mul3A_60, %add3A_61 : i32
    %mul3A_63 = arith.constant 128 : i32
    %mul3A_64 = arith.muli %add3A_62, %mul3A_63 : i32
    %dma_start3A_65 = arith.constant 2 : i32
    %dma_start3A_66 = arith.constant 0 : i32
    %dma_start3A_67 = tpu.memref_slice %arg10[%dma_start3A_65, %dma_start3A_66] : memref<4x128xi32, #tpu.memory_space<vmem>> -> memref<1x128xi32, #tpu.memory_space<vmem>>
    %dma_start3A_68 = tpu.memref_squeeze %dma_start3A_67 : memref<1x128xi32, #tpu.memory_space<vmem>> -> memref<128xi32, #tpu.memory_space<vmem>>
    %dma_start3A_69 = tpu.memref_slice %arg4[%mul3A_64] : memref<335872xi32, #tpu.memory_space<hbm>> -> memref<128xi32, #tpu.memory_space<hbm>>
    %dma_start3A_70 = arith.constant 0 : i32
    %dma_start3A_71 = tpu.memref_slice %arg10[%dma_start3A_65, %dma_start3A_70] : memref<4x128xi32, #tpu.memory_space<vmem>> -> memref<1x128xi32, #tpu.memory_space<vmem>>
    %dma_start3A_72 = tpu.memref_squeeze %dma_start3A_71 : memref<1x128xi32, #tpu.memory_space<vmem>> -> memref<128xi32, #tpu.memory_space<vmem>>
    %dma_start3A_73 = tpu.memref_slice %arg4[%mul3A_64] : memref<335872xi32, #tpu.memory_space<hbm>> -> memref<128xi32, #tpu.memory_space<hbm>>
    tpu.enqueue_dma source(%dma_start3A_73 : memref<128xi32, #tpu.memory_space<hbm>>) target(%dma_start3A_72 : memref<128xi32, #tpu.memory_space<vmem>>) target_semaphore(%arg15 : memref<!tpu.dma_semaphore, #tpu.memory_space<semaphore_mem>>)
    %mul3A_74 = arith.constant 82 : i32
    %mul3A_75 = arith.muli %add3A, %mul3A_74 : i32
    %add3A_76 = arith.constant 1 : i32
    %add3A_77 = arith.addi %mul3A_75, %add3A_76 : i32
    %mul3A_78 = arith.constant 128 : i32
    %mul3A_79 = arith.muli %add3A_77, %mul3A_78 : i32
    %dma_start3A_80 = arith.constant 1 : i32
    %dma_start3A_81 = arith.constant 0 : i32
    %dma_start3A_82 = arith.constant 0 : i32
    %dma_start3A_83 = tpu.memref_slice %arg8[%dma_start3A_80, %dma_start3A_81, %dma_start3A_82] : memref<2x128x128xf32, #tpu.memory_space<vmem>> -> memref<1x128x128xf32, #tpu.memory_space<vmem>>
    %dma_start3A_84 = tpu.memref_squeeze %dma_start3A_83 : memref<1x128x128xf32, #tpu.memory_space<vmem>> -> memref<128x128xf32, #tpu.memory_space<vmem>>
    %dma_start3A_85 = arith.constant 0 : i32
    %dma_start3A_86 = tpu.memref_slice %arg2[%mul3A_79, %dma_start3A_85] : memref<335872x128xf32, #tpu.memory_space<hbm>> -> memref<128x128xf32, #tpu.memory_space<hbm>>
    %dma_start3A_87 = arith.constant 0 : i32
    %dma_start3A_88 = arith.constant 0 : i32
    %dma_start3A_89 = tpu.memref_slice %arg8[%dma_start3A_80, %dma_start3A_87, %dma_start3A_88] : memref<2x128x128xf32, #tpu.memory_space<vmem>> -> memref<1x128x128xf32, #tpu.memory_space<vmem>>
    %dma_start3A_90 = tpu.memref_squeeze %dma_start3A_89 : memref<1x128x128xf32, #tpu.memory_space<vmem>> -> memref<128x128xf32, #tpu.memory_space<vmem>>
    %dma_start3A_91 = arith.constant 0 : i32
    %dma_start3A_92 = tpu.memref_slice %arg2[%mul3A_79, %dma_start3A_91] : memref<335872x128xf32, #tpu.memory_space<hbm>> -> memref<128x128xf32, #tpu.memory_space<hbm>>
    tpu.enqueue_dma source(%dma_start3A_92 : memref<128x128xf32, #tpu.memory_space<hbm>>) target(%dma_start3A_90 : memref<128x128xf32, #tpu.memory_space<vmem>>) target_semaphore(%arg12 : memref<!tpu.dma_semaphore, #tpu.memory_space<semaphore_mem>>)
    %mul3A_93 = arith.constant 82 : i32
    %mul3A_94 = arith.muli %add3A, %mul3A_93 : i32
    %add3A_95 = arith.constant 1 : i32
    %add3A_96 = arith.addi %mul3A_94, %add3A_95 : i32
    %mul3A_97 = arith.constant 128 : i32
    %mul3A_98 = arith.muli %add3A_96, %mul3A_97 : i32
    %dma_start3A_99 = arith.constant 1 : i32
    %dma_start3A_100 = arith.constant 0 : i32
    %dma_start3A_101 = tpu.memref_slice %arg10[%dma_start3A_99, %dma_start3A_100] : memref<4x128xi32, #tpu.memory_space<vmem>> -> memref<1x128xi32, #tpu.memory_space<vmem>>
    %dma_start3A_102 = tpu.memref_squeeze %dma_start3A_101 : memref<1x128xi32, #tpu.memory_space<vmem>> -> memref<128xi32, #tpu.memory_space<vmem>>
    %dma_start3A_103 = tpu.memref_slice %arg3[%mul3A_98] : memref<335872xi32, #tpu.memory_space<hbm>> -> memref<128xi32, #tpu.memory_space<hbm>>
    %dma_start3A_104 = arith.constant 0 : i32
    %dma_start3A_105 = tpu.memref_slice %arg10[%dma_start3A_99, %dma_start3A_104] : memref<4x128xi32, #tpu.memory_space<vmem>> -> memref<1x128xi32, #tpu.memory_space<vmem>>
    %dma_start3A_106 = tpu.memref_squeeze %dma_start3A_105 : memref<1x128xi32, #tpu.memory_space<vmem>> -> memref<128xi32, #tpu.memory_space<vmem>>
    %dma_start3A_107 = tpu.memref_slice %arg3[%mul3A_98] : memref<335872xi32, #tpu.memory_space<hbm>> -> memref<128xi32, #tpu.memory_space<hbm>>
    tpu.enqueue_dma source(%dma_start3A_107 : memref<128xi32, #tpu.memory_space<hbm>>) target(%dma_start3A_106 : memref<128xi32, #tpu.memory_space<vmem>>) target_semaphore(%arg14 : memref<!tpu.dma_semaphore, #tpu.memory_space<semaphore_mem>>)
    %mul3A_108 = arith.constant 82 : i32
    %mul3A_109 = arith.muli %add3A, %mul3A_108 : i32
    %add3A_110 = arith.constant 1 : i32
    %add3A_111 = arith.addi %mul3A_109, %add3A_110 : i32
    %mul3A_112 = arith.constant 128 : i32
    %mul3A_113 = arith.muli %add3A_111, %mul3A_112 : i32
    %dma_start3A_114 = arith.constant 3 : i32
    %dma_start3A_115 = arith.constant 0 : i32
    %dma_start3A_116 = tpu.memref_slice %arg10[%dma_start3A_114, %dma_start3A_115] : memref<4x128xi32, #tpu.memory_space<vmem>> -> memref<1x128xi32, #tpu.memory_space<vmem>>
    %dma_start3A_117 = tpu.memref_squeeze %dma_start3A_116 : memref<1x128xi32, #tpu.memory_space<vmem>> -> memref<128xi32, #tpu.memory_space<vmem>>
    %dma_start3A_118 = tpu.memref_slice %arg4[%mul3A_113] : memref<335872xi32, #tpu.memory_space<hbm>> -> memref<128xi32, #tpu.memory_space<hbm>>
    %dma_start3A_119 = arith.constant 0 : i32
    %dma_start3A_120 = tpu.memref_slice %arg10[%dma_start3A_114, %dma_start3A_119] : memref<4x128xi32, #tpu.memory_space<vmem>> -> memref<1x128xi32, #tpu.memory_space<vmem>>
    %dma_start3A_121 = tpu.memref_squeeze %dma_start3A_120 : memref<1x128xi32, #tpu.memory_space<vmem>> -> memref<128xi32, #tpu.memory_space<vmem>>
    %dma_start3A_122 = tpu.memref_slice %arg4[%mul3A_113] : memref<335872xi32, #tpu.memory_space<hbm>> -> memref<128xi32, #tpu.memory_space<hbm>>
    tpu.enqueue_dma source(%dma_start3A_122 : memref<128xi32, #tpu.memory_space<hbm>>) target(%dma_start3A_121 : memref<128xi32, #tpu.memory_space<vmem>>) target_semaphore(%arg16 : memref<!tpu.dma_semaphore, #tpu.memory_space<semaphore_mem>>)
    %scan3A_123 = arith.constant 0 : i32
    %scan3A_124 = arith.constant 0 : i32
    %scan3A_125 = arith.constant 41 : i32
    %scan3A_126 = arith.addi %scan3A_124, %scan3A_125 : i32
    %scan3A_127 = arith.constant 1 : i32
    scf.for %scan3A_162 = %scan3A_124 to %scan3A_126 step %scan3A_127  : i32 {
      %mul3A_163 = arith.constant 2 : i32
      %mul3A_164 = arith.muli %mul3A_163, %scan3A_162 : i32
      %mul3A_165 = arith.constant 82 : i32
      %mul3A_166 = arith.muli %add3A, %mul3A_165 : i32
      %add3A_167 = arith.addi %mul3A_166, %mul3A_164 : i32
      %mul3A_168 = arith.constant 128 : i32
      %mul3A_169 = arith.muli %add3A_167, %mul3A_168 : i32
      %dma_wait3A_170 = arith.constant 0 : i32
      %dma_wait3A_171 = arith.constant 0 : i32
      %dma_wait3A_172 = tpu.memref_slice %arg10[%dma_wait3A_170, %dma_wait3A_171] : memref<4x128xi32, #tpu.memory_space<vmem>> -> memref<1x128xi32, #tpu.memory_space<vmem>>
      %dma_wait3A_173 = tpu.memref_squeeze %dma_wait3A_172 : memref<1x128xi32, #tpu.memory_space<vmem>> -> memref<128xi32, #tpu.memory_space<vmem>>
      %dma_wait3A_174 = tpu.memref_slice %arg3[%mul3A_169] : memref<335872xi32, #tpu.memory_space<hbm>> -> memref<128xi32, #tpu.memory_space<hbm>>
      %dma_wait3A_175 = arith.constant 0 : i32
      %dma_wait3A_176 = tpu.memref_slice %arg10[%dma_wait3A_170, %dma_wait3A_175] : memref<4x128xi32, #tpu.memory_space<vmem>> -> memref<1x128xi32, #tpu.memory_space<vmem>>
      %dma_wait3A_177 = tpu.memref_squeeze %dma_wait3A_176 : memref<1x128xi32, #tpu.memory_space<vmem>> -> memref<128xi32, #tpu.memory_space<vmem>>
      %dma_wait3A_178 = tpu.memref_slice %arg3[%mul3A_169] : memref<335872xi32, #tpu.memory_space<hbm>> -> memref<128xi32, #tpu.memory_space<hbm>>
      tpu.wait_dma2 semaphore(%arg13 : memref<!tpu.dma_semaphore, #tpu.memory_space<semaphore_mem>>) src(%dma_wait3A_178 : memref<128xi32, #tpu.memory_space<hbm>>) dst(%dma_wait3A_177 : memref<128xi32, #tpu.memory_space<vmem>>)
      %dma_start3A_179 = arith.constant 0 : i32
      %dma_start3A_180 = arith.constant 0 : i32
      %dma_start3A_181 = arith.constant 0 : i32
      %dma_start3A_182 = tpu.memref_slice %arg9[%dma_start3A_180, %dma_start3A_181] : memref<128x128xf32, #tpu.memory_space<vmem>> -> memref<64x128xf32, #tpu.memory_space<vmem>>
      %dma_start3A_183 = arith.constant 0 : i32
      %dma_start3A_184 = tpu.memref_slice %arg10[%dma_start3A_179, %dma_start3A_183] : memref<4x128xi32, #tpu.memory_space<vmem>> -> memref<1x64xi32, #tpu.memory_space<vmem>>
      %dma_start3A_185 = tpu.memref_squeeze %dma_start3A_184 : memref<1x64xi32, #tpu.memory_space<vmem>> -> memref<64xi32, #tpu.memory_space<vmem>>
      %dma_start3A_186 = arith.constant 0 : i32
      %dma_start3A_187 = arith.constant 0 : i32
      %dma_start3A_188 = tpu.memref_slice %arg5[%dma_start3A_186, %dma_start3A_187] : memref<10000x128xf32, #tpu.memory_space<hbm>> -> memref<10000x128xf32, #tpu.memory_space<hbm>>
      tpu.enqueue_indirect_dma source(%dma_start3A_188 : memref<10000x128xf32, #tpu.memory_space<hbm>>) target(%dma_start3A_182 : memref<64x128xf32, #tpu.memory_space<vmem>>) offsets(%dma_start3A_185 : memref<64xi32, #tpu.memory_space<vmem>>) semaphore(%arg17 : memref<!tpu.dma_semaphore, #tpu.memory_space<semaphore_mem>>)
      %dma_start3A_189 = arith.constant 0 : i32
      %dma_start3A_190 = arith.constant 64 : i32
      %dma_start3A_191 = arith.constant 0 : i32
      %dma_start3A_192 = tpu.memref_slice %arg9[%dma_start3A_190, %dma_start3A_191] : memref<128x128xf32, #tpu.memory_space<vmem>> -> memref<64x128xf32, #tpu.memory_space<vmem>>
      %dma_start3A_193 = arith.constant 64 : i32
      %dma_start3A_194 = tpu.memref_slice %arg10[%dma_start3A_189, %dma_start3A_193] : memref<4x128xi32, #tpu.memory_space<vmem>> -> memref<1x64xi32, #tpu.memory_space<vmem>>
      %dma_start3A_195 = tpu.memref_squeeze %dma_start3A_194 : memref<1x64xi32, #tpu.memory_space<vmem>> -> memref<64xi32, #tpu.memory_space<vmem>>
      %dma_start3A_196 = arith.constant 0 : i32
      %dma_start3A_197 = arith.constant 0 : i32
      %dma_start3A_198 = tpu.memref_slice %arg5[%dma_start3A_196, %dma_start3A_197] : memref<10000x128xf32, #tpu.memory_space<hbm>> -> memref<10000x128xf32, #tpu.memory_space<hbm>>
      tpu.enqueue_indirect_dma source(%dma_start3A_198 : memref<10000x128xf32, #tpu.memory_space<hbm>>) target(%dma_start3A_192 : memref<64x128xf32, #tpu.memory_space<vmem>>) offsets(%dma_start3A_195 : memref<64xi32, #tpu.memory_space<vmem>>) semaphore(%arg18 : memref<!tpu.dma_semaphore, #tpu.memory_space<semaphore_mem>>)
      %mul3A_199 = arith.constant 82 : i32
      %mul3A_200 = arith.muli %add3A, %mul3A_199 : i32
      %add3A_201 = arith.addi %mul3A_200, %mul3A_164 : i32
      %mul3A_202 = arith.constant 128 : i32
      %mul3A_203 = arith.muli %add3A_201, %mul3A_202 : i32
      %dma_wait3A_204 = arith.constant 0 : i32
      %dma_wait3A_205 = arith.constant 0 : i32
      %dma_wait3A_206 = arith.constant 0 : i32
      %dma_wait3A_207 = tpu.memref_slice %arg8[%dma_wait3A_204, %dma_wait3A_205, %dma_wait3A_206] : memref<2x128x128xf32, #tpu.memory_space<vmem>> -> memref<1x128x128xf32, #tpu.memory_space<vmem>>
      %dma_wait3A_208 = tpu.memref_squeeze %dma_wait3A_207 : memref<1x128x128xf32, #tpu.memory_space<vmem>> -> memref<128x128xf32, #tpu.memory_space<vmem>>
      %dma_wait3A_209 = arith.constant 0 : i32
      %dma_wait3A_210 = tpu.memref_slice %arg2[%mul3A_203, %dma_wait3A_209] : memref<335872x128xf32, #tpu.memory_space<hbm>> -> memref<128x128xf32, #tpu.memory_space<hbm>>
      %dma_wait3A_211 = arith.constant 0 : i32
      %dma_wait3A_212 = arith.constant 0 : i32
      %dma_wait3A_213 = tpu.memref_slice %arg8[%dma_wait3A_204, %dma_wait3A_211, %dma_wait3A_212] : memref<2x128x128xf32, #tpu.memory_space<vmem>> -> memref<1x128x128xf32, #tpu.memory_space<vmem>>
      %dma_wait3A_214 = tpu.memref_squeeze %dma_wait3A_213 : memref<1x128x128xf32, #tpu.memory_space<vmem>> -> memref<128x128xf32, #tpu.memory_space<vmem>>
      %dma_wait3A_215 = arith.constant 0 : i32
      %dma_wait3A_216 = tpu.memref_slice %arg2[%mul3A_203, %dma_wait3A_215] : memref<335872x128xf32, #tpu.memory_space<hbm>> -> memref<128x128xf32, #tpu.memory_space<hbm>>
      tpu.wait_dma2 semaphore(%arg11 : memref<!tpu.dma_semaphore, #tpu.memory_space<semaphore_mem>>) src(%dma_wait3A_216 : memref<128x128xf32, #tpu.memory_space<hbm>>) dst(%dma_wait3A_214 : memref<128x128xf32, #tpu.memory_space<vmem>>)
      %mul3A_217 = arith.constant 82 : i32
      %mul3A_218 = arith.muli %add3A, %mul3A_217 : i32
      %add3A_219 = arith.addi %mul3A_218, %mul3A_164 : i32
      %mul3A_220 = arith.constant 128 : i32
      %mul3A_221 = arith.muli %add3A_219, %mul3A_220 : i32
      %dma_wait3A_222 = arith.constant 2 : i32
      %dma_wait3A_223 = arith.constant 0 : i32
      %dma_wait3A_224 = tpu.memref_slice %arg10[%dma_wait3A_222, %dma_wait3A_223] : memref<4x128xi32, #tpu.memory_space<vmem>> -> memref<1x128xi32, #tpu.memory_space<vmem>>
      %dma_wait3A_225 = tpu.memref_squeeze %dma_wait3A_224 : memref<1x128xi32, #tpu.memory_space<vmem>> -> memref<128xi32, #tpu.memory_space<vmem>>
      %dma_wait3A_226 = tpu.memref_slice %arg4[%mul3A_221] : memref<335872xi32, #tpu.memory_space<hbm>> -> memref<128xi32, #tpu.memory_space<hbm>>
      %dma_wait3A_227 = arith.constant 0 : i32
      %dma_wait3A_228 = tpu.memref_slice %arg10[%dma_wait3A_222, %dma_wait3A_227] : memref<4x128xi32, #tpu.memory_space<vmem>> -> memref<1x128xi32, #tpu.memory_space<vmem>>
      %dma_wait3A_229 = tpu.memref_squeeze %dma_wait3A_228 : memref<1x128xi32, #tpu.memory_space<vmem>> -> memref<128xi32, #tpu.memory_space<vmem>>
      %dma_wait3A_230 = tpu.memref_slice %arg4[%mul3A_221] : memref<335872xi32, #tpu.memory_space<hbm>> -> memref<128xi32, #tpu.memory_space<hbm>>
      tpu.wait_dma2 semaphore(%arg15 : memref<!tpu.dma_semaphore, #tpu.memory_space<semaphore_mem>>) src(%dma_wait3A_230 : memref<128xi32, #tpu.memory_space<hbm>>) dst(%dma_wait3A_229 : memref<128xi32, #tpu.memory_space<vmem>>)
      %dma_wait3A_231 = arith.constant 0 : i32
      %dma_wait3A_232 = arith.constant 0 : i32
      %dma_wait3A_233 = arith.constant 0 : i32
      %dma_wait3A_234 = tpu.memref_slice %arg9[%dma_wait3A_232, %dma_wait3A_233] : memref<128x128xf32, #tpu.memory_space<vmem>> -> memref<64x128xf32, #tpu.memory_space<vmem>>
      %dma_wait3A_235 = arith.constant 0 : i32
      %dma_wait3A_236 = tpu.memref_slice %arg10[%dma_wait3A_231, %dma_wait3A_235] : memref<4x128xi32, #tpu.memory_space<vmem>> -> memref<1x64xi32, #tpu.memory_space<vmem>>
      %dma_wait3A_237 = tpu.memref_squeeze %dma_wait3A_236 : memref<1x64xi32, #tpu.memory_space<vmem>> -> memref<64xi32, #tpu.memory_space<vmem>>
      %dma_wait3A_238 = arith.constant 0 : i32
      %dma_wait3A_239 = arith.constant 0 : i32
      %dma_wait3A_240 = tpu.memref_slice %arg5[%dma_wait3A_238, %dma_wait3A_239] : memref<10000x128xf32, #tpu.memory_space<hbm>> -> memref<10000x128xf32, #tpu.memory_space<hbm>>
      tpu.wait_indirect_dma semaphore(%arg17 : memref<!tpu.dma_semaphore, #tpu.memory_space<semaphore_mem>>) src(%dma_wait3A_240 : memref<10000x128xf32, #tpu.memory_space<hbm>>) dst(%dma_wait3A_234 : memref<64x128xf32, #tpu.memory_space<vmem>>)
      %scan3A_241 = arith.constant 0 : i32
      %scan3A_242 = arith.constant 0 : i32
      %scan3A_243 = arith.constant 64 : i32
      %scan3A_244 = arith.addi %scan3A_242, %scan3A_243 : i32
      %scan3A_245 = arith.constant 1 : i32
      scf.for %scan3A_391 = %scan3A_242 to %scan3A_244 step %scan3A_245  : i32 {
        %get3A = arith.constant 0 : i32
        %get3A_392 = arith.index_cast %get3A : i32 to index
        %get3A_393 = arith.index_cast %scan3A_391 : i32 to index
        %get3A_394 = arith.constant 0 : index
        %get3A_395 = tpu.vector_load %arg8[%get3A_392, %get3A_393, %get3A_394] {strides = array<i32>} : memref<2x128x128xf32, #tpu.memory_space<vmem>>, vector<1x1x16xf32>,
        %get3A_396 = vector.shape_cast %get3A_395 : vector<1x1x16xf32> to vector<16xf32>
        %get3A_397 = arith.index_cast %scan3A_391 : i32 to index
        %get3A_398 = arith.constant 0 : index
        %get3A_399 = tpu.vector_load %arg9[%get3A_397, %get3A_398] {strides = array<i32>} : memref<128x128xf32, #tpu.memory_space<vmem>>, vector<1x16xf32>,
        %get3A_400 = vector.shape_cast %get3A_399 : vector<1x16xf32> to vector<16xf32>
        %mul3A_401 = arith.mulf %get3A_396, %get3A_400 : vector<16xf32>
        %swap3A = arith.constant 0 : i32
        %swap3A_402 = arith.index_cast %swap3A : i32 to index
        %swap3A_403 = arith.index_cast %scan3A_391 : i32 to index
        %swap3A_404 = arith.constant 0 : index
        %swap3A_405 = tpu.vector_load %arg8[%swap3A_402, %swap3A_403, %swap3A_404] {strides = array<i32>} : memref<2x128x128xf32, #tpu.memory_space<vmem>>, vector<1x1x16xf32>,
        %swap3A_406 = vector.shape_cast %swap3A_405 : vector<1x1x16xf32> to vector<16xf32>
        %swap3A_407 = vector.shape_cast %mul3A_401 : vector<16xf32> to vector<1x1x16xf32>
        tpu.vector_store %arg8[%swap3A_402, %swap3A_403, %swap3A_404], %swap3A_407 {strides = array<i32>} : memref<2x128x128xf32, #tpu.memory_space<vmem>>, vector<1x1x16xf32>,
        %get3A_408 = arith.constant 0 : i32
        %get3A_409 = arith.index_cast %get3A_408 : i32 to index
        %get3A_410 = arith.index_cast %scan3A_391 : i32 to index
        %get3A_411 = arith.constant 16 : index
        %get3A_412 = tpu.vector_load %arg8[%get3A_409, %get3A_410, %get3A_411] {strides = array<i32>} : memref<2x128x128xf32, #tpu.memory_space<vmem>>, vector<1x1x16xf32>,
        %get3A_413 = vector.shape_cast %get3A_412 : vector<1x1x16xf32> to vector<16xf32>
        %get3A_414 = arith.index_cast %scan3A_391 : i32 to index
        %get3A_415 = arith.constant 16 : index
        %get3A_416 = tpu.vector_load %arg9[%get3A_414, %get3A_415] {strides = array<i32>} : memref<128x128xf32, #tpu.memory_space<vmem>>, vector<1x16xf32>,
        %get3A_417 = vector.shape_cast %get3A_416 : vector<1x16xf32> to vector<16xf32>
        %mul3A_418 = arith.mulf %get3A_413, %get3A_417 : vector<16xf32>
        %swap3A_419 = arith.constant 0 : i32
        %swap3A_420 = arith.index_cast %swap3A_419 : i32 to index
        %swap3A_421 = arith.index_cast %scan3A_391 : i32 to index
        %swap3A_422 = arith.constant 16 : index
        %swap3A_423 = tpu.vector_load %arg8[%swap3A_420, %swap3A_421, %swap3A_422] {strides = array<i32>} : memref<2x128x128xf32, #tpu.memory_space<vmem>>, vector<1x1x16xf32>,
        %swap3A_424 = vector.shape_cast %swap3A_423 : vector<1x1x16xf32> to vector<16xf32>
        %swap3A_425 = vector.shape_cast %mul3A_418 : vector<16xf32> to vector<1x1x16xf32>
        tpu.vector_store %arg8[%swap3A_420, %swap3A_421, %swap3A_422], %swap3A_425 {strides = array<i32>} : memref<2x128x128xf32, #tpu.memory_space<vmem>>, vector<1x1x16xf32>,
        %get3A_426 = arith.constant 0 : i32
        %get3A_427 = arith.index_cast %get3A_426 : i32 to index
        %get3A_428 = arith.index_cast %scan3A_391 : i32 to index
        %get3A_429 = arith.constant 32 : index
        %get3A_430 = tpu.vector_load %arg8[%get3A_427, %get3A_428, %get3A_429] {strides = array<i32>} : memref<2x128x128xf32, #tpu.memory_space<vmem>>, vector<1x1x16xf32>,
        %get3A_431 = vector.shape_cast %get3A_430 : vector<1x1x16xf32> to vector<16xf32>
        %get3A_432 = arith.index_cast %scan3A_391 : i32 to index
        %get3A_433 = arith.constant 32 : index
        %get3A_434 = tpu.vector_load %arg9[%get3A_432, %get3A_433] {strides = array<i32>} : memref<128x128xf32, #tpu.memory_space<vmem>>, vector<1x16xf32>,
        %get3A_435 = vector.shape_cast %get3A_434 : vector<1x16xf32> to vector<16xf32>
        %mul3A_436 = arith.mulf %get3A_431, %get3A_435 : vector<16xf32>
        %swap3A_437 = arith.constant 0 : i32
        %swap3A_438 = arith.index_cast %swap3A_437 : i32 to index
        %swap3A_439 = arith.index_cast %scan3A_391 : i32 to index
        %swap3A_440 = arith.constant 32 : index
        %swap3A_441 = tpu.vector_load %arg8[%swap3A_438, %swap3A_439, %swap3A_440] {strides = array<i32>} : memref<2x128x128xf32, #tpu.memory_space<vmem>>, vector<1x1x16xf32>,
        %swap3A_442 = vector.shape_cast %swap3A_441 : vector<1x1x16xf32> to vector<16xf32>
        %swap3A_443 = vector.shape_cast %mul3A_436 : vector<16xf32> to vector<1x1x16xf32>
        tpu.vector_store %arg8[%swap3A_438, %swap3A_439, %swap3A_440], %swap3A_443 {strides = array<i32>} : memref<2x128x128xf32, #tpu.memory_space<vmem>>, vector<1x1x16xf32>,
        %get3A_444 = arith.constant 0 : i32
        %get3A_445 = arith.index_cast %get3A_444 : i32 to index
        %get3A_446 = arith.index_cast %scan3A_391 : i32 to index
        %get3A_447 = arith.constant 48 : index
        %get3A_448 = tpu.vector_load %arg8[%get3A_445, %get3A_446, %get3A_447] {strides = array<i32>} : memref<2x128x128xf32, #tpu.memory_space<vmem>>, vector<1x1x16xf32>,
        %get3A_449 = vector.shape_cast %get3A_448 : vector<1x1x16xf32> to vector<16xf32>
        %get3A_450 = arith.index_cast %scan3A_391 : i32 to index
        %get3A_451 = arith.constant 48 : index
        %get3A_452 = tpu.vector_load %arg9[%get3A_450, %get3A_451] {strides = array<i32>} : memref<128x128xf32, #tpu.memory_space<vmem>>, vector<1x16xf32>,
        %get3A_453 = vector.shape_cast %get3A_452 : vector<1x16xf32> to vector<16xf32>
        %mul3A_454 = arith.mulf %get3A_449, %get3A_453 : vector<16xf32>
        %swap3A_455 = arith.constant 0 : i32
        %swap3A_456 = arith.index_cast %swap3A_455 : i32 to index
        %swap3A_457 = arith.index_cast %scan3A_391 : i32 to index
        %swap3A_458 = arith.constant 48 : index
        %swap3A_459 = tpu.vector_load %arg8[%swap3A_456, %swap3A_457, %swap3A_458] {strides = array<i32>} : memref<2x128x128xf32, #tpu.memory_space<vmem>>, vector<1x1x16xf32>,
        %swap3A_460 = vector.shape_cast %swap3A_459 : vector<1x1x16xf32> to vector<16xf32>
        %swap3A_461 = vector.shape_cast %mul3A_454 : vector<16xf32> to vector<1x1x16xf32>
        tpu.vector_store %arg8[%swap3A_456, %swap3A_457, %swap3A_458], %swap3A_461 {strides = array<i32>} : memref<2x128x128xf32, #tpu.memory_space<vmem>>, vector<1x1x16xf32>,
        %get3A_462 = arith.constant 0 : i32
        %get3A_463 = arith.index_cast %get3A_462 : i32 to index
        %get3A_464 = arith.index_cast %scan3A_391 : i32 to index
        %get3A_465 = arith.constant 64 : index
        %get3A_466 = tpu.vector_load %arg8[%get3A_463, %get3A_464, %get3A_465] {strides = array<i32>} : memref<2x128x128xf32, #tpu.memory_space<vmem>>, vector<1x1x16xf32>,
        %get3A_467 = vector.shape_cast %get3A_466 : vector<1x1x16xf32> to vector<16xf32>
        %get3A_468 = arith.index_cast %scan3A_391 : i32 to index
        %get3A_469 = arith.constant 64 : index
        %get3A_470 = tpu.vector_load %arg9[%get3A_468, %get3A_469] {strides = array<i32>} : memref<128x128xf32, #tpu.memory_space<vmem>>, vector<1x16xf32>,
        %get3A_471 = vector.shape_cast %get3A_470 : vector<1x16xf32> to vector<16xf32>
        %mul3A_472 = arith.mulf %get3A_467, %get3A_471 : vector<16xf32>
        %swap3A_473 = arith.constant 0 : i32
        %swap3A_474 = arith.index_cast %swap3A_473 : i32 to index
        %swap3A_475 = arith.index_cast %scan3A_391 : i32 to index
        %swap3A_476 = arith.constant 64 : index
        %swap3A_477 = tpu.vector_load %arg8[%swap3A_474, %swap3A_475, %swap3A_476] {strides = array<i32>} : memref<2x128x128xf32, #tpu.memory_space<vmem>>, vector<1x1x16xf32>,
        %swap3A_478 = vector.shape_cast %swap3A_477 : vector<1x1x16xf32> to vector<16xf32>
        %swap3A_479 = vector.shape_cast %mul3A_472 : vector<16xf32> to vector<1x1x16xf32>
        tpu.vector_store %arg8[%swap3A_474, %swap3A_475, %swap3A_476], %swap3A_479 {strides = array<i32>} : memref<2x128x128xf32, #tpu.memory_space<vmem>>, vector<1x1x16xf32>,
        %get3A_480 = arith.constant 0 : i32
        %get3A_481 = arith.index_cast %get3A_480 : i32 to index
        %get3A_482 = arith.index_cast %scan3A_391 : i32 to index
        %get3A_483 = arith.constant 80 : index
        %get3A_484 = tpu.vector_load %arg8[%get3A_481, %get3A_482, %get3A_483] {strides = array<i32>} : memref<2x128x128xf32, #tpu.memory_space<vmem>>, vector<1x1x16xf32>,
        %get3A_485 = vector.shape_cast %get3A_484 : vector<1x1x16xf32> to vector<16xf32>
        %get3A_486 = arith.index_cast %scan3A_391 : i32 to index
        %get3A_487 = arith.constant 80 : index
        %get3A_488 = tpu.vector_load %arg9[%get3A_486, %get3A_487] {strides = array<i32>} : memref<128x128xf32, #tpu.memory_space<vmem>>, vector<1x16xf32>,
        %get3A_489 = vector.shape_cast %get3A_488 : vector<1x16xf32> to vector<16xf32>
        %mul3A_490 = arith.mulf %get3A_485, %get3A_489 : vector<16xf32>
        %swap3A_491 = arith.constant 0 : i32
        %swap3A_492 = arith.index_cast %swap3A_491 : i32 to index
        %swap3A_493 = arith.index_cast %scan3A_391 : i32 to index
        %swap3A_494 = arith.constant 80 : index
        %swap3A_495 = tpu.vector_load %arg8[%swap3A_492, %swap3A_493, %swap3A_494] {strides = array<i32>} : memref<2x128x128xf32, #tpu.memory_space<vmem>>, vector<1x1x16xf32>,
        %swap3A_496 = vector.shape_cast %swap3A_495 : vector<1x1x16xf32> to vector<16xf32>
        %swap3A_497 = vector.shape_cast %mul3A_490 : vector<16xf32> to vector<1x1x16xf32>
        tpu.vector_store %arg8[%swap3A_492, %swap3A_493, %swap3A_494], %swap3A_497 {strides = array<i32>} : memref<2x128x128xf32, #tpu.memory_space<vmem>>, vector<1x1x16xf32>,
        %get3A_498 = arith.constant 0 : i32
        %get3A_499 = arith.index_cast %get3A_498 : i32 to index
        %get3A_500 = arith.index_cast %scan3A_391 : i32 to index
        %get3A_501 = arith.constant 96 : index
        %get3A_502 = tpu.vector_load %arg8[%get3A_499, %get3A_500, %get3A_501] {strides = array<i32>} : memref<2x128x128xf32, #tpu.memory_space<vmem>>, vector<1x1x16xf32>,
        %get3A_503 = vector.shape_cast %get3A_502 : vector<1x1x16xf32> to vector<16xf32>
        %get3A_504 = arith.index_cast %scan3A_391 : i32 to index
        %get3A_505 = arith.constant 96 : index
        %get3A_506 = tpu.vector_load %arg9[%get3A_504, %get3A_505] {strides = array<i32>} : memref<128x128xf32, #tpu.memory_space<vmem>>, vector<1x16xf32>,
        %get3A_507 = vector.shape_cast %get3A_506 : vector<1x16xf32> to vector<16xf32>
        %mul3A_508 = arith.mulf %get3A_503, %get3A_507 : vector<16xf32>
        %swap3A_509 = arith.constant 0 : i32
        %swap3A_510 = arith.index_cast %swap3A_509 : i32 to index
        %swap3A_511 = arith.index_cast %scan3A_391 : i32 to index
        %swap3A_512 = arith.constant 96 : index
        %swap3A_513 = tpu.vector_load %arg8[%swap3A_510, %swap3A_511, %swap3A_512] {strides = array<i32>} : memref<2x128x128xf32, #tpu.memory_space<vmem>>, vector<1x1x16xf32>,
        %swap3A_514 = vector.shape_cast %swap3A_513 : vector<1x1x16xf32> to vector<16xf32>
        %swap3A_515 = vector.shape_cast %mul3A_508 : vector<16xf32> to vector<1x1x16xf32>
        tpu.vector_store %arg8[%swap3A_510, %swap3A_511, %swap3A_512], %swap3A_515 {strides = array<i32>} : memref<2x128x128xf32, #tpu.memory_space<vmem>>, vector<1x1x16xf32>,
        %get3A_516 = arith.constant 0 : i32
        %get3A_517 = arith.index_cast %get3A_516 : i32 to index
        %get3A_518 = arith.index_cast %scan3A_391 : i32 to index
        %get3A_519 = arith.constant 112 : index
        %get3A_520 = tpu.vector_load %arg8[%get3A_517, %get3A_518, %get3A_519] {strides = array<i32>} : memref<2x128x128xf32, #tpu.memory_space<vmem>>, vector<1x1x16xf32>,
        %get3A_521 = vector.shape_cast %get3A_520 : vector<1x1x16xf32> to vector<16xf32>
        %get3A_522 = arith.index_cast %scan3A_391 : i32 to index
        %get3A_523 = arith.constant 112 : index
        %get3A_524 = tpu.vector_load %arg9[%get3A_522, %get3A_523] {strides = array<i32>} : memref<128x128xf32, #tpu.memory_space<vmem>>, vector<1x16xf32>,
        %get3A_525 = vector.shape_cast %get3A_524 : vector<1x16xf32> to vector<16xf32>
        %mul3A_526 = arith.mulf %get3A_521, %get3A_525 : vector<16xf32>
        %swap3A_527 = arith.constant 0 : i32
        %swap3A_528 = arith.index_cast %swap3A_527 : i32 to index
        %swap3A_529 = arith.index_cast %scan3A_391 : i32 to index
        %swap3A_530 = arith.constant 112 : index
        %swap3A_531 = tpu.vector_load %arg8[%swap3A_528, %swap3A_529, %swap3A_530] {strides = array<i32>} : memref<2x128x128xf32, #tpu.memory_space<vmem>>, vector<1x1x16xf32>,
        %swap3A_532 = vector.shape_cast %swap3A_531 : vector<1x1x16xf32> to vector<16xf32>
        %swap3A_533 = vector.shape_cast %mul3A_526 : vector<16xf32> to vector<1x1x16xf32>
        tpu.vector_store %arg8[%swap3A_528, %swap3A_529, %swap3A_530], %swap3A_533 {strides = array<i32>} : memref<2x128x128xf32, #tpu.memory_space<vmem>>, vector<1x1x16xf32>,
      }
      %scan3A_246 = arith.constant 64 : i32
      %dma_wait3A_247 = arith.constant 0 : i32
      %dma_wait3A_248 = arith.constant 64 : i32
      %dma_wait3A_249 = arith.constant 0 : i32
      %dma_wait3A_250 = tpu.memref_slice %arg9[%dma_wait3A_248, %dma_wait3A_249] : memref<128x128xf32, #tpu.memory_space<vmem>> -> memref<64x128xf32, #tpu.memory_space<vmem>>
      %dma_wait3A_251 = arith.constant 64 : i32
      %dma_wait3A_252 = tpu.memref_slice %arg10[%dma_wait3A_247, %dma_wait3A_251] : memref<4x128xi32, #tpu.memory_space<vmem>> -> memref<1x64xi32, #tpu.memory_space<vmem>>
      %dma_wait3A_253 = tpu.memref_squeeze %dma_wait3A_252 : memref<1x64xi32, #tpu.memory_space<vmem>> -> memref<64xi32, #tpu.memory_space<vmem>>
      %dma_wait3A_254 = arith.constant 0 : i32
      %dma_wait3A_255 = arith.constant 0 : i32
      %dma_wait3A_256 = tpu.memref_slice %arg5[%dma_wait3A_254, %dma_wait3A_255] : memref<10000x128xf32, #tpu.memory_space<hbm>> -> memref<10000x128xf32, #tpu.memory_space<hbm>>
      tpu.wait_indirect_dma semaphore(%arg18 : memref<!tpu.dma_semaphore, #tpu.memory_space<semaphore_mem>>) src(%dma_wait3A_256 : memref<10000x128xf32, #tpu.memory_space<hbm>>) dst(%dma_wait3A_250 : memref<64x128xf32, #tpu.memory_space<vmem>>)
      %scan3A_257 = arith.constant 0 : i32
      %scan3A_258 = arith.constant 64 : i32
      %scan3A_259 = arith.constant 64 : i32
      %scan3A_260 = arith.addi %scan3A_258, %scan3A_259 : i32
      %scan3A_261 = arith.constant 1 : i32
      scf.for %scan3A_391 = %scan3A_258 to %scan3A_260 step %scan3A_261  : i32 {
        %get3A = arith.constant 0 : i32
        %get3A_392 = arith.index_cast %get3A : i32 to index
        %get3A_393 = arith.index_cast %scan3A_391 : i32 to index
        %get3A_394 = arith.constant 0 : index
        %get3A_395 = tpu.vector_load %arg8[%get3A_392, %get3A_393, %get3A_394] {strides = array<i32>} : memref<2x128x128xf32, #tpu.memory_space<vmem>>, vector<1x1x16xf32>,
        %get3A_396 = vector.shape_cast %get3A_395 : vector<1x1x16xf32> to vector<16xf32>
        %get3A_397 = arith.index_cast %scan3A_391 : i32 to index
        %get3A_398 = arith.constant 0 : index
        %get3A_399 = tpu.vector_load %arg9[%get3A_397, %get3A_398] {strides = array<i32>} : memref<128x128xf32, #tpu.memory_space<vmem>>, vector<1x16xf32>,
        %get3A_400 = vector.shape_cast %get3A_399 : vector<1x16xf32> to vector<16xf32>
        %mul3A_401 = arith.mulf %get3A_396, %get3A_400 : vector<16xf32>
        %swap3A = arith.constant 0 : i32
        %swap3A_402 = arith.index_cast %swap3A : i32 to index
        %swap3A_403 = arith.index_cast %scan3A_391 : i32 to index
        %swap3A_404 = arith.constant 0 : index
        %swap3A_405 = tpu.vector_load %arg8[%swap3A_402, %swap3A_403, %swap3A_404] {strides = array<i32>} : memref<2x128x128xf32, #tpu.memory_space<vmem>>, vector<1x1x16xf32>,
        %swap3A_406 = vector.shape_cast %swap3A_405 : vector<1x1x16xf32> to vector<16xf32>
        %swap3A_407 = vector.shape_cast %mul3A_401 : vector<16xf32> to vector<1x1x16xf32>
        tpu.vector_store %arg8[%swap3A_402, %swap3A_403, %swap3A_404], %swap3A_407 {strides = array<i32>} : memref<2x128x128xf32, #tpu.memory_space<vmem>>, vector<1x1x16xf32>,
        %get3A_408 = arith.constant 0 : i32
        %get3A_409 = arith.index_cast %get3A_408 : i32 to index
        %get3A_410 = arith.index_cast %scan3A_391 : i32 to index
        %get3A_411 = arith.constant 16 : index
        %get3A_412 = tpu.vector_load %arg8[%get3A_409, %get3A_410, %get3A_411] {strides = array<i32>} : memref<2x128x128xf32, #tpu.memory_space<vmem>>, vector<1x1x16xf32>,
        %get3A_413 = vector.shape_cast %get3A_412 : vector<1x1x16xf32> to vector<16xf32>
        %get3A_414 = arith.index_cast %scan3A_391 : i32 to index
        %get3A_415 = arith.constant 16 : index
        %get3A_416 = tpu.vector_load %arg9[%get3A_414, %get3A_415] {strides = array<i32>} : memref<128x128xf32, #tpu.memory_space<vmem>>, vector<1x16xf32>,
        %get3A_417 = vector.shape_cast %get3A_416 : vector<1x16xf32> to vector<16xf32>
        %mul3A_418 = arith.mulf %get3A_413, %get3A_417 : vector<16xf32>
        %swap3A_419 = arith.constant 0 : i32
        %swap3A_420 = arith.index_cast %swap3A_419 : i32 to index
        %swap3A_421 = arith.index_cast %scan3A_391 : i32 to index
        %swap3A_422 = arith.constant 16 : index
        %swap3A_423 = tpu.vector_load %arg8[%swap3A_420, %swap3A_421, %swap3A_422] {strides = array<i32>} : memref<2x128x128xf32, #tpu.memory_space<vmem>>, vector<1x1x16xf32>,
        %swap3A_424 = vector.shape_cast %swap3A_423 : vector<1x1x16xf32> to vector<16xf32>
        %swap3A_425 = vector.shape_cast %mul3A_418 : vector<16xf32> to vector<1x1x16xf32>
        tpu.vector_store %arg8[%swap3A_420, %swap3A_421, %swap3A_422], %swap3A_425 {strides = array<i32>} : memref<2x128x128xf32, #tpu.memory_space<vmem>>, vector<1x1x16xf32>,
        %get3A_426 = arith.constant 0 : i32
        %get3A_427 = arith.index_cast %get3A_426 : i32 to index
        %get3A_428 = arith.index_cast %scan3A_391 : i32 to index
        %get3A_429 = arith.constant 32 : index
        %get3A_430 = tpu.vector_load %arg8[%get3A_427, %get3A_428, %get3A_429] {strides = array<i32>} : memref<2x128x128xf32, #tpu.memory_space<vmem>>, vector<1x1x16xf32>,
        %get3A_431 = vector.shape_cast %get3A_430 : vector<1x1x16xf32> to vector<16xf32>
        %get3A_432 = arith.index_cast %scan3A_391 : i32 to index
        %get3A_433 = arith.constant 32 : index
        %get3A_434 = tpu.vector_load %arg9[%get3A_432, %get3A_433] {strides = array<i32>} : memref<128x128xf32, #tpu.memory_space<vmem>>, vector<1x16xf32>,
        %get3A_435 = vector.shape_cast %get3A_434 : vector<1x16xf32> to vector<16xf32>
        %mul3A_436 = arith.mulf %get3A_431, %get3A_435 : vector<16xf32>
        %swap3A_437 = arith.constant 0 : i32
        %swap3A_438 = arith.index_cast %swap3A_437 : i32 to index
        %swap3A_439 = arith.index_cast %scan3A_391 : i32 to index
        %swap3A_440 = arith.constant 32 : index
        %swap3A_441 = tpu.vector_load %arg8[%swap3A_438, %swap3A_439, %swap3A_440] {strides = array<i32>} : memref<2x128x128xf32, #tpu.memory_space<vmem>>, vector<1x1x16xf32>,
        %swap3A_442 = vector.shape_cast %swap3A_441 : vector<1x1x16xf32> to vector<16xf32>
        %swap3A_443 = vector.shape_cast %mul3A_436 : vector<16xf32> to vector<1x1x16xf32>
        tpu.vector_store %arg8[%swap3A_438, %swap3A_439, %swap3A_440], %swap3A_443 {strides = array<i32>} : memref<2x128x128xf32, #tpu.memory_space<vmem>>, vector<1x1x16xf32>,
        %get3A_444 = arith.constant 0 : i32
        %get3A_445 = arith.index_cast %get3A_444 : i32 to index
        %get3A_446 = arith.index_cast %scan3A_391 : i32 to index
        %get3A_447 = arith.constant 48 : index
        %get3A_448 = tpu.vector_load %arg8[%get3A_445, %get3A_446, %get3A_447] {strides = array<i32>} : memref<2x128x128xf32, #tpu.memory_space<vmem>>, vector<1x1x16xf32>,
        %get3A_449 = vector.shape_cast %get3A_448 : vector<1x1x16xf32> to vector<16xf32>
        %get3A_450 = arith.index_cast %scan3A_391 : i32 to index
        %get3A_451 = arith.constant 48 : index
        %get3A_452 = tpu.vector_load %arg9[%get3A_450, %get3A_451] {strides = array<i32>} : memref<128x128xf32, #tpu.memory_space<vmem>>, vector<1x16xf32>,
        %get3A_453 = vector.shape_cast %get3A_452 : vector<1x16xf32> to vector<16xf32>
        %mul3A_454 = arith.mulf %get3A_449, %get3A_453 : vector<16xf32>
        %swap3A_455 = arith.constant 0 : i32
        %swap3A_456 = arith.index_cast %swap3A_455 : i32 to index
        %swap3A_457 = arith.index_cast %scan3A_391 : i32 to index
        %swap3A_458 = arith.constant 48 : index
        %swap3A_459 = tpu.vector_load %arg8[%swap3A_456, %swap3A_457, %swap3A_458] {strides = array<i32>} : memref<2x128x128xf32, #tpu.memory_space<vmem>>, vector<1x1x16xf32>,
        %swap3A_460 = vector.shape_cast %swap3A_459 : vector<1x1x16xf32> to vector<16xf32>
        %swap3A_461 = vector.shape_cast %mul3A_454 : vector<16xf32> to vector<1x1x16xf32>
        tpu.vector_store %arg8[%swap3A_456, %swap3A_457, %swap3A_458], %swap3A_461 {strides = array<i32>} : memref<2x128x128xf32, #tpu.memory_space<vmem>>, vector<1x1x16xf32>,
        %get3A_462 = arith.constant 0 : i32
        %get3A_463 = arith.index_cast %get3A_462 : i32 to index
        %get3A_464 = arith.index_cast %scan3A_391 : i32 to index
        %get3A_465 = arith.constant 64 : index
        %get3A_466 = tpu.vector_load %arg8[%get3A_463, %get3A_464, %get3A_465] {strides = array<i32>} : memref<2x128x128xf32, #tpu.memory_space<vmem>>, vector<1x1x16xf32>,
        %get3A_467 = vector.shape_cast %get3A_466 : vector<1x1x16xf32> to vector<16xf32>
        %get3A_468 = arith.index_cast %scan3A_391 : i32 to index
        %get3A_469 = arith.constant 64 : index
        %get3A_470 = tpu.vector_load %arg9[%get3A_468, %get3A_469] {strides = array<i32>} : memref<128x128xf32, #tpu.memory_space<vmem>>, vector<1x16xf32>,
        %get3A_471 = vector.shape_cast %get3A_470 : vector<1x16xf32> to vector<16xf32>
        %mul3A_472 = arith.mulf %get3A_467, %get3A_471 : vector<16xf32>
        %swap3A_473 = arith.constant 0 : i32
        %swap3A_474 = arith.index_cast %swap3A_473 : i32 to index
        %swap3A_475 = arith.index_cast %scan3A_391 : i32 to index
        %swap3A_476 = arith.constant 64 : index
        %swap3A_477 = tpu.vector_load %arg8[%swap3A_474, %swap3A_475, %swap3A_476] {strides = array<i32>} : memref<2x128x128xf32, #tpu.memory_space<vmem>>, vector<1x1x16xf32>,
        %swap3A_478 = vector.shape_cast %swap3A_477 : vector<1x1x16xf32> to vector<16xf32>
        %swap3A_479 = vector.shape_cast %mul3A_472 : vector<16xf32> to vector<1x1x16xf32>
        tpu.vector_store %arg8[%swap3A_474, %swap3A_475, %swap3A_476], %swap3A_479 {strides = array<i32>} : memref<2x128x128xf32, #tpu.memory_space<vmem>>, vector<1x1x16xf32>,
        %get3A_480 = arith.constant 0 : i32
        %get3A_481 = arith.index_cast %get3A_480 : i32 to index
        %get3A_482 = arith.index_cast %scan3A_391 : i32 to index
        %get3A_483 = arith.constant 80 : index
        %get3A_484 = tpu.vector_load %arg8[%get3A_481, %get3A_482, %get3A_483] {strides = array<i32>} : memref<2x128x128xf32, #tpu.memory_space<vmem>>, vector<1x1x16xf32>,
        %get3A_485 = vector.shape_cast %get3A_484 : vector<1x1x16xf32> to vector<16xf32>
        %get3A_486 = arith.index_cast %scan3A_391 : i32 to index
        %get3A_487 = arith.constant 80 : index
        %get3A_488 = tpu.vector_load %arg9[%get3A_486, %get3A_487] {strides = array<i32>} : memref<128x128xf32, #tpu.memory_space<vmem>>, vector<1x16xf32>,
        %get3A_489 = vector.shape_cast %get3A_488 : vector<1x16xf32> to vector<16xf32>
        %mul3A_490 = arith.mulf %get3A_485, %get3A_489 : vector<16xf32>
        %swap3A_491 = arith.constant 0 : i32
        %swap3A_492 = arith.index_cast %swap3A_491 : i32 to index
        %swap3A_493 = arith.index_cast %scan3A_391 : i32 to index
        %swap3A_494 = arith.constant 80 : index
        %swap3A_495 = tpu.vector_load %arg8[%swap3A_492, %swap3A_493, %swap3A_494] {strides = array<i32>} : memref<2x128x128xf32, #tpu.memory_space<vmem>>, vector<1x1x16xf32>,
        %swap3A_496 = vector.shape_cast %swap3A_495 : vector<1x1x16xf32> to vector<16xf32>
        %swap3A_497 = vector.shape_cast %mul3A_490 : vector<16xf32> to vector<1x1x16xf32>
        tpu.vector_store %arg8[%swap3A_492, %swap3A_493, %swap3A_494], %swap3A_497 {strides = array<i32>} : memref<2x128x128xf32, #tpu.memory_space<vmem>>, vector<1x1x16xf32>,
        %get3A_498 = arith.constant 0 : i32
        %get3A_499 = arith.index_cast %get3A_498 : i32 to index
        %get3A_500 = arith.index_cast %scan3A_391 : i32 to index
        %get3A_501 = arith.constant 96 : index
        %get3A_502 = tpu.vector_load %arg8[%get3A_499, %get3A_500, %get3A_501] {strides = array<i32>} : memref<2x128x128xf32, #tpu.memory_space<vmem>>, vector<1x1x16xf32>,
        %get3A_503 = vector.shape_cast %get3A_502 : vector<1x1x16xf32> to vector<16xf32>
        %get3A_504 = arith.index_cast %scan3A_391 : i32 to index
        %get3A_505 = arith.constant 96 : index
        %get3A_506 = tpu.vector_load %arg9[%get3A_504, %get3A_505] {strides = array<i32>} : memref<128x128xf32, #tpu.memory_space<vmem>>, vector<1x16xf32>,
        %get3A_507 = vector.shape_cast %get3A_506 : vector<1x16xf32> to vector<16xf32>
        %mul3A_508 = arith.mulf %get3A_503, %get3A_507 : vector<16xf32>
        %swap3A_509 = arith.constant 0 : i32
        %swap3A_510 = arith.index_cast %swap3A_509 : i32 to index
        %swap3A_511 = arith.index_cast %scan3A_391 : i32 to index
        %swap3A_512 = arith.constant 96 : index
        %swap3A_513 = tpu.vector_load %arg8[%swap3A_510, %swap3A_511, %swap3A_512] {strides = array<i32>} : memref<2x128x128xf32, #tpu.memory_space<vmem>>, vector<1x1x16xf32>,
        %swap3A_514 = vector.shape_cast %swap3A_513 : vector<1x1x16xf32> to vector<16xf32>
        %swap3A_515 = vector.shape_cast %mul3A_508 : vector<16xf32> to vector<1x1x16xf32>
        tpu.vector_store %arg8[%swap3A_510, %swap3A_511, %swap3A_512], %swap3A_515 {strides = array<i32>} : memref<2x128x128xf32, #tpu.memory_space<vmem>>, vector<1x1x16xf32>,
        %get3A_516 = arith.constant 0 : i32
        %get3A_517 = arith.index_cast %get3A_516 : i32 to index
        %get3A_518 = arith.index_cast %scan3A_391 : i32 to index
        %get3A_519 = arith.constant 112 : index
        %get3A_520 = tpu.vector_load %arg8[%get3A_517, %get3A_518, %get3A_519] {strides = array<i32>} : memref<2x128x128xf32, #tpu.memory_space<vmem>>, vector<1x1x16xf32>,
        %get3A_521 = vector.shape_cast %get3A_520 : vector<1x1x16xf32> to vector<16xf32>
        %get3A_522 = arith.index_cast %scan3A_391 : i32 to index
        %get3A_523 = arith.constant 112 : index
        %get3A_524 = tpu.vector_load %arg9[%get3A_522, %get3A_523] {strides = array<i32>} : memref<128x128xf32, #tpu.memory_space<vmem>>, vector<1x16xf32>,
        %get3A_525 = vector.shape_cast %get3A_524 : vector<1x16xf32> to vector<16xf32>
        %mul3A_526 = arith.mulf %get3A_521, %get3A_525 : vector<16xf32>
        %swap3A_527 = arith.constant 0 : i32
        %swap3A_528 = arith.index_cast %swap3A_527 : i32 to index
        %swap3A_529 = arith.index_cast %scan3A_391 : i32 to index
        %swap3A_530 = arith.constant 112 : index
        %swap3A_531 = tpu.vector_load %arg8[%swap3A_528, %swap3A_529, %swap3A_530] {strides = array<i32>} : memref<2x128x128xf32, #tpu.memory_space<vmem>>, vector<1x1x16xf32>,
        %swap3A_532 = vector.shape_cast %swap3A_531 : vector<1x1x16xf32> to vector<16xf32>
        %swap3A_533 = vector.shape_cast %mul3A_526 : vector<16xf32> to vector<1x1x16xf32>
        tpu.vector_store %arg8[%swap3A_528, %swap3A_529, %swap3A_530], %swap3A_533 {strides = array<i32>} : memref<2x128x128xf32, #tpu.memory_space<vmem>>, vector<1x1x16xf32>,
      }
      %scan3A_262 = arith.constant 64 : i32
      %dma_start3A_263 = arith.constant 0 : i32
      %dma_start3A_264 = arith.constant 2 : i32
      %dma_start3A_265 = arith.constant 0 : i32
      %dma_start3A_266 = arith.constant 0 : i32
      %dma_start3A_267 = tpu.memref_slice %arg8[%dma_start3A_263, %dma_start3A_265, %dma_start3A_266] : memref<2x128x128xf32, #tpu.memory_space<vmem>> -> memref<1x128x128xf32, #tpu.memory_space<vmem>>
      %dma_start3A_268 = tpu.memref_squeeze %dma_start3A_267 : memref<1x128x128xf32, #tpu.memory_space<vmem>> -> memref<128x128xf32, #tpu.memory_space<vmem>>
      %dma_start3A_269 = arith.constant 0 : i32
      %dma_start3A_270 = tpu.memref_slice %arg10[%dma_start3A_264, %dma_start3A_269] : memref<4x128xi32, #tpu.memory_space<vmem>> -> memref<1x128xi32, #tpu.memory_space<vmem>>
      %dma_start3A_271 = tpu.memref_squeeze %dma_start3A_270 : memref<1x128xi32, #tpu.memory_space<vmem>> -> memref<128xi32, #tpu.memory_space<vmem>>
      %dma_start3A_272 = arith.constant 0 : i32
      %dma_start3A_273 = arith.constant 0 : i32
      %dma_start3A_274 = tpu.memref_slice %arg7[%dma_start3A_272, %dma_start3A_273] : memref<10000x128xf32, #tpu.memory_space<vmem_shared>> -> memref<10000x128xf32, #tpu.memory_space<vmem_shared>>
      tpu.enqueue_indirect_dma source(%dma_start3A_268 : memref<128x128xf32, #tpu.memory_space<vmem>>) target(%dma_start3A_274 : memref<10000x128xf32, #tpu.memory_space<vmem_shared>>) offsets(%dma_start3A_271 : memref<128xi32, #tpu.memory_space<vmem>>) semaphore(%arg19 : memref<!tpu.dma_semaphore, #tpu.memory_space<semaphore_mem>>) {add = true}
      %add3A_275 = arith.constant 1 : i32
      %add3A_276 = arith.addi %mul3A_164, %add3A_275 : i32
      %mul3A_277 = arith.constant 82 : i32
      %mul3A_278 = arith.muli %add3A, %mul3A_277 : i32
      %add3A_279 = arith.addi %mul3A_278, %add3A_276 : i32
      %mul3A_280 = arith.constant 128 : i32
      %mul3A_281 = arith.muli %add3A_279, %mul3A_280 : i32
      %dma_wait3A_282 = arith.constant 1 : i32
      %dma_wait3A_283 = arith.constant 0 : i32
      %dma_wait3A_284 = tpu.memref_slice %arg10[%dma_wait3A_282, %dma_wait3A_283] : memref<4x128xi32, #tpu.memory_space<vmem>> -> memref<1x128xi32, #tpu.memory_space<vmem>>
      %dma_wait3A_285 = tpu.memref_squeeze %dma_wait3A_284 : memref<1x128xi32, #tpu.memory_space<vmem>> -> memref<128xi32, #tpu.memory_space<vmem>>
      %dma_wait3A_286 = tpu.memref_slice %arg3[%mul3A_281] : memref<335872xi32, #tpu.memory_space<hbm>> -> memref<128xi32, #tpu.memory_space<hbm>>
      %dma_wait3A_287 = arith.constant 0 : i32
      %dma_wait3A_288 = tpu.memref_slice %arg10[%dma_wait3A_282, %dma_wait3A_287] : memref<4x128xi32, #tpu.memory_space<vmem>> -> memref<1x128xi32, #tpu.memory_space<vmem>>
      %dma_wait3A_289 = tpu.memref_squeeze %dma_wait3A_288 : memref<1x128xi32, #tpu.memory_space<vmem>> -> memref<128xi32, #tpu.memory_space<vmem>>
      %dma_wait3A_290 = tpu.memref_slice %arg3[%mul3A_281] : memref<335872xi32, #tpu.memory_space<hbm>> -> memref<128xi32, #tpu.memory_space<hbm>>
      tpu.wait_dma2 semaphore(%arg14 : memref<!tpu.dma_semaphore, #tpu.memory_space<semaphore_mem>>) src(%dma_wait3A_290 : memref<128xi32, #tpu.memory_space<hbm>>) dst(%dma_wait3A_289 : memref<128xi32, #tpu.memory_space<vmem>>)
      %dma_start3A_291 = arith.constant 1 : i32
      %dma_start3A_292 = arith.constant 0 : i32
      %dma_start3A_293 = arith.constant 0 : i32
      %dma_start3A_294 = tpu.memref_slice %arg9[%dma_start3A_292, %dma_start3A_293] : memref<128x128xf32, #tpu.memory_space<vmem>> -> memref<64x128xf32, #tpu.memory_space<vmem>>
      %dma_start3A_295 = arith.constant 0 : i32
      %dma_start3A_296 = tpu.memref_slice %arg10[%dma_start3A_291, %dma_start3A_295] : memref<4x128xi32, #tpu.memory_space<vmem>> -> memref<1x64xi32, #tpu.memory_space<vmem>>
      %dma_start3A_297 = tpu.memref_squeeze %dma_start3A_296 : memref<1x64xi32, #tpu.memory_space<vmem>> -> memref<64xi32, #tpu.memory_space<vmem>>
      %dma_start3A_298 = arith.constant 0 : i32
      %dma_start3A_299 = arith.constant 0 : i32
      %dma_start3A_300 = tpu.memref_slice %arg5[%dma_start3A_298, %dma_start3A_299] : memref<10000x128xf32, #tpu.memory_space<hbm>> -> memref<10000x128xf32, #tpu.memory_space<hbm>>
      tpu.enqueue_indirect_dma source(%dma_start3A_300 : memref<10000x128xf32, #tpu.memory_space<hbm>>) target(%dma_start3A_294 : memref<64x128xf32, #tpu.memory_space<vmem>>) offsets(%dma_start3A_297 : memref<64xi32, #tpu.memory_space<vmem>>) semaphore(%arg17 : memref<!tpu.dma_semaphore, #tpu.memory_space<semaphore_mem>>)
      %dma_start3A_301 = arith.constant 1 : i32
      %dma_start3A_302 = arith.constant 64 : i32
      %dma_start3A_303 = arith.constant 0 : i32
      %dma_start3A_304 = tpu.memref_slice %arg9[%dma_start3A_302, %dma_start3A_303] : memref<128x128xf32, #tpu.memory_space<vmem>> -> memref<64x128xf32, #tpu.memory_space<vmem>>
      %dma_start3A_305 = arith.constant 64 : i32
      %dma_start3A_306 = tpu.memref_slice %arg10[%dma_start3A_301, %dma_start3A_305] : memref<4x128xi32, #tpu.memory_space<vmem>> -> memref<1x64xi32, #tpu.memory_space<vmem>>
      %dma_start3A_307 = tpu.memref_squeeze %dma_start3A_306 : memref<1x64xi32, #tpu.memory_space<vmem>> -> memref<64xi32, #tpu.memory_space<vmem>>
      %dma_start3A_308 = arith.constant 0 : i32
      %dma_start3A_309 = arith.constant 0 : i32
      %dma_start3A_310 = tpu.memref_slice %arg5[%dma_start3A_308, %dma_start3A_309] : memref<10000x128xf32, #tpu.memory_space<hbm>> -> memref<10000x128xf32, #tpu.memory_space<hbm>>
      tpu.enqueue_indirect_dma source(%dma_start3A_310 : memref<10000x128xf32, #tpu.memory_space<hbm>>) target(%dma_start3A_304 : memref<64x128xf32, #tpu.memory_space<vmem>>) offsets(%dma_start3A_307 : memref<64xi32, #tpu.memory_space<vmem>>) semaphore(%arg18 : memref<!tpu.dma_semaphore, #tpu.memory_space<semaphore_mem>>)
      %mul3A_311 = arith.constant 82 : i32
      %mul3A_312 = arith.muli %add3A, %mul3A_311 : i32
      %add3A_313 = arith.addi %mul3A_312, %add3A_276 : i32
      %mul3A_314 = arith.constant 128 : i32
      %mul3A_315 = arith.muli %add3A_313, %mul3A_314 : i32
      %dma_wait3A_316 = arith.constant 1 : i32
      %dma_wait3A_317 = arith.constant 0 : i32
      %dma_wait3A_318 = arith.constant 0 : i32
      %dma_wait3A_319 = tpu.memref_slice %arg8[%dma_wait3A_316, %dma_wait3A_317, %dma_wait3A_318] : memref<2x128x128xf32, #tpu.memory_space<vmem>> -> memref<1x128x128xf32, #tpu.memory_space<vmem>>
      %dma_wait3A_320 = tpu.memref_squeeze %dma_wait3A_319 : memref<1x128x128xf32, #tpu.memory_space<vmem>> -> memref<128x128xf32, #tpu.memory_space<vmem>>
      %dma_wait3A_321 = arith.constant 0 : i32
      %dma_wait3A_322 = tpu.memref_slice %arg2[%mul3A_315, %dma_wait3A_321] : memref<335872x128xf32, #tpu.memory_space<hbm>> -> memref<128x128xf32, #tpu.memory_space<hbm>>
      %dma_wait3A_323 = arith.constant 0 : i32
      %dma_wait3A_324 = arith.constant 0 : i32
      %dma_wait3A_325 = tpu.memref_slice %arg8[%dma_wait3A_316, %dma_wait3A_323, %dma_wait3A_324] : memref<2x128x128xf32, #tpu.memory_space<vmem>> -> memref<1x128x128xf32, #tpu.memory_space<vmem>>
      %dma_wait3A_326 = tpu.memref_squeeze %dma_wait3A_325 : memref<1x128x128xf32, #tpu.memory_space<vmem>> -> memref<128x128xf32, #tpu.memory_space<vmem>>
      %dma_wait3A_327 = arith.constant 0 : i32
      %dma_wait3A_328 = tpu.memref_slice %arg2[%mul3A_315, %dma_wait3A_327] : memref<335872x128xf32, #tpu.memory_space<hbm>> -> memref<128x128xf32, #tpu.memory_space<hbm>>
      tpu.wait_dma2 semaphore(%arg12 : memref<!tpu.dma_semaphore, #tpu.memory_space<semaphore_mem>>) src(%dma_wait3A_328 : memref<128x128xf32, #tpu.memory_space<hbm>>) dst(%dma_wait3A_326 : memref<128x128xf32, #tpu.memory_space<vmem>>)
      %mul3A_329 = arith.constant 82 : i32
      %mul3A_330 = arith.muli %add3A, %mul3A_329 : i32
      %add3A_331 = arith.addi %mul3A_330, %add3A_276 : i32
      %mul3A_332 = arith.constant 128 : i32
      %mul3A_333 = arith.muli %add3A_331, %mul3A_332 : i32
      %dma_wait3A_334 = arith.constant 3 : i32
      %dma_wait3A_335 = arith.constant 0 : i32
      %dma_wait3A_336 = tpu.memref_slice %arg10[%dma_wait3A_334, %dma_wait3A_335] : memref<4x128xi32, #tpu.memory_space<vmem>> -> memref<1x128xi32, #tpu.memory_space<vmem>>
      %dma_wait3A_337 = tpu.memref_squeeze %dma_wait3A_336 : memref<1x128xi32, #tpu.memory_space<vmem>> -> memref<128xi32, #tpu.memory_space<vmem>>
      %dma_wait3A_338 = tpu.memref_slice %arg4[%mul3A_333] : memref<335872xi32, #tpu.memory_space<hbm>> -> memref<128xi32, #tpu.memory_space<hbm>>
      %dma_wait3A_339 = arith.constant 0 : i32
      %dma_wait3A_340 = tpu.memref_slice %arg10[%dma_wait3A_334, %dma_wait3A_339] : memref<4x128xi32, #tpu.memory_space<vmem>> -> memref<1x128xi32, #tpu.memory_space<vmem>>
      %dma_wait3A_341 = tpu.memref_squeeze %dma_wait3A_340 : memref<1x128xi32, #tpu.memory_space<vmem>> -> memref<128xi32, #tpu.memory_space<vmem>>
      %dma_wait3A_342 = tpu.memref_slice %arg4[%mul3A_333] : memref<335872xi32, #tpu.memory_space<hbm>> -> memref<128xi32, #tpu.memory_space<hbm>>
      tpu.wait_dma2 semaphore(%arg16 : memref<!tpu.dma_semaphore, #tpu.memory_space<semaphore_mem>>) src(%dma_wait3A_342 : memref<128xi32, #tpu.memory_space<hbm>>) dst(%dma_wait3A_341 : memref<128xi32, #tpu.memory_space<vmem>>)
      %dma_wait3A_343 = arith.constant 1 : i32
      %dma_wait3A_344 = arith.constant 0 : i32
      %dma_wait3A_345 = arith.constant 0 : i32
      %dma_wait3A_346 = tpu.memref_slice %arg9[%dma_wait3A_344, %dma_wait3A_345] : memref<128x128xf32, #tpu.memory_space<vmem>> -> memref<64x128xf32, #tpu.memory_space<vmem>>
      %dma_wait3A_347 = arith.constant 0 : i32
      %dma_wait3A_348 = tpu.memref_slice %arg10[%dma_wait3A_343, %dma_wait3A_347] : memref<4x128xi32, #tpu.memory_space<vmem>> -> memref<1x64xi32, #tpu.memory_space<vmem>>
      %dma_wait3A_349 = tpu.memref_squeeze %dma_wait3A_348 : memref<1x64xi32, #tpu.memory_space<vmem>> -> memref<64xi32, #tpu.memory_space<vmem>>
      %dma_wait3A_350 = arith.constant 0 : i32
      %dma_wait3A_351 = arith.constant 0 : i32
      %dma_wait3A_352 = tpu.memref_slice %arg5[%dma_wait3A_350, %dma_wait3A_351] : memref<10000x128xf32, #tpu.memory_space<hbm>> -> memref<10000x128xf32, #tpu.memory_space<hbm>>
      tpu.wait_indirect_dma semaphore(%arg17 : memref<!tpu.dma_semaphore, #tpu.memory_space<semaphore_mem>>) src(%dma_wait3A_352 : memref<10000x128xf32, #tpu.memory_space<hbm>>) dst(%dma_wait3A_346 : memref<64x128xf32, #tpu.memory_space<vmem>>)
      %scan3A_353 = arith.constant 0 : i32
      %scan3A_354 = arith.constant 0 : i32
      %scan3A_355 = arith.constant 64 : i32
      %scan3A_356 = arith.addi %scan3A_354, %scan3A_355 : i32
      %scan3A_357 = arith.constant 1 : i32
      scf.for %scan3A_391 = %scan3A_354 to %scan3A_356 step %scan3A_357  : i32 {
        %get3A = arith.constant 1 : i32
        %get3A_392 = arith.index_cast %get3A : i32 to index
        %get3A_393 = arith.index_cast %scan3A_391 : i32 to index
        %get3A_394 = arith.constant 0 : index
        %get3A_395 = tpu.vector_load %arg8[%get3A_392, %get3A_393, %get3A_394] {strides = array<i32>} : memref<2x128x128xf32, #tpu.memory_space<vmem>>, vector<1x1x16xf32>,
        %get3A_396 = vector.shape_cast %get3A_395 : vector<1x1x16xf32> to vector<16xf32>
        %get3A_397 = arith.index_cast %scan3A_391 : i32 to index
        %get3A_398 = arith.constant 0 : index
        %get3A_399 = tpu.vector_load %arg9[%get3A_397, %get3A_398] {strides = array<i32>} : memref<128x128xf32, #tpu.memory_space<vmem>>, vector<1x16xf32>,
        %get3A_400 = vector.shape_cast %get3A_399 : vector<1x16xf32> to vector<16xf32>
        %mul3A_401 = arith.mulf %get3A_396, %get3A_400 : vector<16xf32>
        %swap3A = arith.constant 1 : i32
        %swap3A_402 = arith.index_cast %swap3A : i32 to index
        %swap3A_403 = arith.index_cast %scan3A_391 : i32 to index
        %swap3A_404 = arith.constant 0 : index
        %swap3A_405 = tpu.vector_load %arg8[%swap3A_402, %swap3A_403, %swap3A_404] {strides = array<i32>} : memref<2x128x128xf32, #tpu.memory_space<vmem>>, vector<1x1x16xf32>,
        %swap3A_406 = vector.shape_cast %swap3A_405 : vector<1x1x16xf32> to vector<16xf32>
        %swap3A_407 = vector.shape_cast %mul3A_401 : vector<16xf32> to vector<1x1x16xf32>
        tpu.vector_store %arg8[%swap3A_402, %swap3A_403, %swap3A_404], %swap3A_407 {strides = array<i32>} : memref<2x128x128xf32, #tpu.memory_space<vmem>>, vector<1x1x16xf32>,
        %get3A_408 = arith.constant 1 : i32
        %get3A_409 = arith.index_cast %get3A_408 : i32 to index
        %get3A_410 = arith.index_cast %scan3A_391 : i32 to index
        %get3A_411 = arith.constant 16 : index
        %get3A_412 = tpu.vector_load %arg8[%get3A_409, %get3A_410, %get3A_411] {strides = array<i32>} : memref<2x128x128xf32, #tpu.memory_space<vmem>>, vector<1x1x16xf32>,
        %get3A_413 = vector.shape_cast %get3A_412 : vector<1x1x16xf32> to vector<16xf32>
        %get3A_414 = arith.index_cast %scan3A_391 : i32 to index
        %get3A_415 = arith.constant 16 : index
        %get3A_416 = tpu.vector_load %arg9[%get3A_414, %get3A_415] {strides = array<i32>} : memref<128x128xf32, #tpu.memory_space<vmem>>, vector<1x16xf32>,
        %get3A_417 = vector.shape_cast %get3A_416 : vector<1x16xf32> to vector<16xf32>
        %mul3A_418 = arith.mulf %get3A_413, %get3A_417 : vector<16xf32>
        %swap3A_419 = arith.constant 1 : i32
        %swap3A_420 = arith.index_cast %swap3A_419 : i32 to index
        %swap3A_421 = arith.index_cast %scan3A_391 : i32 to index
        %swap3A_422 = arith.constant 16 : index
        %swap3A_423 = tpu.vector_load %arg8[%swap3A_420, %swap3A_421, %swap3A_422] {strides = array<i32>} : memref<2x128x128xf32, #tpu.memory_space<vmem>>, vector<1x1x16xf32>,
        %swap3A_424 = vector.shape_cast %swap3A_423 : vector<1x1x16xf32> to vector<16xf32>
        %swap3A_425 = vector.shape_cast %mul3A_418 : vector<16xf32> to vector<1x1x16xf32>
        tpu.vector_store %arg8[%swap3A_420, %swap3A_421, %swap3A_422], %swap3A_425 {strides = array<i32>} : memref<2x128x128xf32, #tpu.memory_space<vmem>>, vector<1x1x16xf32>,
        %get3A_426 = arith.constant 1 : i32
        %get3A_427 = arith.index_cast %get3A_426 : i32 to index
        %get3A_428 = arith.index_cast %scan3A_391 : i32 to index
        %get3A_429 = arith.constant 32 : index
        %get3A_430 = tpu.vector_load %arg8[%get3A_427, %get3A_428, %get3A_429] {strides = array<i32>} : memref<2x128x128xf32, #tpu.memory_space<vmem>>, vector<1x1x16xf32>,
        %get3A_431 = vector.shape_cast %get3A_430 : vector<1x1x16xf32> to vector<16xf32>
        %get3A_432 = arith.index_cast %scan3A_391 : i32 to index
        %get3A_433 = arith.constant 32 : index
        %get3A_434 = tpu.vector_load %arg9[%get3A_432, %get3A_433] {strides = array<i32>} : memref<128x128xf32, #tpu.memory_space<vmem>>, vector<1x16xf32>,
        %get3A_435 = vector.shape_cast %get3A_434 : vector<1x16xf32> to vector<16xf32>
        %mul3A_436 = arith.mulf %get3A_431, %get3A_435 : vector<16xf32>
        %swap3A_437 = arith.constant 1 : i32
        %swap3A_438 = arith.index_cast %swap3A_437 : i32 to index
        %swap3A_439 = arith.index_cast %scan3A_391 : i32 to index
        %swap3A_440 = arith.constant 32 : index
        %swap3A_441 = tpu.vector_load %arg8[%swap3A_438, %swap3A_439, %swap3A_440] {strides = array<i32>} : memref<2x128x128xf32, #tpu.memory_space<vmem>>, vector<1x1x16xf32>,
        %swap3A_442 = vector.shape_cast %swap3A_441 : vector<1x1x16xf32> to vector<16xf32>
        %swap3A_443 = vector.shape_cast %mul3A_436 : vector<16xf32> to vector<1x1x16xf32>
        tpu.vector_store %arg8[%swap3A_438, %swap3A_439, %swap3A_440], %swap3A_443 {strides = array<i32>} : memref<2x128x128xf32, #tpu.memory_space<vmem>>, vector<1x1x16xf32>,
        %get3A_444 = arith.constant 1 : i32
        %get3A_445 = arith.index_cast %get3A_444 : i32 to index
        %get3A_446 = arith.index_cast %scan3A_391 : i32 to index
        %get3A_447 = arith.constant 48 : index
        %get3A_448 = tpu.vector_load %arg8[%get3A_445, %get3A_446, %get3A_447] {strides = array<i32>} : memref<2x128x128xf32, #tpu.memory_space<vmem>>, vector<1x1x16xf32>,
        %get3A_449 = vector.shape_cast %get3A_448 : vector<1x1x16xf32> to vector<16xf32>
        %get3A_450 = arith.index_cast %scan3A_391 : i32 to index
        %get3A_451 = arith.constant 48 : index
        %get3A_452 = tpu.vector_load %arg9[%get3A_450, %get3A_451] {strides = array<i32>} : memref<128x128xf32, #tpu.memory_space<vmem>>, vector<1x16xf32>,
        %get3A_453 = vector.shape_cast %get3A_452 : vector<1x16xf32> to vector<16xf32>
        %mul3A_454 = arith.mulf %get3A_449, %get3A_453 : vector<16xf32>
        %swap3A_455 = arith.constant 1 : i32
        %swap3A_456 = arith.index_cast %swap3A_455 : i32 to index
        %swap3A_457 = arith.index_cast %scan3A_391 : i32 to index
        %swap3A_458 = arith.constant 48 : index
        %swap3A_459 = tpu.vector_load %arg8[%swap3A_456, %swap3A_457, %swap3A_458] {strides = array<i32>} : memref<2x128x128xf32, #tpu.memory_space<vmem>>, vector<1x1x16xf32>,
        %swap3A_460 = vector.shape_cast %swap3A_459 : vector<1x1x16xf32> to vector<16xf32>
        %swap3A_461 = vector.shape_cast %mul3A_454 : vector<16xf32> to vector<1x1x16xf32>
        tpu.vector_store %arg8[%swap3A_456, %swap3A_457, %swap3A_458], %swap3A_461 {strides = array<i32>} : memref<2x128x128xf32, #tpu.memory_space<vmem>>, vector<1x1x16xf32>,
        %get3A_462 = arith.constant 1 : i32
        %get3A_463 = arith.index_cast %get3A_462 : i32 to index
        %get3A_464 = arith.index_cast %scan3A_391 : i32 to index
        %get3A_465 = arith.constant 64 : index
        %get3A_466 = tpu.vector_load %arg8[%get3A_463, %get3A_464, %get3A_465] {strides = array<i32>} : memref<2x128x128xf32, #tpu.memory_space<vmem>>, vector<1x1x16xf32>,
        %get3A_467 = vector.shape_cast %get3A_466 : vector<1x1x16xf32> to vector<16xf32>
        %get3A_468 = arith.index_cast %scan3A_391 : i32 to index
        %get3A_469 = arith.constant 64 : index
        %get3A_470 = tpu.vector_load %arg9[%get3A_468, %get3A_469] {strides = array<i32>} : memref<128x128xf32, #tpu.memory_space<vmem>>, vector<1x16xf32>,
        %get3A_471 = vector.shape_cast %get3A_470 : vector<1x16xf32> to vector<16xf32>
        %mul3A_472 = arith.mulf %get3A_467, %get3A_471 : vector<16xf32>
        %swap3A_473 = arith.constant 1 : i32
        %swap3A_474 = arith.index_cast %swap3A_473 : i32 to index
        %swap3A_475 = arith.index_cast %scan3A_391 : i32 to index
        %swap3A_476 = arith.constant 64 : index
        %swap3A_477 = tpu.vector_load %arg8[%swap3A_474, %swap3A_475, %swap3A_476] {strides = array<i32>} : memref<2x128x128xf32, #tpu.memory_space<vmem>>, vector<1x1x16xf32>,
        %swap3A_478 = vector.shape_cast %swap3A_477 : vector<1x1x16xf32> to vector<16xf32>
        %swap3A_479 = vector.shape_cast %mul3A_472 : vector<16xf32> to vector<1x1x16xf32>
        tpu.vector_store %arg8[%swap3A_474, %swap3A_475, %swap3A_476], %swap3A_479 {strides = array<i32>} : memref<2x128x128xf32, #tpu.memory_space<vmem>>, vector<1x1x16xf32>,
        %get3A_480 = arith.constant 1 : i32
        %get3A_481 = arith.index_cast %get3A_480 : i32 to index
        %get3A_482 = arith.index_cast %scan3A_391 : i32 to index
        %get3A_483 = arith.constant 80 : index
        %get3A_484 = tpu.vector_load %arg8[%get3A_481, %get3A_482, %get3A_483] {strides = array<i32>} : memref<2x128x128xf32, #tpu.memory_space<vmem>>, vector<1x1x16xf32>,
        %get3A_485 = vector.shape_cast %get3A_484 : vector<1x1x16xf32> to vector<16xf32>
        %get3A_486 = arith.index_cast %scan3A_391 : i32 to index
        %get3A_487 = arith.constant 80 : index
        %get3A_488 = tpu.vector_load %arg9[%get3A_486, %get3A_487] {strides = array<i32>} : memref<128x128xf32, #tpu.memory_space<vmem>>, vector<1x16xf32>,
        %get3A_489 = vector.shape_cast %get3A_488 : vector<1x16xf32> to vector<16xf32>
        %mul3A_490 = arith.mulf %get3A_485, %get3A_489 : vector<16xf32>
        %swap3A_491 = arith.constant 1 : i32
        %swap3A_492 = arith.index_cast %swap3A_491 : i32 to index
        %swap3A_493 = arith.index_cast %scan3A_391 : i32 to index
        %swap3A_494 = arith.constant 80 : index
        %swap3A_495 = tpu.vector_load %arg8[%swap3A_492, %swap3A_493, %swap3A_494] {strides = array<i32>} : memref<2x128x128xf32, #tpu.memory_space<vmem>>, vector<1x1x16xf32>,
        %swap3A_496 = vector.shape_cast %swap3A_495 : vector<1x1x16xf32> to vector<16xf32>
        %swap3A_497 = vector.shape_cast %mul3A_490 : vector<16xf32> to vector<1x1x16xf32>
        tpu.vector_store %arg8[%swap3A_492, %swap3A_493, %swap3A_494], %swap3A_497 {strides = array<i32>} : memref<2x128x128xf32, #tpu.memory_space<vmem>>, vector<1x1x16xf32>,
        %get3A_498 = arith.constant 1 : i32
        %get3A_499 = arith.index_cast %get3A_498 : i32 to index
        %get3A_500 = arith.index_cast %scan3A_391 : i32 to index
        %get3A_501 = arith.constant 96 : index
        %get3A_502 = tpu.vector_load %arg8[%get3A_499, %get3A_500, %get3A_501] {strides = array<i32>} : memref<2x128x128xf32, #tpu.memory_space<vmem>>, vector<1x1x16xf32>,
        %get3A_503 = vector.shape_cast %get3A_502 : vector<1x1x16xf32> to vector<16xf32>
        %get3A_504 = arith.index_cast %scan3A_391 : i32 to index
        %get3A_505 = arith.constant 96 : index
        %get3A_506 = tpu.vector_load %arg9[%get3A_504, %get3A_505] {strides = array<i32>} : memref<128x128xf32, #tpu.memory_space<vmem>>, vector<1x16xf32>,
        %get3A_507 = vector.shape_cast %get3A_506 : vector<1x16xf32> to vector<16xf32>
        %mul3A_508 = arith.mulf %get3A_503, %get3A_507 : vector<16xf32>
        %swap3A_509 = arith.constant 1 : i32
        %swap3A_510 = arith.index_cast %swap3A_509 : i32 to index
        %swap3A_511 = arith.index_cast %scan3A_391 : i32 to index
        %swap3A_512 = arith.constant 96 : index
        %swap3A_513 = tpu.vector_load %arg8[%swap3A_510, %swap3A_511, %swap3A_512] {strides = array<i32>} : memref<2x128x128xf32, #tpu.memory_space<vmem>>, vector<1x1x16xf32>,
        %swap3A_514 = vector.shape_cast %swap3A_513 : vector<1x1x16xf32> to vector<16xf32>
        %swap3A_515 = vector.shape_cast %mul3A_508 : vector<16xf32> to vector<1x1x16xf32>
        tpu.vector_store %arg8[%swap3A_510, %swap3A_511, %swap3A_512], %swap3A_515 {strides = array<i32>} : memref<2x128x128xf32, #tpu.memory_space<vmem>>, vector<1x1x16xf32>,
        %get3A_516 = arith.constant 1 : i32
        %get3A_517 = arith.index_cast %get3A_516 : i32 to index
        %get3A_518 = arith.index_cast %scan3A_391 : i32 to index
        %get3A_519 = arith.constant 112 : index
        %get3A_520 = tpu.vector_load %arg8[%get3A_517, %get3A_518, %get3A_519] {strides = array<i32>} : memref<2x128x128xf32, #tpu.memory_space<vmem>>, vector<1x1x16xf32>,
        %get3A_521 = vector.shape_cast %get3A_520 : vector<1x1x16xf32> to vector<16xf32>
        %get3A_522 = arith.index_cast %scan3A_391 : i32 to index
        %get3A_523 = arith.constant 112 : index
        %get3A_524 = tpu.vector_load %arg9[%get3A_522, %get3A_523] {strides = array<i32>} : memref<128x128xf32, #tpu.memory_space<vmem>>, vector<1x16xf32>,
        %get3A_525 = vector.shape_cast %get3A_524 : vector<1x16xf32> to vector<16xf32>
        %mul3A_526 = arith.mulf %get3A_521, %get3A_525 : vector<16xf32>
        %swap3A_527 = arith.constant 1 : i32
        %swap3A_528 = arith.index_cast %swap3A_527 : i32 to index
        %swap3A_529 = arith.index_cast %scan3A_391 : i32 to index
        %swap3A_530 = arith.constant 112 : index
        %swap3A_531 = tpu.vector_load %arg8[%swap3A_528, %swap3A_529, %swap3A_530] {strides = array<i32>} : memref<2x128x128xf32, #tpu.memory_space<vmem>>, vector<1x1x16xf32>,
        %swap3A_532 = vector.shape_cast %swap3A_531 : vector<1x1x16xf32> to vector<16xf32>
        %swap3A_533 = vector.shape_cast %mul3A_526 : vector<16xf32> to vector<1x1x16xf32>
        tpu.vector_store %arg8[%swap3A_528, %swap3A_529, %swap3A_530], %swap3A_533 {strides = array<i32>} : memref<2x128x128xf32, #tpu.memory_space<vmem>>, vector<1x1x16xf32>,
      }
      %scan3A_358 = arith.constant 64 : i32
      %dma_wait3A_359 = arith.constant 1 : i32
      %dma_wait3A_360 = arith.constant 64 : i32
      %dma_wait3A_361 = arith.constant 0 : i32
      %dma_wait3A_362 = tpu.memref_slice %arg9[%dma_wait3A_360, %dma_wait3A_361] : memref<128x128xf32, #tpu.memory_space<vmem>> -> memref<64x128xf32, #tpu.memory_space<vmem>>
      %dma_wait3A_363 = arith.constant 64 : i32
      %dma_wait3A_364 = tpu.memref_slice %arg10[%dma_wait3A_359, %dma_wait3A_363] : memref<4x128xi32, #tpu.memory_space<vmem>> -> memref<1x64xi32, #tpu.memory_space<vmem>>
      %dma_wait3A_365 = tpu.memref_squeeze %dma_wait3A_364 : memref<1x64xi32, #tpu.memory_space<vmem>> -> memref<64xi32, #tpu.memory_space<vmem>>
      %dma_wait3A_366 = arith.constant 0 : i32
      %dma_wait3A_367 = arith.constant 0 : i32
      %dma_wait3A_368 = tpu.memref_slice %arg5[%dma_wait3A_366, %dma_wait3A_367] : memref<10000x128xf32, #tpu.memory_space<hbm>> -> memref<10000x128xf32, #tpu.memory_space<hbm>>
      tpu.wait_indirect_dma semaphore(%arg18 : memref<!tpu.dma_semaphore, #tpu.memory_space<semaphore_mem>>) src(%dma_wait3A_368 : memref<10000x128xf32, #tpu.memory_space<hbm>>) dst(%dma_wait3A_362 : memref<64x128xf32, #tpu.memory_space<vmem>>)
      %scan3A_369 = arith.constant 0 : i32
      %scan3A_370 = arith.constant 64 : i32
      %scan3A_371 = arith.constant 64 : i32
      %scan3A_372 = arith.addi %scan3A_370, %scan3A_371 : i32
      %scan3A_373 = arith.constant 1 : i32
      scf.for %scan3A_391 = %scan3A_370 to %scan3A_372 step %scan3A_373  : i32 {
        %get3A = arith.constant 1 : i32
        %get3A_392 = arith.index_cast %get3A : i32 to index
        %get3A_393 = arith.index_cast %scan3A_391 : i32 to index
        %get3A_394 = arith.constant 0 : index
        %get3A_395 = tpu.vector_load %arg8[%get3A_392, %get3A_393, %get3A_394] {strides = array<i32>} : memref<2x128x128xf32, #tpu.memory_space<vmem>>, vector<1x1x16xf32>,
        %get3A_396 = vector.shape_cast %get3A_395 : vector<1x1x16xf32> to vector<16xf32>
        %get3A_397 = arith.index_cast %scan3A_391 : i32 to index
        %get3A_398 = arith.constant 0 : index
        %get3A_399 = tpu.vector_load %arg9[%get3A_397, %get3A_398] {strides = array<i32>} : memref<128x128xf32, #tpu.memory_space<vmem>>, vector<1x16xf32>,
        %get3A_400 = vector.shape_cast %get3A_399 : vector<1x16xf32> to vector<16xf32>
        %mul3A_401 = arith.mulf %get3A_396, %get3A_400 : vector<16xf32>
        %swap3A = arith.constant 1 : i32
        %swap3A_402 = arith.index_cast %swap3A : i32 to index
        %swap3A_403 = arith.index_cast %scan3A_391 : i32 to index
        %swap3A_404 = arith.constant 0 : index
        %swap3A_405 = tpu.vector_load %arg8[%swap3A_402, %swap3A_403, %swap3A_404] {strides = array<i32>} : memref<2x128x128xf32, #tpu.memory_space<vmem>>, vector<1x1x16xf32>,
        %swap3A_406 = vector.shape_cast %swap3A_405 : vector<1x1x16xf32> to vector<16xf32>
        %swap3A_407 = vector.shape_cast %mul3A_401 : vector<16xf32> to vector<1x1x16xf32>
        tpu.vector_store %arg8[%swap3A_402, %swap3A_403, %swap3A_404], %swap3A_407 {strides = array<i32>} : memref<2x128x128xf32, #tpu.memory_space<vmem>>, vector<1x1x16xf32>,
        %get3A_408 = arith.constant 1 : i32
        %get3A_409 = arith.index_cast %get3A_408 : i32 to index
        %get3A_410 = arith.index_cast %scan3A_391 : i32 to index
        %get3A_411 = arith.constant 16 : index
        %get3A_412 = tpu.vector_load %arg8[%get3A_409, %get3A_410, %get3A_411] {strides = array<i32>} : memref<2x128x128xf32, #tpu.memory_space<vmem>>, vector<1x1x16xf32>,
        %get3A_413 = vector.shape_cast %get3A_412 : vector<1x1x16xf32> to vector<16xf32>
        %get3A_414 = arith.index_cast %scan3A_391 : i32 to index
        %get3A_415 = arith.constant 16 : index
        %get3A_416 = tpu.vector_load %arg9[%get3A_414, %get3A_415] {strides = array<i32>} : memref<128x128xf32, #tpu.memory_space<vmem>>, vector<1x16xf32>,
        %get3A_417 = vector.shape_cast %get3A_416 : vector<1x16xf32> to vector<16xf32>
        %mul3A_418 = arith.mulf %get3A_413, %get3A_417 : vector<16xf32>
        %swap3A_419 = arith.constant 1 : i32
        %swap3A_420 = arith.index_cast %swap3A_419 : i32 to index
        %swap3A_421 = arith.index_cast %scan3A_391 : i32 to index
        %swap3A_422 = arith.constant 16 : index
        %swap3A_423 = tpu.vector_load %arg8[%swap3A_420, %swap3A_421, %swap3A_422] {strides = array<i32>} : memref<2x128x128xf32, #tpu.memory_space<vmem>>, vector<1x1x16xf32>,
        %swap3A_424 = vector.shape_cast %swap3A_423 : vector<1x1x16xf32> to vector<16xf32>
        %swap3A_425 = vector.shape_cast %mul3A_418 : vector<16xf32> to vector<1x1x16xf32>
        tpu.vector_store %arg8[%swap3A_420, %swap3A_421, %swap3A_422], %swap3A_425 {strides = array<i32>} : memref<2x128x128xf32, #tpu.memory_space<vmem>>, vector<1x1x16xf32>,
        %get3A_426 = arith.constant 1 : i32
        %get3A_427 = arith.index_cast %get3A_426 : i32 to index
        %get3A_428 = arith.index_cast %scan3A_391 : i32 to index
        %get3A_429 = arith.constant 32 : index
        %get3A_430 = tpu.vector_load %arg8[%get3A_427, %get3A_428, %get3A_429] {strides = array<i32>} : memref<2x128x128xf32, #tpu.memory_space<vmem>>, vector<1x1x16xf32>,
        %get3A_431 = vector.shape_cast %get3A_430 : vector<1x1x16xf32> to vector<16xf32>
        %get3A_432 = arith.index_cast %scan3A_391 : i32 to index
        %get3A_433 = arith.constant 32 : index
        %get3A_434 = tpu.vector_load %arg9[%get3A_432, %get3A_433] {strides = array<i32>} : memref<128x128xf32, #tpu.memory_space<vmem>>, vector<1x16xf32>,
        %get3A_435 = vector.shape_cast %get3A_434 : vector<1x16xf32> to vector<16xf32>
        %mul3A_436 = arith.mulf %get3A_431, %get3A_435 : vector<16xf32>
        %swap3A_437 = arith.constant 1 : i32
        %swap3A_438 = arith.index_cast %swap3A_437 : i32 to index
        %swap3A_439 = arith.index_cast %scan3A_391 : i32 to index
        %swap3A_440 = arith.constant 32 : index
        %swap3A_441 = tpu.vector_load %arg8[%swap3A_438, %swap3A_439, %swap3A_440] {strides = array<i32>} : memref<2x128x128xf32, #tpu.memory_space<vmem>>, vector<1x1x16xf32>,
        %swap3A_442 = vector.shape_cast %swap3A_441 : vector<1x1x16xf32> to vector<16xf32>
        %swap3A_443 = vector.shape_cast %mul3A_436 : vector<16xf32> to vector<1x1x16xf32>
        tpu.vector_store %arg8[%swap3A_438, %swap3A_439, %swap3A_440], %swap3A_443 {strides = array<i32>} : memref<2x128x128xf32, #tpu.memory_space<vmem>>, vector<1x1x16xf32>,
        %get3A_444 = arith.constant 1 : i32
        %get3A_445 = arith.index_cast %get3A_444 : i32 to index
        %get3A_446 = arith.index_cast %scan3A_391 : i32 to index
        %get3A_447 = arith.constant 48 : index
        %get3A_448 = tpu.vector_load %arg8[%get3A_445, %get3A_446, %get3A_447] {strides = array<i32>} : memref<2x128x128xf32, #tpu.memory_space<vmem>>, vector<1x1x16xf32>,
        %get3A_449 = vector.shape_cast %get3A_448 : vector<1x1x16xf32> to vector<16xf32>
        %get3A_450 = arith.index_cast %scan3A_391 : i32 to index
        %get3A_451 = arith.constant 48 : index
        %get3A_452 = tpu.vector_load %arg9[%get3A_450, %get3A_451] {strides = array<i32>} : memref<128x128xf32, #tpu.memory_space<vmem>>, vector<1x16xf32>,
        %get3A_453 = vector.shape_cast %get3A_452 : vector<1x16xf32> to vector<16xf32>
        %mul3A_454 = arith.mulf %get3A_449, %get3A_453 : vector<16xf32>
        %swap3A_455 = arith.constant 1 : i32
        %swap3A_456 = arith.index_cast %swap3A_455 : i32 to index
        %swap3A_457 = arith.index_cast %scan3A_391 : i32 to index
        %swap3A_458 = arith.constant 48 : index
        %swap3A_459 = tpu.vector_load %arg8[%swap3A_456, %swap3A_457, %swap3A_458] {strides = array<i32>} : memref<2x128x128xf32, #tpu.memory_space<vmem>>, vector<1x1x16xf32>,
        %swap3A_460 = vector.shape_cast %swap3A_459 : vector<1x1x16xf32> to vector<16xf32>
        %swap3A_461 = vector.shape_cast %mul3A_454 : vector<16xf32> to vector<1x1x16xf32>
        tpu.vector_store %arg8[%swap3A_456, %swap3A_457, %swap3A_458], %swap3A_461 {strides = array<i32>} : memref<2x128x128xf32, #tpu.memory_space<vmem>>, vector<1x1x16xf32>,
        %get3A_462 = arith.constant 1 : i32
        %get3A_463 = arith.index_cast %get3A_462 : i32 to index
        %get3A_464 = arith.index_cast %scan3A_391 : i32 to index
        %get3A_465 = arith.constant 64 : index
        %get3A_466 = tpu.vector_load %arg8[%get3A_463, %get3A_464, %get3A_465] {strides = array<i32>} : memref<2x128x128xf32, #tpu.memory_space<vmem>>, vector<1x1x16xf32>,
        %get3A_467 = vector.shape_cast %get3A_466 : vector<1x1x16xf32> to vector<16xf32>
        %get3A_468 = arith.index_cast %scan3A_391 : i32 to index
        %get3A_469 = arith.constant 64 : index
        %get3A_470 = tpu.vector_load %arg9[%get3A_468, %get3A_469] {strides = array<i32>} : memref<128x128xf32, #tpu.memory_space<vmem>>, vector<1x16xf32>,
        %get3A_471 = vector.shape_cast %get3A_470 : vector<1x16xf32> to vector<16xf32>
        %mul3A_472 = arith.mulf %get3A_467, %get3A_471 : vector<16xf32>
        %swap3A_473 = arith.constant 1 : i32
        %swap3A_474 = arith.index_cast %swap3A_473 : i32 to index
        %swap3A_475 = arith.index_cast %scan3A_391 : i32 to index
        %swap3A_476 = arith.constant 64 : index
        %swap3A_477 = tpu.vector_load %arg8[%swap3A_474, %swap3A_475, %swap3A_476] {strides = array<i32>} : memref<2x128x128xf32, #tpu.memory_space<vmem>>, vector<1x1x16xf32>,
        %swap3A_478 = vector.shape_cast %swap3A_477 : vector<1x1x16xf32> to vector<16xf32>
        %swap3A_479 = vector.shape_cast %mul3A_472 : vector<16xf32> to vector<1x1x16xf32>
        tpu.vector_store %arg8[%swap3A_474, %swap3A_475, %swap3A_476], %swap3A_479 {strides = array<i32>} : memref<2x128x128xf32, #tpu.memory_space<vmem>>, vector<1x1x16xf32>,
        %get3A_480 = arith.constant 1 : i32
        %get3A_481 = arith.index_cast %get3A_480 : i32 to index
        %get3A_482 = arith.index_cast %scan3A_391 : i32 to index
        %get3A_483 = arith.constant 80 : index
        %get3A_484 = tpu.vector_load %arg8[%get3A_481, %get3A_482, %get3A_483] {strides = array<i32>} : memref<2x128x128xf32, #tpu.memory_space<vmem>>, vector<1x1x16xf32>,
        %get3A_485 = vector.shape_cast %get3A_484 : vector<1x1x16xf32> to vector<16xf32>
        %get3A_486 = arith.index_cast %scan3A_391 : i32 to index
        %get3A_487 = arith.constant 80 : index
        %get3A_488 = tpu.vector_load %arg9[%get3A_486, %get3A_487] {strides = array<i32>} : memref<128x128xf32, #tpu.memory_space<vmem>>, vector<1x16xf32>,
        %get3A_489 = vector.shape_cast %get3A_488 : vector<1x16xf32> to vector<16xf32>
        %mul3A_490 = arith.mulf %get3A_485, %get3A_489 : vector<16xf32>
        %swap3A_491 = arith.constant 1 : i32
        %swap3A_492 = arith.index_cast %swap3A_491 : i32 to index
        %swap3A_493 = arith.index_cast %scan3A_391 : i32 to index
        %swap3A_494 = arith.constant 80 : index
        %swap3A_495 = tpu.vector_load %arg8[%swap3A_492, %swap3A_493, %swap3A_494] {strides = array<i32>} : memref<2x128x128xf32, #tpu.memory_space<vmem>>, vector<1x1x16xf32>,
        %swap3A_496 = vector.shape_cast %swap3A_495 : vector<1x1x16xf32> to vector<16xf32>
        %swap3A_497 = vector.shape_cast %mul3A_490 : vector<16xf32> to vector<1x1x16xf32>
        tpu.vector_store %arg8[%swap3A_492, %swap3A_493, %swap3A_494], %swap3A_497 {strides = array<i32>} : memref<2x128x128xf32, #tpu.memory_space<vmem>>, vector<1x1x16xf32>,
        %get3A_498 = arith.constant 1 : i32
        %get3A_499 = arith.index_cast %get3A_498 : i32 to index
        %get3A_500 = arith.index_cast %scan3A_391 : i32 to index
        %get3A_501 = arith.constant 96 : index
        %get3A_502 = tpu.vector_load %arg8[%get3A_499, %get3A_500, %get3A_501] {strides = array<i32>} : memref<2x128x128xf32, #tpu.memory_space<vmem>>, vector<1x1x16xf32>,
        %get3A_503 = vector.shape_cast %get3A_502 : vector<1x1x16xf32> to vector<16xf32>
        %get3A_504 = arith.index_cast %scan3A_391 : i32 to index
        %get3A_505 = arith.constant 96 : index
        %get3A_506 = tpu.vector_load %arg9[%get3A_504, %get3A_505] {strides = array<i32>} : memref<128x128xf32, #tpu.memory_space<vmem>>, vector<1x16xf32>,
        %get3A_507 = vector.shape_cast %get3A_506 : vector<1x16xf32> to vector<16xf32>
        %mul3A_508 = arith.mulf %get3A_503, %get3A_507 : vector<16xf32>
        %swap3A_509 = arith.constant 1 : i32
        %swap3A_510 = arith.index_cast %swap3A_509 : i32 to index
        %swap3A_511 = arith.index_cast %scan3A_391 : i32 to index
        %swap3A_512 = arith.constant 96 : index
        %swap3A_513 = tpu.vector_load %arg8[%swap3A_510, %swap3A_511, %swap3A_512] {strides = array<i32>} : memref<2x128x128xf32, #tpu.memory_space<vmem>>, vector<1x1x16xf32>,
        %swap3A_514 = vector.shape_cast %swap3A_513 : vector<1x1x16xf32> to vector<16xf32>
        %swap3A_515 = vector.shape_cast %mul3A_508 : vector<16xf32> to vector<1x1x16xf32>
        tpu.vector_store %arg8[%swap3A_510, %swap3A_511, %swap3A_512], %swap3A_515 {strides = array<i32>} : memref<2x128x128xf32, #tpu.memory_space<vmem>>, vector<1x1x16xf32>,
        %get3A_516 = arith.constant 1 : i32
        %get3A_517 = arith.index_cast %get3A_516 : i32 to index
        %get3A_518 = arith.index_cast %scan3A_391 : i32 to index
        %get3A_519 = arith.constant 112 : index
        %get3A_520 = tpu.vector_load %arg8[%get3A_517, %get3A_518, %get3A_519] {strides = array<i32>} : memref<2x128x128xf32, #tpu.memory_space<vmem>>, vector<1x1x16xf32>,
        %get3A_521 = vector.shape_cast %get3A_520 : vector<1x1x16xf32> to vector<16xf32>
        %get3A_522 = arith.index_cast %scan3A_391 : i32 to index
        %get3A_523 = arith.constant 112 : index
        %get3A_524 = tpu.vector_load %arg9[%get3A_522, %get3A_523] {strides = array<i32>} : memref<128x128xf32, #tpu.memory_space<vmem>>, vector<1x16xf32>,
        %get3A_525 = vector.shape_cast %get3A_524 : vector<1x16xf32> to vector<16xf32>
        %mul3A_526 = arith.mulf %get3A_521, %get3A_525 : vector<16xf32>
        %swap3A_527 = arith.constant 1 : i32
        %swap3A_528 = arith.index_cast %swap3A_527 : i32 to index
        %swap3A_529 = arith.index_cast %scan3A_391 : i32 to index
        %swap3A_530 = arith.constant 112 : index
        %swap3A_531 = tpu.vector_load %arg8[%swap3A_528, %swap3A_529, %swap3A_530] {strides = array<i32>} : memref<2x128x128xf32, #tpu.memory_space<vmem>>, vector<1x1x16xf32>,
        %swap3A_532 = vector.shape_cast %swap3A_531 : vector<1x1x16xf32> to vector<16xf32>
        %swap3A_533 = vector.shape_cast %mul3A_526 : vector<16xf32> to vector<1x1x16xf32>
        tpu.vector_store %arg8[%swap3A_528, %swap3A_529, %swap3A_530], %swap3A_533 {strides = array<i32>} : memref<2x128x128xf32, #tpu.memory_space<vmem>>, vector<1x1x16xf32>,
      }
      %scan3A_374 = arith.constant 64 : i32
      %dma_start3A_375 = arith.constant 1 : i32
      %dma_start3A_376 = arith.constant 3 : i32
      %dma_start3A_377 = arith.constant 0 : i32
      %dma_start3A_378 = arith.constant 0 : i32
      %dma_start3A_379 = tpu.memref_slice %arg8[%dma_start3A_375, %dma_start3A_377, %dma_start3A_378] : memref<2x128x128xf32, #tpu.memory_space<vmem>> -> memref<1x128x128xf32, #tpu.memory_space<vmem>>
      %dma_start3A_380 = tpu.memref_squeeze %dma_start3A_379 : memref<1x128x128xf32, #tpu.memory_space<vmem>> -> memref<128x128xf32, #tpu.memory_space<vmem>>
      %dma_start3A_381 = arith.constant 0 : i32
      %dma_start3A_382 = tpu.memref_slice %arg10[%dma_start3A_376, %dma_start3A_381] : memref<4x128xi32, #tpu.memory_space<vmem>> -> memref<1x128xi32, #tpu.memory_space<vmem>>
      %dma_start3A_383 = tpu.memref_squeeze %dma_start3A_382 : memref<1x128xi32, #tpu.memory_space<vmem>> -> memref<128xi32, #tpu.memory_space<vmem>>
      %dma_start3A_384 = arith.constant 0 : i32
      %dma_start3A_385 = arith.constant 0 : i32
      %dma_start3A_386 = tpu.memref_slice %arg7[%dma_start3A_384, %dma_start3A_385] : memref<10000x128xf32, #tpu.memory_space<vmem_shared>> -> memref<10000x128xf32, #tpu.memory_space<vmem_shared>>
      tpu.enqueue_indirect_dma source(%dma_start3A_380 : memref<128x128xf32, #tpu.memory_space<vmem>>) target(%dma_start3A_386 : memref<10000x128xf32, #tpu.memory_space<vmem_shared>>) offsets(%dma_start3A_383 : memref<128xi32, #tpu.memory_space<vmem>>) semaphore(%arg20 : memref<!tpu.dma_semaphore, #tpu.memory_space<semaphore_mem>>) {add = true}
      %lt3A = arith.constant 40 : i32
      %lt3A_387 = arith.cmpi slt, %scan3A_162, %lt3A : i32
      %convert_element_type3A_388 = arith.extui %lt3A_387 : i1 to i32
      %cond3A_389 = arith.constant 0 : i32
      %cond3A_390 = arith.cmpi ne, %convert_element_type3A_388, %cond3A_389 : i32
      scf.if %cond3A_390 {
        %dma_wait3A_391 = arith.constant 0 : i32
        %dma_wait3A_392 = arith.constant 2 : i32
        %dma_wait3A_393 = arith.constant 0 : i32
        %dma_wait3A_394 = arith.constant 0 : i32
        %dma_wait3A_395 = tpu.memref_slice %arg8[%dma_wait3A_391, %dma_wait3A_393, %dma_wait3A_394] : memref<2x128x128xf32, #tpu.memory_space<vmem>> -> memref<1x128x128xf32, #tpu.memory_space<vmem>>
        %dma_wait3A_396 = tpu.memref_squeeze %dma_wait3A_395 : memref<1x128x128xf32, #tpu.memory_space<vmem>> -> memref<128x128xf32, #tpu.memory_space<vmem>>
        %dma_wait3A_397 = arith.constant 0 : i32
        %dma_wait3A_398 = tpu.memref_slice %arg10[%dma_wait3A_392, %dma_wait3A_397] : memref<4x128xi32, #tpu.memory_space<vmem>> -> memref<1x128xi32, #tpu.memory_space<vmem>>
        %dma_wait3A_399 = tpu.memref_squeeze %dma_wait3A_398 : memref<1x128xi32, #tpu.memory_space<vmem>> -> memref<128xi32, #tpu.memory_space<vmem>>
        %dma_wait3A_400 = arith.constant 0 : i32
        %dma_wait3A_401 = arith.constant 0 : i32
        %dma_wait3A_402 = tpu.memref_slice %arg7[%dma_wait3A_400, %dma_wait3A_401] : memref<10000x128xf32, #tpu.memory_space<vmem_shared>> -> memref<10000x128xf32, #tpu.memory_space<vmem_shared>>
        tpu.wait_indirect_dma semaphore(%arg19 : memref<!tpu.dma_semaphore, #tpu.memory_space<semaphore_mem>>) src(%dma_wait3A_396 : memref<128x128xf32, #tpu.memory_space<vmem>>) dst(%dma_wait3A_402 : memref<10000x128xf32, #tpu.memory_space<vmem_shared>>)
        %add3A_403 = arith.constant 2 : i32
        %add3A_404 = arith.addi %mul3A_164, %add3A_403 : i32
        %mul3A_405 = arith.constant 82 : i32
        %mul3A_406 = arith.muli %add3A, %mul3A_405 : i32
        %add3A_407 = arith.addi %mul3A_406, %add3A_404 : i32
        %mul3A_408 = arith.constant 128 : i32
        %mul3A_409 = arith.muli %add3A_407, %mul3A_408 : i32
        %dma_start3A_410 = arith.constant 0 : i32
        %dma_start3A_411 = arith.constant 0 : i32
        %dma_start3A_412 = arith.constant 0 : i32
        %dma_start3A_413 = tpu.memref_slice %arg8[%dma_start3A_410, %dma_start3A_411, %dma_start3A_412] : memref<2x128x128xf32, #tpu.memory_space<vmem>> -> memref<1x128x128xf32, #tpu.memory_space<vmem>>
        %dma_start3A_414 = tpu.memref_squeeze %dma_start3A_413 : memref<1x128x128xf32, #tpu.memory_space<vmem>> -> memref<128x128xf32, #tpu.memory_space<vmem>>
        %dma_start3A_415 = arith.constant 0 : i32
        %dma_start3A_416 = tpu.memref_slice %arg2[%mul3A_409, %dma_start3A_415] : memref<335872x128xf32, #tpu.memory_space<hbm>> -> memref<128x128xf32, #tpu.memory_space<hbm>>
        %dma_start3A_417 = arith.constant 0 : i32
        %dma_start3A_418 = arith.constant 0 : i32
        %dma_start3A_419 = tpu.memref_slice %arg8[%dma_start3A_410, %dma_start3A_417, %dma_start3A_418] : memref<2x128x128xf32, #tpu.memory_space<vmem>> -> memref<1x128x128xf32, #tpu.memory_space<vmem>>
        %dma_start3A_420 = tpu.memref_squeeze %dma_start3A_419 : memref<1x128x128xf32, #tpu.memory_space<vmem>> -> memref<128x128xf32, #tpu.memory_space<vmem>>
        %dma_start3A_421 = arith.constant 0 : i32
        %dma_start3A_422 = tpu.memref_slice %arg2[%mul3A_409, %dma_start3A_421] : memref<335872x128xf32, #tpu.memory_space<hbm>> -> memref<128x128xf32, #tpu.memory_space<hbm>>
        tpu.enqueue_dma source(%dma_start3A_422 : memref<128x128xf32, #tpu.memory_space<hbm>>) target(%dma_start3A_420 : memref<128x128xf32, #tpu.memory_space<vmem>>) target_semaphore(%arg11 : memref<!tpu.dma_semaphore, #tpu.memory_space<semaphore_mem>>)
        %mul3A_423 = arith.constant 82 : i32
        %mul3A_424 = arith.muli %add3A, %mul3A_423 : i32
        %add3A_425 = arith.addi %mul3A_424, %add3A_404 : i32
        %mul3A_426 = arith.constant 128 : i32
        %mul3A_427 = arith.muli %add3A_425, %mul3A_426 : i32
        %dma_start3A_428 = arith.constant 0 : i32
        %dma_start3A_429 = arith.constant 0 : i32
        %dma_start3A_430 = tpu.memref_slice %arg10[%dma_start3A_428, %dma_start3A_429] : memref<4x128xi32, #tpu.memory_space<vmem>> -> memref<1x128xi32, #tpu.memory_space<vmem>>
        %dma_start3A_431 = tpu.memref_squeeze %dma_start3A_430 : memref<1x128xi32, #tpu.memory_space<vmem>> -> memref<128xi32, #tpu.memory_space<vmem>>
        %dma_start3A_432 = tpu.memref_slice %arg3[%mul3A_427] : memref<335872xi32, #tpu.memory_space<hbm>> -> memref<128xi32, #tpu.memory_space<hbm>>
        %dma_start3A_433 = arith.constant 0 : i32
        %dma_start3A_434 = tpu.memref_slice %arg10[%dma_start3A_428, %dma_start3A_433] : memref<4x128xi32, #tpu.memory_space<vmem>> -> memref<1x128xi32, #tpu.memory_space<vmem>>
        %dma_start3A_435 = tpu.memref_squeeze %dma_start3A_434 : memref<1x128xi32, #tpu.memory_space<vmem>> -> memref<128xi32, #tpu.memory_space<vmem>>
        %dma_start3A_436 = tpu.memref_slice %arg3[%mul3A_427] : memref<335872xi32, #tpu.memory_space<hbm>> -> memref<128xi32, #tpu.memory_space<hbm>>
        tpu.enqueue_dma source(%dma_start3A_436 : memref<128xi32, #tpu.memory_space<hbm>>) target(%dma_start3A_435 : memref<128xi32, #tpu.memory_space<vmem>>) target_semaphore(%arg13 : memref<!tpu.dma_semaphore, #tpu.memory_space<semaphore_mem>>)
        %mul3A_437 = arith.constant 82 : i32
        %mul3A_438 = arith.muli %add3A, %mul3A_437 : i32
        %add3A_439 = arith.addi %mul3A_438, %add3A_404 : i32
        %mul3A_440 = arith.constant 128 : i32
        %mul3A_441 = arith.muli %add3A_439, %mul3A_440 : i32
        %dma_start3A_442 = arith.constant 2 : i32
        %dma_start3A_443 = arith.constant 0 : i32
        %dma_start3A_444 = tpu.memref_slice %arg10[%dma_start3A_442, %dma_start3A_443] : memref<4x128xi32, #tpu.memory_space<vmem>> -> memref<1x128xi32, #tpu.memory_space<vmem>>
        %dma_start3A_445 = tpu.memref_squeeze %dma_start3A_444 : memref<1x128xi32, #tpu.memory_space<vmem>> -> memref<128xi32, #tpu.memory_space<vmem>>
        %dma_start3A_446 = tpu.memref_slice %arg4[%mul3A_441] : memref<335872xi32, #tpu.memory_space<hbm>> -> memref<128xi32, #tpu.memory_space<hbm>>
        %dma_start3A_447 = arith.constant 0 : i32
        %dma_start3A_448 = tpu.memref_slice %arg10[%dma_start3A_442, %dma_start3A_447] : memref<4x128xi32, #tpu.memory_space<vmem>> -> memref<1x128xi32, #tpu.memory_space<vmem>>
        %dma_start3A_449 = tpu.memref_squeeze %dma_start3A_448 : memref<1x128xi32, #tpu.memory_space<vmem>> -> memref<128xi32, #tpu.memory_space<vmem>>
        %dma_start3A_450 = tpu.memref_slice %arg4[%mul3A_441] : memref<335872xi32, #tpu.memory_space<hbm>> -> memref<128xi32, #tpu.memory_space<hbm>>
        tpu.enqueue_dma source(%dma_start3A_450 : memref<128xi32, #tpu.memory_space<hbm>>) target(%dma_start3A_449 : memref<128xi32, #tpu.memory_space<vmem>>) target_semaphore(%arg15 : memref<!tpu.dma_semaphore, #tpu.memory_space<semaphore_mem>>)
        %dma_wait3A_451 = arith.constant 1 : i32
        %dma_wait3A_452 = arith.constant 3 : i32
        %dma_wait3A_453 = arith.constant 0 : i32
        %dma_wait3A_454 = arith.constant 0 : i32
        %dma_wait3A_455 = tpu.memref_slice %arg8[%dma_wait3A_451, %dma_wait3A_453, %dma_wait3A_454] : memref<2x128x128xf32, #tpu.memory_space<vmem>> -> memref<1x128x128xf32, #tpu.memory_space<vmem>>
        %dma_wait3A_456 = tpu.memref_squeeze %dma_wait3A_455 : memref<1x128x128xf32, #tpu.memory_space<vmem>> -> memref<128x128xf32, #tpu.memory_space<vmem>>
        %dma_wait3A_457 = arith.constant 0 : i32
        %dma_wait3A_458 = tpu.memref_slice %arg10[%dma_wait3A_452, %dma_wait3A_457] : memref<4x128xi32, #tpu.memory_space<vmem>> -> memref<1x128xi32, #tpu.memory_space<vmem>>
        %dma_wait3A_459 = tpu.memref_squeeze %dma_wait3A_458 : memref<1x128xi32, #tpu.memory_space<vmem>> -> memref<128xi32, #tpu.memory_space<vmem>>
        %dma_wait3A_460 = arith.constant 0 : i32
        %dma_wait3A_461 = arith.constant 0 : i32
        %dma_wait3A_462 = tpu.memref_slice %arg7[%dma_wait3A_460, %dma_wait3A_461] : memref<10000x128xf32, #tpu.memory_space<vmem_shared>> -> memref<10000x128xf32, #tpu.memory_space<vmem_shared>>
        tpu.wait_indirect_dma semaphore(%arg20 : memref<!tpu.dma_semaphore, #tpu.memory_space<semaphore_mem>>) src(%dma_wait3A_456 : memref<128x128xf32, #tpu.memory_space<vmem>>) dst(%dma_wait3A_462 : memref<10000x128xf32, #tpu.memory_space<vmem_shared>>)
        %add3A_463 = arith.constant 3 : i32
        %add3A_464 = arith.addi %mul3A_164, %add3A_463 : i32
        %mul3A_465 = arith.constant 82 : i32
        %mul3A_466 = arith.muli %add3A, %mul3A_465 : i32
        %add3A_467 = arith.addi %mul3A_466, %add3A_464 : i32
        %mul3A_468 = arith.constant 128 : i32
        %mul3A_469 = arith.muli %add3A_467, %mul3A_468 : i32
        %dma_start3A_470 = arith.constant 1 : i32
        %dma_start3A_471 = arith.constant 0 : i32
        %dma_start3A_472 = arith.constant 0 : i32
        %dma_start3A_473 = tpu.memref_slice %arg8[%dma_start3A_470, %dma_start3A_471, %dma_start3A_472] : memref<2x128x128xf32, #tpu.memory_space<vmem>> -> memref<1x128x128xf32, #tpu.memory_space<vmem>>
        %dma_start3A_474 = tpu.memref_squeeze %dma_start3A_473 : memref<1x128x128xf32, #tpu.memory_space<vmem>> -> memref<128x128xf32, #tpu.memory_space<vmem>>
        %dma_start3A_475 = arith.constant 0 : i32
        %dma_start3A_476 = tpu.memref_slice %arg2[%mul3A_469, %dma_start3A_475] : memref<335872x128xf32, #tpu.memory_space<hbm>> -> memref<128x128xf32, #tpu.memory_space<hbm>>
        %dma_start3A_477 = arith.constant 0 : i32
        %dma_start3A_478 = arith.constant 0 : i32
        %dma_start3A_479 = tpu.memref_slice %arg8[%dma_start3A_470, %dma_start3A_477, %dma_start3A_478] : memref<2x128x128xf32, #tpu.memory_space<vmem>> -> memref<1x128x128xf32, #tpu.memory_space<vmem>>
        %dma_start3A_480 = tpu.memref_squeeze %dma_start3A_479 : memref<1x128x128xf32, #tpu.memory_space<vmem>> -> memref<128x128xf32, #tpu.memory_space<vmem>>
        %dma_start3A_481 = arith.constant 0 : i32
        %dma_start3A_482 = tpu.memref_slice %arg2[%mul3A_469, %dma_start3A_481] : memref<335872x128xf32, #tpu.memory_space<hbm>> -> memref<128x128xf32, #tpu.memory_space<hbm>>
        tpu.enqueue_dma source(%dma_start3A_482 : memref<128x128xf32, #tpu.memory_space<hbm>>) target(%dma_start3A_480 : memref<128x128xf32, #tpu.memory_space<vmem>>) target_semaphore(%arg12 : memref<!tpu.dma_semaphore, #tpu.memory_space<semaphore_mem>>)
        %mul3A_483 = arith.constant 82 : i32
        %mul3A_484 = arith.muli %add3A, %mul3A_483 : i32
        %add3A_485 = arith.addi %mul3A_484, %add3A_464 : i32
        %mul3A_486 = arith.constant 128 : i32
        %mul3A_487 = arith.muli %add3A_485, %mul3A_486 : i32
        %dma_start3A_488 = arith.constant 1 : i32
        %dma_start3A_489 = arith.constant 0 : i32
        %dma_start3A_490 = tpu.memref_slice %arg10[%dma_start3A_488, %dma_start3A_489] : memref<4x128xi32, #tpu.memory_space<vmem>> -> memref<1x128xi32, #tpu.memory_space<vmem>>
        %dma_start3A_491 = tpu.memref_squeeze %dma_start3A_490 : memref<1x128xi32, #tpu.memory_space<vmem>> -> memref<128xi32, #tpu.memory_space<vmem>>
        %dma_start3A_492 = tpu.memref_slice %arg3[%mul3A_487] : memref<335872xi32, #tpu.memory_space<hbm>> -> memref<128xi32, #tpu.memory_space<hbm>>
        %dma_start3A_493 = arith.constant 0 : i32
        %dma_start3A_494 = tpu.memref_slice %arg10[%dma_start3A_488, %dma_start3A_493] : memref<4x128xi32, #tpu.memory_space<vmem>> -> memref<1x128xi32, #tpu.memory_space<vmem>>
        %dma_start3A_495 = tpu.memref_squeeze %dma_start3A_494 : memref<1x128xi32, #tpu.memory_space<vmem>> -> memref<128xi32, #tpu.memory_space<vmem>>
        %dma_start3A_496 = tpu.memref_slice %arg3[%mul3A_487] : memref<335872xi32, #tpu.memory_space<hbm>> -> memref<128xi32, #tpu.memory_space<hbm>>
        tpu.enqueue_dma source(%dma_start3A_496 : memref<128xi32, #tpu.memory_space<hbm>>) target(%dma_start3A_495 : memref<128xi32, #tpu.memory_space<vmem>>) target_semaphore(%arg14 : memref<!tpu.dma_semaphore, #tpu.memory_space<semaphore_mem>>)
        %mul3A_497 = arith.constant 82 : i32
        %mul3A_498 = arith.muli %add3A, %mul3A_497 : i32
        %add3A_499 = arith.addi %mul3A_498, %add3A_464 : i32
        %mul3A_500 = arith.constant 128 : i32
        %mul3A_501 = arith.muli %add3A_499, %mul3A_500 : i32
        %dma_start3A_502 = arith.constant 3 : i32
        %dma_start3A_503 = arith.constant 0 : i32
        %dma_start3A_504 = tpu.memref_slice %arg10[%dma_start3A_502, %dma_start3A_503] : memref<4x128xi32, #tpu.memory_space<vmem>> -> memref<1x128xi32, #tpu.memory_space<vmem>>
        %dma_start3A_505 = tpu.memref_squeeze %dma_start3A_504 : memref<1x128xi32, #tpu.memory_space<vmem>> -> memref<128xi32, #tpu.memory_space<vmem>>
        %dma_start3A_506 = tpu.memref_slice %arg4[%mul3A_501] : memref<335872xi32, #tpu.memory_space<hbm>> -> memref<128xi32, #tpu.memory_space<hbm>>
        %dma_start3A_507 = arith.constant 0 : i32
        %dma_start3A_508 = tpu.memref_slice %arg10[%dma_start3A_502, %dma_start3A_507] : memref<4x128xi32, #tpu.memory_space<vmem>> -> memref<1x128xi32, #tpu.memory_space<vmem>>
        %dma_start3A_509 = tpu.memref_squeeze %dma_start3A_508 : memref<1x128xi32, #tpu.memory_space<vmem>> -> memref<128xi32, #tpu.memory_space<vmem>>
        %dma_start3A_510 = tpu.memref_slice %arg4[%mul3A_501] : memref<335872xi32, #tpu.memory_space<hbm>> -> memref<128xi32, #tpu.memory_space<hbm>>
        tpu.enqueue_dma source(%dma_start3A_510 : memref<128xi32, #tpu.memory_space<hbm>>) target(%dma_start3A_509 : memref<128xi32, #tpu.memory_space<vmem>>) target_semaphore(%arg16 : memref<!tpu.dma_semaphore, #tpu.memory_space<semaphore_mem>>)
      } else {
      }
    }
    %scan3A_128 = arith.constant 41 : i32
    %dma_wait3A = arith.constant 0 : i32
    %dma_wait3A_129 = arith.constant 2 : i32
    %dma_wait3A_130 = arith.constant 0 : i32
    %dma_wait3A_131 = arith.constant 0 : i32
    %dma_wait3A_132 = tpu.memref_slice %arg8[%dma_wait3A, %dma_wait3A_130, %dma_wait3A_131] : memref<2x128x128xf32, #tpu.memory_space<vmem>> -> memref<1x128x128xf32, #tpu.memory_space<vmem>>
    %dma_wait3A_133 = tpu.memref_squeeze %dma_wait3A_132 : memref<1x128x128xf32, #tpu.memory_space<vmem>> -> memref<128x128xf32, #tpu.memory_space<vmem>>
    %dma_wait3A_134 = arith.constant 0 : i32
    %dma_wait3A_135 = tpu.memref_slice %arg10[%dma_wait3A_129, %dma_wait3A_134] : memref<4x128xi32, #tpu.memory_space<vmem>> -> memref<1x128xi32, #tpu.memory_space<vmem>>
    %dma_wait3A_136 = tpu.memref_squeeze %dma_wait3A_135 : memref<1x128xi32, #tpu.memory_space<vmem>> -> memref<128xi32, #tpu.memory_space<vmem>>
    %dma_wait3A_137 = arith.constant 0 : i32
    %dma_wait3A_138 = arith.constant 0 : i32
    %dma_wait3A_139 = tpu.memref_slice %arg7[%dma_wait3A_137, %dma_wait3A_138] : memref<10000x128xf32, #tpu.memory_space<vmem_shared>> -> memref<10000x128xf32, #tpu.memory_space<vmem_shared>>
    tpu.wait_indirect_dma semaphore(%arg19 : memref<!tpu.dma_semaphore, #tpu.memory_space<semaphore_mem>>) src(%dma_wait3A_133 : memref<128x128xf32, #tpu.memory_space<vmem>>) dst(%dma_wait3A_139 : memref<10000x128xf32, #tpu.memory_space<vmem_shared>>)
    %dma_wait3A_140 = arith.constant 1 : i32
    %dma_wait3A_141 = arith.constant 3 : i32
    %dma_wait3A_142 = arith.constant 0 : i32
    %dma_wait3A_143 = arith.constant 0 : i32
    %dma_wait3A_144 = tpu.memref_slice %arg8[%dma_wait3A_140, %dma_wait3A_142, %dma_wait3A_143] : memref<2x128x128xf32, #tpu.memory_space<vmem>> -> memref<1x128x128xf32, #tpu.memory_space<vmem>>
    %dma_wait3A_145 = tpu.memref_squeeze %dma_wait3A_144 : memref<1x128x128xf32, #tpu.memory_space<vmem>> -> memref<128x128xf32, #tpu.memory_space<vmem>>
    %dma_wait3A_146 = arith.constant 0 : i32
    %dma_wait3A_147 = tpu.memref_slice %arg10[%dma_wait3A_141, %dma_wait3A_146] : memref<4x128xi32, #tpu.memory_space<vmem>> -> memref<1x128xi32, #tpu.memory_space<vmem>>
    %dma_wait3A_148 = tpu.memref_squeeze %dma_wait3A_147 : memref<1x128xi32, #tpu.memory_space<vmem>> -> memref<128xi32, #tpu.memory_space<vmem>>
    %dma_wait3A_149 = arith.constant 0 : i32
    %dma_wait3A_150 = arith.constant 0 : i32
    %dma_wait3A_151 = tpu.memref_slice %arg7[%dma_wait3A_149, %dma_wait3A_150] : memref<10000x128xf32, #tpu.memory_space<vmem_shared>> -> memref<10000x128xf32, #tpu.memory_space<vmem_shared>>
    tpu.wait_indirect_dma semaphore(%arg20 : memref<!tpu.dma_semaphore, #tpu.memory_space<semaphore_mem>>) src(%dma_wait3A_145 : memref<128x128xf32, #tpu.memory_space<vmem>>) dst(%dma_wait3A_151 : memref<10000x128xf32, #tpu.memory_space<vmem_shared>>)
    %barrier3A_152 = arith.constant 0 : index
    tpu.barrier barrier_id(%barrier3A_152)
    %mul3A_153 = arith.constant 624 : i32
    %mul3A_154 = arith.muli %arg1, %mul3A_153 : i32
    %mul3A_155 = arith.constant 624 : i32
    %mul3A_156 = arith.muli %arg1, %mul3A_155 : i32
    "tpu.region"() ({
      %run_scoped3A_162 = tpu.sem_alloc : memref<!tpu.dma_semaphore, #tpu.memory_space<semaphore_mem>>
      %dma_start3A_163 = arith.constant 0 : i32
      %dma_start3A_164 = tpu.memref_slice %arg6[%arg0, %mul3A_156, %dma_start3A_163] : memref<2x10000x128xf32, #tpu.memory_space<hbm>> -> memref<1x624x128xf32, #tpu.memory_space<hbm>>
      %dma_start3A_165 = tpu.memref_squeeze %dma_start3A_164 : memref<1x624x128xf32, #tpu.memory_space<hbm>> -> memref<624x128xf32, #tpu.memory_space<hbm>>
      %dma_start3A_166 = arith.constant 0 : i32
      %dma_start3A_167 = tpu.memref_slice %arg7[%mul3A_154, %dma_start3A_166] : memref<10000x128xf32, #tpu.memory_space<vmem_shared>> -> memref<624x128xf32, #tpu.memory_space<vmem_shared>>
      tpu.enqueue_dma source(%dma_start3A_167 : memref<624x128xf32, #tpu.memory_space<vmem_shared>>) target(%dma_start3A_165 : memref<624x128xf32, #tpu.memory_space<hbm>>) target_semaphore(%run_scoped3A_162 : memref<!tpu.dma_semaphore, #tpu.memory_space<semaphore_mem>>)
      %dma_wait3A_168 = arith.constant 0 : i32
      %dma_wait3A_169 = tpu.memref_slice %arg6[%arg0, %mul3A_156, %dma_wait3A_168] : memref<2x10000x128xf32, #tpu.memory_space<hbm>> -> memref<1x624x128xf32, #tpu.memory_space<hbm>>
      %dma_wait3A_170 = tpu.memref_squeeze %dma_wait3A_169 : memref<1x624x128xf32, #tpu.memory_space<hbm>> -> memref<624x128xf32, #tpu.memory_space<hbm>>
      %dma_wait3A_171 = arith.constant 0 : i32
      %dma_wait3A_172 = tpu.memref_slice %arg7[%mul3A_154, %dma_wait3A_171] : memref<10000x128xf32, #tpu.memory_space<vmem_shared>> -> memref<624x128xf32, #tpu.memory_space<vmem_shared>>
      tpu.wait_dma2 semaphore(%run_scoped3A_162 : memref<!tpu.dma_semaphore, #tpu.memory_space<semaphore_mem>>) src(%dma_wait3A_172 : memref<624x128xf32, #tpu.memory_space<vmem_shared>>) dst(%dma_wait3A_170 : memref<624x128xf32, #tpu.memory_space<hbm>>)
      tpu.yield
    }) : () -> ()
    %eq3A_157 = arith.constant 0 : i32
    %eq3A_158 = arith.cmpi eq, %arg1, %eq3A_157 : i32
    %convert_element_type3A_159 = arith.extui %eq3A_158 : i1 to i32
    %cond3A_160 = arith.constant 0 : i32
    %cond3A_161 = arith.cmpi ne, %convert_element_type3A_159, %cond3A_160 : i32
    scf.if %cond3A_161 {
      "tpu.region"() ({
        %run_scoped3A_162 = tpu.sem_alloc : memref<!tpu.dma_semaphore, #tpu.memory_space<semaphore_mem>>
        %dma_start3A_163 = arith.constant 9984 : i32
        %dma_start3A_164 = arith.constant 0 : i32
        %dma_start3A_165 = tpu.memref_slice %arg6[%arg0, %dma_start3A_163, %dma_start3A_164] : memref<2x10000x128xf32, #tpu.memory_space<hbm>> -> memref<1x16x128xf32, #tpu.memory_space<hbm>>
        %dma_start3A_166 = tpu.memref_squeeze %dma_start3A_165 : memref<1x16x128xf32, #tpu.memory_space<hbm>> -> memref<16x128xf32, #tpu.memory_space<hbm>>
        %dma_start3A_167 = arith.constant 9984 : i32
        %dma_start3A_168 = arith.constant 0 : i32
        %dma_start3A_169 = tpu.memref_slice %arg7[%dma_start3A_167, %dma_start3A_168] : memref<10000x128xf32, #tpu.memory_space<vmem_shared>> -> memref<16x128xf32, #tpu.memory_space<vmem_shared>>
        tpu.enqueue_dma source(%dma_start3A_169 : memref<16x128xf32, #tpu.memory_space<vmem_shared>>) target(%dma_start3A_166 : memref<16x128xf32, #tpu.memory_space<hbm>>) target_semaphore(%run_scoped3A_162 : memref<!tpu.dma_semaphore, #tpu.memory_space<semaphore_mem>>)
        %dma_wait3A_170 = arith.constant 9984 : i32
        %dma_wait3A_171 = arith.constant 0 : i32
        %dma_wait3A_172 = tpu.memref_slice %arg6[%arg0, %dma_wait3A_170, %dma_wait3A_171] : memref<2x10000x128xf32, #tpu.memory_space<hbm>> -> memref<1x16x128xf32, #tpu.memory_space<hbm>>
        %dma_wait3A_173 = tpu.memref_squeeze %dma_wait3A_172 : memref<1x16x128xf32, #tpu.memory_space<hbm>> -> memref<16x128xf32, #tpu.memory_space<hbm>>
        %dma_wait3A_174 = arith.constant 9984 : i32
        %dma_wait3A_175 = arith.constant 0 : i32
        %dma_wait3A_176 = tpu.memref_slice %arg7[%dma_wait3A_174, %dma_wait3A_175] : memref<10000x128xf32, #tpu.memory_space<vmem_shared>> -> memref<16x128xf32, #tpu.memory_space<vmem_shared>>
        tpu.wait_dma2 semaphore(%run_scoped3A_162 : memref<!tpu.dma_semaphore, #tpu.memory_space<semaphore_mem>>) src(%dma_wait3A_176 : memref<16x128xf32, #tpu.memory_space<vmem_shared>>) dst(%dma_wait3A_173 : memref<16x128xf32, #tpu.memory_space<hbm>>)
        tpu.yield
      }) : () -> ()
    } else {
    }
    return
  }
}

module attributes {stable_mosaic.version = 14 : i64} {
  func.func @_colmax_body(%arg0: i32, %arg1: memref<4096x16xf32, #tpu.memory_space<vmem>>, %arg2: memref<16x128xf32, #tpu.memory_space<vmem>>, %arg3: memref<128x128xf32, #tpu.memory_space<vmem>>, %arg4: memref<1x128xf32, #tpu.memory_space<vmem>>, %arg5: memref<8x128xf32, #tpu.memory_space<vmem>>) attributes {dimension_semantics = [#tpu.dimension_semantics<arbitrary>], iteration_bounds = array<i64: 82>, scalar_prefetch = 0 : i64, scratch_operands = 0 : i64, tpu.core_type = #tpu.core_type<tc>, window_params = [{transform_indices = @transform_0, window_bounds = array<i64: 4096, 16>}, {pipeline_mode = #tpu.pipeline_mode<synchronous>, transform_indices = @transform_1, window_bounds = array<i64: 16, 128>}, {pipeline_mode = #tpu.pipeline_mode<synchronous>, transform_indices = @transform_2, window_bounds = array<i64: 128, 128>}, {pipeline_mode = #tpu.pipeline_mode<synchronous>, transform_indices = @transform_3, window_bounds = array<i64: 1, 128>}, {pipeline_mode = #tpu.pipeline_mode<synchronous>, transform_indices = @transform_4, window_bounds = array<i64: 8, 128>}]} {
    %get3A = arith.constant 0 : index
    %get3A_0 = arith.constant 0 : index
    %get3A_1 = vector.load %arg1[%get3A, %get3A_0] : memref<4096x16xf32, #tpu.memory_space<vmem>>, vector<4096x16xf32>
    %convert_element_type3A = arith.truncf %get3A_1 : vector<4096x16xf32> to vector<4096x16xbf16>
    %get3A_2 = arith.constant 0 : index
    %get3A_3 = arith.constant 0 : index
    %get3A_4 = vector.load %arg2[%get3A_2, %get3A_3] : memref<16x128xf32, #tpu.memory_space<vmem>>, vector<16x128xf32>
    %convert_element_type3A_5 = arith.truncf %get3A_4 : vector<16x128xf32> to vector<16x128xbf16>
    %dot_general3A = arith.constant dense<0.000000e+00> : vector<4096x128xf32>
    %dot_general3A_6 = tpu.matmul %convert_element_type3A, %convert_element_type3A_5, %dot_general3A {dimension_numbers = #tpu.dot_dimension_numbers<[1], [0], [0], [1], [0, 0, 1, 1], [], []>, transpose_lhs_hint = false} : vector<4096x16xbf16>, vector<16x128xbf16>, vector<4096x128xf32> -> vector<4096x128xf32>
    %ge3A = arith.constant 0.000000e+00 : f32
    %ge3A_7 = vector.broadcast %ge3A : f32 to vector<4096x128xf32>
    %ge3A_8 = arith.cmpf oge, %dot_general3A_6, %ge3A_7 : vector<4096x128xf32>
    %mul3A = arith.constant 2.000000e-01 : f32
    %mul3A_9 = vector.broadcast %mul3A : f32 to vector<4096x128xf32>
    %mul3A_10 = arith.mulf %mul3A_9, %dot_general3A_6 : vector<4096x128xf32>
    %select_n3A = arith.select %ge3A_8, %dot_general3A_6, %mul3A_10 : vector<4096x128xi1>, vector<4096x128xf32>
    %convert_element_type3A_11 = arith.truncf %select_n3A : vector<4096x128xf32> to vector<4096x128xbf16>
    %get3A_12 = arith.constant 0 : index
    %get3A_13 = arith.constant 0 : index
    %get3A_14 = vector.load %arg3[%get3A_12, %get3A_13] : memref<128x128xf32, #tpu.memory_space<vmem>>, vector<128x128xf32>
    %convert_element_type3A_15 = arith.truncf %get3A_14 : vector<128x128xf32> to vector<128x128xbf16>
    %dot_general3A_16 = arith.constant dense<0.000000e+00> : vector<4096x128xf32>
    %dot_general3A_17 = tpu.matmul %convert_element_type3A_11, %convert_element_type3A_15, %dot_general3A_16 {dimension_numbers = #tpu.dot_dimension_numbers<[1], [0], [0], [1], [0, 0, 1, 1], [], []>, transpose_lhs_hint = false} : vector<4096x128xbf16>, vector<128x128xbf16>, vector<4096x128xf32> -> vector<4096x128xf32>
    %get3A_18 = arith.constant 0 : index
    %get3A_19 = arith.constant 0 : index
    %get3A_20 = vector.load %arg4[%get3A_18, %get3A_19] : memref<1x128xf32, #tpu.memory_space<vmem>>, vector<1x128xf32>
    %add3A = vector.broadcast %get3A_20 : vector<1x128xf32> to vector<4096x128xf32>
    %add3A_21 = arith.addf %dot_general3A_17, %add3A : vector<4096x128xf32>
    %mul3A_22 = arith.constant 4096 : i32
    %mul3A_23 = arith.muli %arg0, %mul3A_22 : i32
    %iota3A = tpu.iota {dimensions = array<i32: 0>} : vector<4096x128xi32>
    %add3A_24 = vector.broadcast %mul3A_23 : i32 to vector<4096x128xi32>
    %add3A_25 = arith.addi %add3A_24, %iota3A : vector<4096x128xi32>
    %lt3A = arith.constant 330000 : i32
    %lt3A_26 = vector.broadcast %lt3A : i32 to vector<4096x128xi32>
    %lt3A_27 = arith.cmpi slt, %add3A_25, %lt3A_26 : vector<4096x128xi32>
    %jit3A = arith.constant -1.000000e+30 : f32
    %broadcast_in_dim3A = vector.broadcast %jit3A : f32 to vector<4096x128xf32>
    %select_n3A_28 = arith.select %lt3A_27, %add3A_21, %broadcast_in_dim3A : vector<4096x128xi1>, vector<4096x128xf32>
    %reduce_max3A = arith.constant dense<0xFF800000> : vector<128xf32>
    %reduce_max3A_29 = vector.multi_reduction <maximumf>, %select_n3A_28, %reduce_max3A [0] : vector<4096x128xf32> to vector<128xf32>
    %broadcast_in_dim3A_30 = vector.shape_cast %reduce_max3A_29 : vector<128xf32> to vector<1x128xf32>
    %eq3A = arith.constant 0 : i32
    %eq3A_31 = arith.cmpi eq, %arg0, %eq3A : i32
    %convert_element_type3A_32 = arith.extui %eq3A_31 : i1 to i32
    %cond3A = arith.constant 0 : i32
    %cond3A_33 = arith.cmpi ne, %convert_element_type3A_32, %cond3A : i32
    scf.if %cond3A_33 {
      %broadcast_in_dim3A_41 = arith.constant -1.000000e+30 : f32
      %broadcast_in_dim3A_42 = vector.broadcast %broadcast_in_dim3A_41 : f32 to vector<8x128xf32>
      %swap3A_43 = arith.constant 0 : index
      %swap3A_44 = arith.constant 0 : index
      %swap3A_45 = vector.load %arg5[%swap3A_43, %swap3A_44] : memref<8x128xf32, #tpu.memory_space<vmem>>, vector<8x128xf32>
      tpu.vector_store %arg5[%swap3A_43, %swap3A_44], %broadcast_in_dim3A_42 {strides = array<i32>} : memref<8x128xf32, #tpu.memory_space<vmem>>, vector<8x128xf32>,
    } else {
    }
    %get3A_34 = arith.constant 0 : index
    %get3A_35 = arith.constant 0 : index
    %get3A_36 = vector.load %arg5[%get3A_34, %get3A_35] : memref<8x128xf32, #tpu.memory_space<vmem>>, vector<8x128xf32>
    %broadcast_in_dim3A_37 = vector.shape_cast %broadcast_in_dim3A_30 : vector<1x128xf32> to vector<1x128xf32>
    %broadcast_in_dim3A_38 = vector.broadcast %broadcast_in_dim3A_37 : vector<1x128xf32> to vector<8x128xf32>
    %max3A = arith.maximumf %get3A_36, %broadcast_in_dim3A_38 : vector<8x128xf32>
    %swap3A = arith.constant 0 : index
    %swap3A_39 = arith.constant 0 : index
    %swap3A_40 = vector.load %arg5[%swap3A, %swap3A_39] : memref<8x128xf32, #tpu.memory_space<vmem>>, vector<8x128xf32>
    tpu.vector_store %arg5[%swap3A, %swap3A_39], %max3A {strides = array<i32>} : memref<8x128xf32, #tpu.memory_space<vmem>>, vector<8x128xf32>,
    return
  }
  func.func @transform_0(%arg0: i32) -> (i32, i32) {
    %min3A = arith.constant 80 : i32
    %min3A_0 = arith.minsi %arg0, %min3A : i32
    %c0_i32 = arith.constant 0 : i32
    %c0_i32_1 = arith.constant 0 : i32
    return %min3A_0, %c0_i32 : i32, i32
  }
  func.func @transform_1(%arg0: i32) -> (i32, i32) {
    %c0_i32 = arith.constant 0 : i32
    %c0_i32_0 = arith.constant 0 : i32
    %c0_i32_1 = arith.constant 0 : i32
    return %c0_i32, %c0_i32_0 : i32, i32
  }
  func.func @transform_2(%arg0: i32) -> (i32, i32) {
    %c0_i32 = arith.constant 0 : i32
    %c0_i32_0 = arith.constant 0 : i32
    %c0_i32_1 = arith.constant 0 : i32
    return %c0_i32, %c0_i32_0 : i32, i32
  }
  func.func @transform_3(%arg0: i32) -> (i32, i32) {
    %c0_i32 = arith.constant 0 : i32
    %c0_i32_0 = arith.constant 0 : i32
    %c0_i32_1 = arith.constant 0 : i32
    return %c0_i32, %c0_i32_0 : i32, i32
  }
  func.func @transform_4(%arg0: i32) -> (i32, i32) {
    %c0_i32 = arith.constant 0 : i32
    %c0_i32_0 = arith.constant 0 : i32
    %c0_i32_1 = arith.constant 0 : i32
    return %c0_i32, %c0_i32_0 : i32, i32
  }
}

module attributes {stable_mosaic.version = 14 : i64} {
  func.func @_exp_body(%arg0: i32, %arg1: memref<4096x16xf32, #tpu.memory_space<vmem>>, %arg2: memref<16x128xf32, #tpu.memory_space<vmem>>, %arg3: memref<128x128xf32, #tpu.memory_space<vmem>>, %arg4: memref<1x128xf32, #tpu.memory_space<vmem>>, %arg5: memref<1x128xf32, #tpu.memory_space<vmem>>, %arg6: memref<4096x128xf32, #tpu.memory_space<vmem>>) attributes {dimension_semantics = [#tpu.dimension_semantics<arbitrary>], iteration_bounds = array<i64: 82>, scalar_prefetch = 0 : i64, scratch_operands = 0 : i64, tpu.core_type = #tpu.core_type<tc>, window_params = [{transform_indices = @transform_0, window_bounds = array<i64: 4096, 16>}, {pipeline_mode = #tpu.pipeline_mode<synchronous>, transform_indices = @transform_1, window_bounds = array<i64: 16, 128>}, {pipeline_mode = #tpu.pipeline_mode<synchronous>, transform_indices = @transform_2, window_bounds = array<i64: 128, 128>}, {pipeline_mode = #tpu.pipeline_mode<synchronous>, transform_indices = @transform_3, window_bounds = array<i64: 1, 128>}, {pipeline_mode = #tpu.pipeline_mode<synchronous>, transform_indices = @transform_4, window_bounds = array<i64: 1, 128>}, {transform_indices = @transform_5, window_bounds = array<i64: 4096, 128>}]} {
    %get3A = arith.constant 0 : index
    %get3A_0 = arith.constant 0 : index
    %get3A_1 = vector.load %arg1[%get3A, %get3A_0] : memref<4096x16xf32, #tpu.memory_space<vmem>>, vector<4096x16xf32>
    %get3A_2 = arith.constant 0 : index
    %get3A_3 = arith.constant 0 : index
    %get3A_4 = vector.load %arg2[%get3A_2, %get3A_3] : memref<16x128xf32, #tpu.memory_space<vmem>>, vector<16x128xf32>
    %dot_general3A = arith.constant dense<0.000000e+00> : vector<4096x128xf32>
    %dot_general3A_5 = tpu.matmul %get3A_1, %get3A_4, %dot_general3A {dimension_numbers = #tpu.dot_dimension_numbers<[1], [0], [0], [1], [0, 0, 1, 1], [], []>, transpose_lhs_hint = false} : vector<4096x16xf32>, vector<16x128xf32>, vector<4096x128xf32> -> vector<4096x128xf32>
    %ge3A = arith.constant 0.000000e+00 : f32
    %ge3A_6 = vector.broadcast %ge3A : f32 to vector<4096x128xf32>
    %ge3A_7 = arith.cmpf oge, %dot_general3A_5, %ge3A_6 : vector<4096x128xf32>
    %mul3A = arith.constant 2.000000e-01 : f32
    %mul3A_8 = vector.broadcast %mul3A : f32 to vector<4096x128xf32>
    %mul3A_9 = arith.mulf %mul3A_8, %dot_general3A_5 : vector<4096x128xf32>
    %select_n3A = arith.select %ge3A_7, %dot_general3A_5, %mul3A_9 : vector<4096x128xi1>, vector<4096x128xf32>
    %get3A_10 = arith.constant 0 : index
    %get3A_11 = arith.constant 0 : index
    %get3A_12 = vector.load %arg3[%get3A_10, %get3A_11] : memref<128x128xf32, #tpu.memory_space<vmem>>, vector<128x128xf32>
    %convert_element_type3A = arith.truncf %select_n3A : vector<4096x128xf32> to vector<4096x128xbf16>
    %convert_element_type3A_13 = arith.extf %convert_element_type3A : vector<4096x128xbf16> to vector<4096x128xf32>
    %sub3A = arith.subf %select_n3A, %convert_element_type3A_13 : vector<4096x128xf32>
    %convert_element_type3A_14 = arith.truncf %sub3A : vector<4096x128xf32> to vector<4096x128xbf16>
    %convert_element_type3A_15 = arith.truncf %get3A_12 : vector<128x128xf32> to vector<128x128xbf16>
    %convert_element_type3A_16 = arith.extf %convert_element_type3A_15 : vector<128x128xbf16> to vector<128x128xf32>
    %sub3A_17 = arith.subf %get3A_12, %convert_element_type3A_16 : vector<128x128xf32>
    %convert_element_type3A_18 = arith.truncf %sub3A_17 : vector<128x128xf32> to vector<128x128xbf16>
    %dot_general3A_19 = arith.constant dense<0.000000e+00> : vector<4096x128xf32>
    %dot_general3A_20 = tpu.matmul %convert_element_type3A, %convert_element_type3A_18, %dot_general3A_19 {dimension_numbers = #tpu.dot_dimension_numbers<[1], [0], [0], [1], [0, 0, 1, 1], [], []>, transpose_lhs_hint = false} : vector<4096x128xbf16>, vector<128x128xbf16>, vector<4096x128xf32> -> vector<4096x128xf32>
    %dot_general3A_21 = arith.constant dense<0.000000e+00> : vector<4096x128xf32>
    %dot_general3A_22 = tpu.matmul %convert_element_type3A_14, %convert_element_type3A_15, %dot_general3A_21 {dimension_numbers = #tpu.dot_dimension_numbers<[1], [0], [0], [1], [0, 0, 1, 1], [], []>, transpose_lhs_hint = false} : vector<4096x128xbf16>, vector<128x128xbf16>, vector<4096x128xf32> -> vector<4096x128xf32>
    %add3A = arith.addf %dot_general3A_20, %dot_general3A_22 : vector<4096x128xf32>
    %dot_general3A_23 = arith.constant dense<0.000000e+00> : vector<4096x128xf32>
    %dot_general3A_24 = tpu.matmul %convert_element_type3A, %convert_element_type3A_15, %dot_general3A_23 {dimension_numbers = #tpu.dot_dimension_numbers<[1], [0], [0], [1], [0, 0, 1, 1], [], []>, transpose_lhs_hint = false} : vector<4096x128xbf16>, vector<128x128xbf16>, vector<4096x128xf32> -> vector<4096x128xf32>
    %add3A_25 = arith.addf %add3A, %dot_general3A_24 : vector<4096x128xf32>
    %get3A_26 = arith.constant 0 : index
    %get3A_27 = arith.constant 0 : index
    %get3A_28 = vector.load %arg4[%get3A_26, %get3A_27] : memref<1x128xf32, #tpu.memory_space<vmem>>, vector<1x128xf32>
    %add3A_29 = vector.broadcast %get3A_28 : vector<1x128xf32> to vector<4096x128xf32>
    %add3A_30 = arith.addf %add3A_25, %add3A_29 : vector<4096x128xf32>
    %mul3A_31 = arith.constant 4096 : i32
    %mul3A_32 = arith.muli %arg0, %mul3A_31 : i32
    %iota3A = tpu.iota {dimensions = array<i32: 0>} : vector<4096x128xi32>
    %add3A_33 = vector.broadcast %mul3A_32 : i32 to vector<4096x128xi32>
    %add3A_34 = arith.addi %add3A_33, %iota3A : vector<4096x128xi32>
    %lt3A = arith.constant 330000 : i32
    %lt3A_35 = vector.broadcast %lt3A : i32 to vector<4096x128xi32>
    %lt3A_36 = arith.cmpi slt, %add3A_34, %lt3A_35 : vector<4096x128xi32>
    %get3A_37 = arith.constant 0 : index
    %get3A_38 = arith.constant 0 : index
    %get3A_39 = vector.load %arg5[%get3A_37, %get3A_38] : memref<1x128xf32, #tpu.memory_space<vmem>>, vector<1x128xf32>
    %sub3A_40 = vector.broadcast %get3A_39 : vector<1x128xf32> to vector<4096x128xf32>
    %sub3A_41 = arith.subf %add3A_30, %sub3A_40 : vector<4096x128xf32>
    %exp3A = math.exp %sub3A_41 : vector<4096x128xf32>
    %jit3A = arith.constant 0.000000e+00 : f32
    %broadcast_in_dim3A = vector.broadcast %jit3A : f32 to vector<4096x128xf32>
    %select_n3A_42 = arith.select %lt3A_36, %exp3A, %broadcast_in_dim3A : vector<4096x128xi1>, vector<4096x128xf32>
    %swap3A = arith.constant 0 : index
    %swap3A_43 = arith.constant 0 : index
    %swap3A_44 = vector.load %arg6[%swap3A, %swap3A_43] : memref<4096x128xf32, #tpu.memory_space<vmem>>, vector<4096x128xf32>
    tpu.vector_store %arg6[%swap3A, %swap3A_43], %select_n3A_42 {strides = array<i32>} : memref<4096x128xf32, #tpu.memory_space<vmem>>, vector<4096x128xf32>,
    return
  }
  func.func @transform_0(%arg0: i32) -> (i32, i32) {
    %min3A = arith.constant 80 : i32
    %min3A_0 = arith.minsi %arg0, %min3A : i32
    %c0_i32 = arith.constant 0 : i32
    %c0_i32_1 = arith.constant 0 : i32
    return %min3A_0, %c0_i32 : i32, i32
  }
  func.func @transform_1(%arg0: i32) -> (i32, i32) {
    %c0_i32 = arith.constant 0 : i32
    %c0_i32_0 = arith.constant 0 : i32
    %c0_i32_1 = arith.constant 0 : i32
    return %c0_i32, %c0_i32_0 : i32, i32
  }
  func.func @transform_2(%arg0: i32) -> (i32, i32) {
    %c0_i32 = arith.constant 0 : i32
    %c0_i32_0 = arith.constant 0 : i32
    %c0_i32_1 = arith.constant 0 : i32
    return %c0_i32, %c0_i32_0 : i32, i32
  }
  func.func @transform_3(%arg0: i32) -> (i32, i32) {
    %c0_i32 = arith.constant 0 : i32
    %c0_i32_0 = arith.constant 0 : i32
    %c0_i32_1 = arith.constant 0 : i32
    return %c0_i32, %c0_i32_0 : i32, i32
  }
  func.func @transform_4(%arg0: i32) -> (i32, i32) {
    %c0_i32 = arith.constant 0 : i32
    %c0_i32_0 = arith.constant 0 : i32
    %c0_i32_1 = arith.constant 0 : i32
    return %c0_i32, %c0_i32_0 : i32, i32
  }
  func.func @transform_5(%arg0: i32) -> (i32, i32) {
    %c0_i32 = arith.constant 0 : i32
    %c0_i32_0 = arith.constant 0 : i32
    return %arg0, %c0_i32 : i32, i32
  }
}

module attributes {stable_mosaic.version = 14 : i64} {
  func.func @_z_body(%arg0: i32, %arg1: memref<2000x128xf32, #tpu.memory_space<vmem>>, %arg2: memref<128x128xf32, #tpu.memory_space<vmem>>, %arg3: memref<2x2000x128xf32, #tpu.memory_space<vmem>>, %arg4: memref<2000x128xf32, #tpu.memory_space<vmem>>) attributes {dimension_semantics = [#tpu.dimension_semantics<arbitrary>], iteration_bounds = array<i64: 5>, scalar_prefetch = 0 : i64, scratch_operands = 0 : i64, tpu.core_type = #tpu.core_type<tc>, window_params = [{transform_indices = @transform_0, window_bounds = array<i64: 2000, 128>}, {pipeline_mode = #tpu.pipeline_mode<synchronous>, transform_indices = @transform_1, window_bounds = array<i64: 128, 128>}, {transform_indices = @transform_2, window_bounds = array<i64: 2, 2000, 128>}, {transform_indices = @transform_3, window_bounds = array<i64: 2000, 128>}]} {
    %get3A = arith.constant 0 : index
    %get3A_0 = arith.constant 0 : index
    %get3A_1 = vector.load %arg1[%get3A, %get3A_0] : memref<2000x128xf32, #tpu.memory_space<vmem>>, vector<2000x128xf32>
    %get3A_2 = arith.constant 0 : index
    %get3A_3 = arith.constant 0 : index
    %get3A_4 = vector.load %arg2[%get3A_2, %get3A_3] : memref<128x128xf32, #tpu.memory_space<vmem>>, vector<128x128xf32>
    %dot_general3A = arith.constant dense<0.000000e+00> : vector<2000x128xf32>
    %dot_general3A_5 = tpu.matmul %get3A_1, %get3A_4, %dot_general3A {dimension_numbers = #tpu.dot_dimension_numbers<[1], [0], [0], [1], [0, 0, 1, 1], [], []>, transpose_lhs_hint = false} : vector<2000x128xf32>, vector<128x128xf32>, vector<2000x128xf32> -> vector<2000x128xf32>
    %get3A_6 = arith.constant 0 : index
    %get3A_7 = arith.constant 0 : index
    %get3A_8 = arith.constant 0 : index
    %get3A_9 = vector.load %arg3[%get3A_6, %get3A_7, %get3A_8] : memref<2x2000x128xf32, #tpu.memory_space<vmem>>, vector<1x2000x128xf32>
    %get3A_10 = vector.shape_cast %get3A_9 : vector<1x2000x128xf32> to vector<2000x128xf32>
    %get3A_11 = arith.constant 1 : index
    %get3A_12 = arith.constant 0 : index
    %get3A_13 = arith.constant 0 : index
    %get3A_14 = vector.load %arg3[%get3A_11, %get3A_12, %get3A_13] : memref<2x2000x128xf32, #tpu.memory_space<vmem>>, vector<1x2000x128xf32>
    %get3A_15 = vector.shape_cast %get3A_14 : vector<1x2000x128xf32> to vector<2000x128xf32>
    %add3A = arith.addf %get3A_10, %get3A_15 : vector<2000x128xf32>
    %add3A_16 = arith.constant 1.000000e-16 : f32
    %add3A_17 = vector.broadcast %add3A_16 : f32 to vector<2000x128xf32>
    %add3A_18 = arith.addf %add3A, %add3A_17 : vector<2000x128xf32>
    %div3A = arith.divf %dot_general3A_5, %add3A_18 : vector<2000x128xf32>
    %swap3A = arith.constant 0 : index
    %swap3A_19 = arith.constant 0 : index
    %swap3A_20 = vector.load %arg4[%swap3A, %swap3A_19] : memref<2000x128xf32, #tpu.memory_space<vmem>>, vector<2000x128xf32>
    tpu.vector_store %arg4[%swap3A, %swap3A_19], %div3A {strides = array<i32>} : memref<2000x128xf32, #tpu.memory_space<vmem>>, vector<2000x128xf32>,
    return
  }
  func.func @transform_0(%arg0: i32) -> (i32, i32) {
    %c0_i32 = arith.constant 0 : i32
    %c0_i32_0 = arith.constant 0 : i32
    return %arg0, %c0_i32 : i32, i32
  }
  func.func @transform_1(%arg0: i32) -> (i32, i32) {
    %c0_i32 = arith.constant 0 : i32
    %c0_i32_0 = arith.constant 0 : i32
    %c0_i32_1 = arith.constant 0 : i32
    return %c0_i32, %c0_i32_0 : i32, i32
  }
  func.func @transform_2(%arg0: i32) -> (i32, i32, i32) {
    %c0_i32 = arith.constant 0 : i32
    %c0_i32_0 = arith.constant 0 : i32
    %c0_i32_1 = arith.constant 0 : i32
    return %c0_i32, %arg0, %c0_i32_0 : i32, i32, i32
  }
  func.func @transform_3(%arg0: i32) -> (i32, i32) {
    %c0_i32 = arith.constant 0 : i32
    %c0_i32_0 = arith.constant 0 : i32
    return %arg0, %c0_i32 : i32, i32
  }
}

module attributes {stable_mosaic.version = 14 : i64} {
  func.func @_final_body(%arg0: i32, %arg1: memref<2x2000x128xf32, #tpu.memory_space<vmem>>, %arg2: memref<2000x16xf32, #tpu.memory_space<vmem>>, %arg3: memref<16x128xf32, #tpu.memory_space<vmem>>, %arg4: memref<128x128xf32, #tpu.memory_space<vmem>>, %arg5: memref<1x128xf32, #tpu.memory_space<vmem>>, %arg6: memref<1x128xf32, #tpu.memory_space<vmem>>, %arg7: memref<1x128xf32, #tpu.memory_space<vmem>>, %arg8: memref<2000x128xf32, #tpu.memory_space<vmem>>) attributes {dimension_semantics = [#tpu.dimension_semantics<arbitrary>], iteration_bounds = array<i64: 5>, scalar_prefetch = 0 : i64, scratch_operands = 0 : i64, tpu.core_type = #tpu.core_type<tc>, window_params = [{transform_indices = @transform_0, window_bounds = array<i64: 2, 2000, 128>}, {transform_indices = @transform_1, window_bounds = array<i64: 2000, 16>}, {pipeline_mode = #tpu.pipeline_mode<synchronous>, transform_indices = @transform_2, window_bounds = array<i64: 16, 128>}, {pipeline_mode = #tpu.pipeline_mode<synchronous>, transform_indices = @transform_3, window_bounds = array<i64: 128, 128>}, {pipeline_mode = #tpu.pipeline_mode<synchronous>, transform_indices = @transform_4, window_bounds = array<i64: 1, 128>}, {pipeline_mode = #tpu.pipeline_mode<synchronous>, transform_indices = @transform_5, window_bounds = array<i64: 1, 128>}, {pipeline_mode = #tpu.pipeline_mode<synchronous>, transform_indices = @transform_6, window_bounds = array<i64: 1, 128>}, {transform_indices = @transform_7, window_bounds = array<i64: 2000, 128>}]} {
    %get3A = arith.constant 0 : index
    %get3A_0 = arith.constant 0 : index
    %get3A_1 = vector.load %arg2[%get3A, %get3A_0] : memref<2000x16xf32, #tpu.memory_space<vmem>>, vector<2000x16xf32>
    %get3A_2 = arith.constant 0 : index
    %get3A_3 = arith.constant 0 : index
    %get3A_4 = vector.load %arg3[%get3A_2, %get3A_3] : memref<16x128xf32, #tpu.memory_space<vmem>>, vector<16x128xf32>
    %dot_general3A = arith.constant dense<0.000000e+00> : vector<2000x128xf32>
    %dot_general3A_5 = tpu.matmul %get3A_1, %get3A_4, %dot_general3A {dimension_numbers = #tpu.dot_dimension_numbers<[1], [0], [0], [1], [0, 0, 1, 1], [], []>, transpose_lhs_hint = false} : vector<2000x16xf32>, vector<16x128xf32>, vector<2000x128xf32> -> vector<2000x128xf32>
    %ge3A = arith.constant 0.000000e+00 : f32
    %ge3A_6 = vector.broadcast %ge3A : f32 to vector<2000x128xf32>
    %ge3A_7 = arith.cmpf oge, %dot_general3A_5, %ge3A_6 : vector<2000x128xf32>
    %mul3A = arith.constant 2.000000e-01 : f32
    %mul3A_8 = vector.broadcast %mul3A : f32 to vector<2000x128xf32>
    %mul3A_9 = arith.mulf %mul3A_8, %dot_general3A_5 : vector<2000x128xf32>
    %select_n3A = arith.select %ge3A_7, %dot_general3A_5, %mul3A_9 : vector<2000x128xi1>, vector<2000x128xf32>
    %get3A_10 = arith.constant 0 : index
    %get3A_11 = arith.constant 0 : index
    %get3A_12 = vector.load %arg4[%get3A_10, %get3A_11] : memref<128x128xf32, #tpu.memory_space<vmem>>, vector<128x128xf32>
    %dot_general3A_13 = arith.constant dense<0.000000e+00> : vector<2000x128xf32>
    %dot_general3A_14 = tpu.matmul %select_n3A, %get3A_12, %dot_general3A_13 {dimension_numbers = #tpu.dot_dimension_numbers<[1], [0], [0], [1], [0, 0, 1, 1], [], []>, transpose_lhs_hint = false} : vector<2000x128xf32>, vector<128x128xf32>, vector<2000x128xf32> -> vector<2000x128xf32>
    %get3A_15 = arith.constant 0 : index
    %get3A_16 = arith.constant 0 : index
    %get3A_17 = vector.load %arg5[%get3A_15, %get3A_16] : memref<1x128xf32, #tpu.memory_space<vmem>>, vector<1x128xf32>
    %add3A = vector.broadcast %get3A_17 : vector<1x128xf32> to vector<2000x128xf32>
    %add3A_18 = arith.addf %dot_general3A_14, %add3A : vector<2000x128xf32>
    %ge3A_19 = arith.constant 0.000000e+00 : f32
    %ge3A_20 = vector.broadcast %ge3A_19 : f32 to vector<2000x128xf32>
    %ge3A_21 = arith.cmpf oge, %add3A_18, %ge3A_20 : vector<2000x128xf32>
    %mul3A_22 = arith.constant 0.00999999977 : f32
    %mul3A_23 = vector.broadcast %mul3A_22 : f32 to vector<2000x128xf32>
    %mul3A_24 = arith.mulf %mul3A_23, %add3A_18 : vector<2000x128xf32>
    %select_n3A_25 = arith.select %ge3A_21, %add3A_18, %mul3A_24 : vector<2000x128xi1>, vector<2000x128xf32>
    %get3A_26 = arith.constant 0 : index
    %get3A_27 = arith.constant 0 : index
    %get3A_28 = arith.constant 0 : index
    %get3A_29 = vector.load %arg1[%get3A_26, %get3A_27, %get3A_28] : memref<2x2000x128xf32, #tpu.memory_space<vmem>>, vector<1x2000x128xf32>
    %get3A_30 = vector.shape_cast %get3A_29 : vector<1x2000x128xf32> to vector<2000x128xf32>
    %get3A_31 = arith.constant 1 : index
    %get3A_32 = arith.constant 0 : index
    %get3A_33 = arith.constant 0 : index
    %get3A_34 = vector.load %arg1[%get3A_31, %get3A_32, %get3A_33] : memref<2x2000x128xf32, #tpu.memory_space<vmem>>, vector<1x2000x128xf32>
    %get3A_35 = vector.shape_cast %get3A_34 : vector<1x2000x128xf32> to vector<2000x128xf32>
    %add3A_36 = arith.addf %get3A_30, %get3A_35 : vector<2000x128xf32>
    %get3A_37 = arith.constant 0 : index
    %get3A_38 = arith.constant 0 : index
    %get3A_39 = vector.load %arg6[%get3A_37, %get3A_38] : memref<1x128xf32, #tpu.memory_space<vmem>>, vector<1x128xf32>
    %add3A_40 = vector.broadcast %get3A_39 : vector<1x128xf32> to vector<2000x128xf32>
    %add3A_41 = arith.addf %add3A_36, %add3A_40 : vector<2000x128xf32>
    %get3A_42 = arith.constant 0 : index
    %get3A_43 = arith.constant 0 : index
    %get3A_44 = vector.load %arg7[%get3A_42, %get3A_43] : memref<1x128xf32, #tpu.memory_space<vmem>>, vector<1x128xf32>
    %mul3A_45 = vector.broadcast %get3A_44 : vector<1x128xf32> to vector<2000x128xf32>
    %mul3A_46 = arith.mulf %mul3A_45, %select_n3A_25 : vector<2000x128xf32>
    %add3A_47 = arith.addf %add3A_41, %mul3A_46 : vector<2000x128xf32>
    %swap3A = arith.constant 0 : index
    %swap3A_48 = arith.constant 0 : index
    %swap3A_49 = vector.load %arg8[%swap3A, %swap3A_48] : memref<2000x128xf32, #tpu.memory_space<vmem>>, vector<2000x128xf32>
    tpu.vector_store %arg8[%swap3A, %swap3A_48], %add3A_47 {strides = array<i32>} : memref<2000x128xf32, #tpu.memory_space<vmem>>, vector<2000x128xf32>,
    return
  }
  func.func @transform_0(%arg0: i32) -> (i32, i32, i32) {
    %c0_i32 = arith.constant 0 : i32
    %c0_i32_0 = arith.constant 0 : i32
    %c0_i32_1 = arith.constant 0 : i32
    return %c0_i32, %arg0, %c0_i32_0 : i32, i32, i32
  }
  func.func @transform_1(%arg0: i32) -> (i32, i32) {
    %c0_i32 = arith.constant 0 : i32
    %c0_i32_0 = arith.constant 0 : i32
    return %arg0, %c0_i32 : i32, i32
  }
  func.func @transform_2(%arg0: i32) -> (i32, i32) {
    %c0_i32 = arith.constant 0 : i32
    %c0_i32_0 = arith.constant 0 : i32
    %c0_i32_1 = arith.constant 0 : i32
    return %c0_i32, %c0_i32_0 : i32, i32
  }
  func.func @transform_3(%arg0: i32) -> (i32, i32) {
    %c0_i32 = arith.constant 0 : i32
    %c0_i32_0 = arith.constant 0 : i32
    %c0_i32_1 = arith.constant 0 : i32
    return %c0_i32, %c0_i32_0 : i32, i32
  }
  func.func @transform_4(%arg0: i32) -> (i32, i32) {
    %c0_i32 = arith.constant 0 : i32
    %c0_i32_0 = arith.constant 0 : i32
    %c0_i32_1 = arith.constant 0 : i32
    return %c0_i32, %c0_i32_0 : i32, i32
  }
  func.func @transform_5(%arg0: i32) -> (i32, i32) {
    %c0_i32 = arith.constant 0 : i32
    %c0_i32_0 = arith.constant 0 : i32
    %c0_i32_1 = arith.constant 0 : i32
    return %c0_i32, %c0_i32_0 : i32, i32
  }
  func.func @transform_6(%arg0: i32) -> (i32, i32) {
    %c0_i32 = arith.constant 0 : i32
    %c0_i32_0 = arith.constant 0 : i32
    %c0_i32_1 = arith.constant 0 : i32
    return %c0_i32, %c0_i32_0 : i32, i32
  }
  func.func @transform_7(%arg0: i32) -> (i32, i32) {
    %c0_i32 = arith.constant 0 : i32
    %c0_i32_0 = arith.constant 0 : i32
    return %arg0, %c0_i32 : i32, i32
  }
}

</mosaic_0001>

<sc_bundles>
// kernel: kernel.11.cloned.1.call-start
scs
__scs_entry_jumppad:
0x0: {  	(pc) =	sbr.rel $0x88, $3  }
0x1: {  	(tag) =	ssettag $0x0;
	lr =	simm.s32 $0x1  }
0x2: {  	[smem:$0x3F94] =	sst lr;
	_ =	strace $0xD0000000  }
0x3: {  	_ = 	snop  }
0x4: {  	_ = 	snop  }
0x5: {  	_ = 	snop  }
0x6: {  	_ = 	snop  }
0x7: {  	_ = 	snop  }
__scs_overlays_trampoline_lowered:
0x8: {  	[smem:$0x3FA3] =	sst s0  }
0x9: {  	[smem:$0x3FA4] =	sst s1  }
0xa: {  	[smem:$0x3FA5] =	sst s2  }
0xb: {  	[smem:$0x3FA6] =	sst s3  }
0xc: {  	[smem:$0x3FA7] =	sst s4  }
0xd: {  	[smem:$0x3FA8] =	sst s5  }
0xe: {  	[smem:$0x3FA9] =	sst s6  }
0xf: {  	[smem:$0x3FAA] =	sst s7  }
0x10: {  	[smem:$0x3FAB] =	sst s8  }
0x11: {  	[smem:$0x3FAC] =	sst s9;
	s0 =	simm.s32 @!p0 $0x0  }
0x12: {  	s1 =	sld [smem:$0x3F92];
	s0 =	simm.s32 @p0 $0x1  }
0x13: {  	[smem:$0x3FAD] =	sst s0;
	s0 =	simm.s32 @!p1 $0x0  }
0x14: {  	s2 =	sld [smem:$0x3F91];
	s0 =	simm.s32 @p1 $0x1  }
0x15: {  	[smem:$0x3FAE] =	sst s0;
	s0 =	simm.s32 @!p2 $0x0  }
0x16: {  	s3 =	sld [smem:$0x3FDB];
	s0 =	simm.s32 @p2 $0x1  }
0x17: {  	s4 =	simm.s32 $0x1BF5;
	[smem:$0x3FB0] =	sst s0  }
0x18: {  	s0 =	sld [smem:$0x3F93];
	_ =	swait.ge [sflag:s4], $0x0  }
0x19: {  	s7 =	sld [smem:$0x3F94]  }
0x1a: {  	s8 =	sadd.s32 $0xFFFFE003, lr  }
0x1b: {  	s9 =	sadd.s32 $0xFFFFFEF7, lr;
	s5 =	simm.s32 $0xFFFFFFFF;
	p2 =	slt.u32 s8, $0xFFFFF086  }
0x1c: {  	p1 =	slt.u32 s9, $0xF7A;
	s5 =	simm.s32 @!p2 $0x0  }
0x1d: {  	s5 =	simm.s32 @p1 $0x1;
	p0 =	seq.s32 s7, s2  }
0x1e: {  	s7 =	smul.u32 @!p0 $0xF7A, s2;
	p2 =	seq.s32 @!p0 s5, $0x0  }
0x1f: {  	s9 =	smul.u32 $0xF7A, s1;
	s8 =	simm.s32 @!p0 $0x1BF5;
	p2 =	por !p2, p0  }
0x20: {  	[sflag:s8] =	ssyncset.s32 @!p0 $0xFFFFF086;
	s6 =	sadd.s32 @!p0 s3, s7;
	s7 =	simm.s32 @!p0 $0x108  }
0x21: {  	s3 =	sadd.s32 s3, s9;
	s6 =	sadd.s32 @!p0 $0x88, s6;
	s7 =	simm.s32 @p2 $0x1082  }
0x22: {  	[simem:s7], [sflag:s8] =	dma.local @!p0 [hbm:s6], $0xF7A  }
0x23: {  	s9 =	sor.u32 $0xD0000000, s2;
	s6 =	simm.s32 $0x108;
	_ =	swait.ge @!p0 [sflag:s8], $0x0  }
0x24: {  	s3 =	sadd.s32 $0x88, s3;
	s6 =	simm.s32 @!p1 $0x1082;
	[sflag:s4] =	ssyncset.s32 $0xFFFFF086  }
0x25: {  	[simem:s6], [sflag:s4] =	dma.local [hbm:s3], $0xF7A  }
0x26: {  	[smem:$0x3F94] =	sst s1;
	(tag) =	ssettag s2;
	_ =	strace s9  }
0x27: {  	s1 =	sld [smem:$0x3FA4]  }
0x28: {  	s2 =	sld [smem:$0x3FA5]  }
0x29: {  	s4 =	sld [smem:$0x3FA7]  }
0x2a: {  	p0 =	seq.s32 s5, $0x0;
	s5 =	sld [smem:$0x3FA8]  }
0x2b: {  	s6 =	sld [smem:$0x3FA9]  }
0x2c: {  	s7 =	sld [smem:$0x3FAA]  }
0x2d: {  	s3 =	simm.s32 $0x108;
	s8 =	sld [smem:$0x3FAB]  }
0x2e: {  	s3 =	simm.s32 @!p0 $0x1082;
	s9 =	sld [smem:$0x3FAC]  }
0x2f: {  	lr =	sadd.s32 s0, s3;
	s0 =	sld [smem:$0x3FA3]  }
0x30: {  	s3 =	sld [smem:$0x3FA6]  }
0x31: {  	[smem:$0x3FAF] =	sst s10  }
0x32: {  	s10 =	sld [smem:$0x3FAD];
	_ =	sdelay $0x3  }
0x33: {  	p0 =	seq.s32 s10, $0x1;
	s10 =	sld [smem:$0x3FAF];
	_ =	sdelay $0x3  }
0x34: {  	[smem:$0x3FAF] =	sst s10  }
0x35: {  	s10 =	sld [smem:$0x3FAE];
	_ =	sdelay $0x3  }
0x36: {  	p1 =	seq.s32 s10, $0x1;
	s10 =	sld [smem:$0x3FAF];
	_ =	sdelay $0x3  }
0x37: {  	[smem:$0x3FAF] =	sst s10  }
0x38: {  	s10 =	sld [smem:$0x3FB0]  }
0x39: {  	_ = 	snop;
	(pc) =	sbr.ind lr, $3  }
0x3a: {  	_ = 	snop  }
0x3b: {  	_ = 	snop  }
0x3c: {  	p2 =	seq.s32 s10, $0x1;
	s10 =	sld [smem:$0x3FAF]  }
0x3d: {  	_ =	shalt  }
0x3e: {  	_ =	shalt  }
0x3f: {  	_ =	shalt  }
0x40: {  	_ =	shalt  }
0x41: {  	_ =	shalt  }
0x42: {  	_ =	shalt  }
0x43: {  	_ =	shalt  }
0x44: {  	_ =	shalt  }
0x45: {  	_ =	shalt  }
0x46: {  	_ =	shalt  }
0x47: {  	_ =	shalt  }
0x48: {  	_ =	shalt  }
0x49: {  	_ =	shalt  }
0x4a: {  	_ =	shalt  }
0x4b: {  	_ =	shalt  }
0x4c: {  	_ =	shalt  }
0x4d: {  	_ =	shalt  }
0x4e: {  	_ =	shalt  }
0x4f: {  	_ =	shalt  }
0x50: {  	_ =	shalt  }
0x51: {  	_ =	shalt  }
0x52: {  	_ =	shalt  }
0x53: {  	_ =	shalt  }
0x54: {  	_ =	shalt  }
0x55: {  	_ =	shalt  }
0x56: {  	_ =	shalt  }
0x57: {  	_ =	shalt  }
0x58: {  	_ =	shalt  }
0x59: {  	_ =	shalt  }
0x5a: {  	_ =	shalt  }
0x5b: {  	_ =	shalt  }
0x5c: {  	_ =	shalt  }
0x5d: {  	_ =	shalt  }
0x5e: {  	_ =	shalt  }
0x5f: {  	_ =	shalt  }
0x60: {  	_ =	shalt  }
0x61: {  	_ =	shalt  }
0x62: {  	_ =	shalt  }
0x63: {  	_ =	shalt  }
0x64: {  	_ =	shalt  }
0x65: {  	_ =	shalt  }
0x66: {  	_ =	shalt  }
0x67: {  	_ =	shalt  }
0x68: {  	_ =	shalt  }
0x69: {  	_ =	shalt  }
0x6a: {  	_ =	shalt  }
0x6b: {  	_ =	shalt  }
0x6c: {  	_ =	shalt  }
0x6d: {  	_ =	shalt  }
0x6e: {  	_ =	shalt  }
0x6f: {  	_ =	shalt  }
0x70: {  	_ =	shalt  }
0x71: {  	_ =	shalt  }
0x72: {  	_ =	shalt  }
0x73: {  	_ =	shalt  }
0x74: {  	_ =	shalt  }
0x75: {  	_ =	shalt  }
0x76: {  	_ =	shalt  }
0x77: {  	_ =	shalt  }
0x78: {  	_ =	shalt  }
0x79: {  	_ =	shalt  }
0x7a: {  	_ =	shalt  }
0x7b: {  	_ =	shalt  }
0x7c: {  	_ =	shalt  }
0x7d: {  	_ =	shalt  }
0x7e: {  	_ =	shalt  }
0x7f: {  	_ =	shalt  }
0x80: {  	_ =	shalt  }
0x81: {  	_ =	shalt  }
0x82: {  	_ =	shalt  }
0x83: {  	_ =	shalt  }
0x84: {  	_ =	shalt  }
0x85: {  	_ =	shalt  }
0x86: {  	_ =	shalt  }
0x87: {  	_ =	shalt  }
.Lfunc_end0:
.L_simem_size_0:
called_computation.1_lowered:
.L_overlay_start_0:
0x88: {  	s2 =	sld [smem:$0x3FD9]  }
0x89: {  	s3 =	sld [smem:$0x3FFE];
	_ =	sdelay $0x1  }
0x8a: {  	s1 =	srdreg.scid  }
0x8b: {  	s0 =	sand.u32 $0x1, s1  }
0x8c: {  	s17 =	sshll.u32 s0, $0xA;
	s2 =	sadd.s32 s3, s2  }
0x8d: {  	s2 =	sadd.s32 s2, s17  }
0x8e: {  	[smem:$0x3FBB] =	sst s2  }
0x8f: {  	_ = 	snop  }
0x90: {  	s2 =	sld [smem:$0x3FD0];
	(tm) =	ssettm $0x1  }
0x91: {  	s18 =	sld [smem:$0x3FFB];
	_ =	sdelay $0x3  }
0x92: {  	_ =	strace s18  }
0x93: {  	s3 =	sld [smem:$0x3FFC];
	_ =	sdelay $0x3  }
0x94: {  	_ =	strace s3  }
0x95: {  	s3 =	sld [smem:$0x3FFD];
	_ =	sdelay $0x3  }
0x96: {  	_ =	strace s3  }
0x97: {  	_ =	strace $0x8FFFFFFF  }
0x98: {  	s19 =	sld [smem:$0x3FDB];
	_ =	sdelay $0x1  }
0x99: {  	s4 =	simm.s32 $_scs_section_size  }
0x9a: {  	s5 =	simm.s32 $_size__tile_overlayer_lowered;
	s6 =	simm.s32 $_tile_overlayer_lowered  }
0x9b: {  	s22 =	simm.s32 $0x1BFF;
	s21 =	sshll.u32 s6, $0x1;
	s3 =	sadd.s32 s4, s19  }
0x9c: {  	s7 =	simm.s32 $0x0;
	s20 =	sshll.u32 s5, $0x1;
	s5 =	sadd.s32 s21, s3  }
0x9d: {  	[timem:s7], [sflag:s22] =	dma.local [hbm:s5], s20  }
0x9e: {  	_ =	swait.ge [sflag:s22], s20  }
0x9f: {  	s4 =	ssub.s32 $0x0, s20;
	[sflag:s22] =	ssyncset.done $0x0  }
0xa0: {  	[sflag:s22] =	ssyncadd.s32 s4;
	_ =	sdelay $0x1  }
0xa1: {  	s23 =	simm.s32 $0x1B8B  }
0xa2: {  	_ =	swait.ge [sflag:s23], $0x1  }
0xa3: {  	[sflag:s23] =	ssyncset.done $0x0  }
0xa4: {  	s25 =	simm.s32 $0x1B8E;
	s24 =	sld [smem:$0x3FFE];
	[sflag:s23] =	ssyncadd.s32 $0xFFFFFFFF  }
0xa5: {  	s26 =	simm.s32 $execute0_lowered;
	[smem:$0x3FD2] =	sst s25  }
0xa6: {  	s5 =	sshll.u32 s26, $0x1;
	_ =	strace $0x80000049;
	[dreg:$0x1] =	wrdreg $0xFFFFFFFF  }
0xa7: {  	s28 =	simm.s32 $_size_execute0_lowered;
	s3 =	sadd.s32 s3, s5;
	[dreg:$0x0] =	wrdreg $0x0  }
0xa8: {  	s5 =	sshll.u32 s28, $0x1;
	[dreg:$0x2] =	wrdreg s3  }
0xa9: {  	[dreg:$0x3] =	wrdreg s5  }
0xaa: {  	[dreg:$0x4] =	wrdreg $0xC0  }
0xab: {  	_ =	task [dreg:s7], $0x5FFFF  }
0xac: {  	[dreg:$0x1] =	wrdreg $0xFFFFFFFF  }
0xad: {  	[dreg:$0x0] =	wrdreg $0x60  }
0xae: {  	[dreg:$0x2] =	wrdreg s24  }
0xaf: {  	[dreg:$0x3] =	wrdreg s2  }
0xb0: {  	[dreg:$0x4] =	wrdreg $0x0  }
0xb1: {  	[dreg:$0x5] =	wrdreg $0x9  }
0xb2: {  	_ =	task.clear_ibuf [dreg:s7], $0x6FFFF;
	_ =	strace $0x90000049  }
0xb3: {  	s29 =	simm.s32 $0x9;
	_ =	strace $0x8000004B  }
0xb4: {  	_ =	swait.ge [sflag:s29], $0x1  }
0xb5: {  	[sflag:s29] =	ssyncadd.s32 $0xFFFFFFFF  }
0xb6: {  	_ =	strace $0x9000004B  }
0xb7: {  	_ =	sfence  }
0xb8: {  	s30 =	sld [smem:$0x0];
	_ =	sdelay $0x2  }
0xb9: {  	s31 =	sshll.u32 s1, $0xD;
	s1 =	sshrl.u32 s1, $0x2  }
0xba: {  	s3 =	sand.u32 $0x4000, s31;
	s1 =	sadd.s32 s1, s30  }
0xbb: {  	s0 =	sor.u32 s3, s0;
	s1 =	sshll.u32 s1, $0x11  }
0xbc: {  	s0 =	sor.u32 s1, s0  }
0xbd: {  	s0 =	sadd.s32 $0x8F2B, s0  }
0xbe: {  	[sflag:s0] =	ssyncadd.remote.s32 $0x1  }
0xbf: {  	_ =	sfence.sel $0xFFFF  }
0xc0: {  	[dreg:$0x0] =	wrdreg $0xFFFFFFFF;
	(pc) =	sbr.abs _section_cstart, $3  }
0xc1: {  	[dreg:$0x1] =	wrdreg $0xFFFFFFFF  }
0xc2: {  	_ =	task.clear_ibuf [dreg:s7], $0x2FFFF;
	_ =	strace $0x9FFFFFFF  }
0xc3: {  	(tm) =	ssettm $0x7FFFFFFF  }
tec
execute0_lowered:
.L_overlay_start_1:
0x0: {  	(tag) =	ssettag $0x1  }
0x1: {  	s0 =	rddreg [dreg:$0x0]  }
0x2: {  	s1 =	rddreg [dreg:$0x1]  }
0x3: {  	s2 =	rddreg [dreg:$0x2]  }
0x4: {  	s3 =	simm.s32 $0x0;
	s13 =	stileid.u32;
	s6 =	srdreg.scid  }
0x5: {  	s28 =	simm.s32 $0x1F880;
	s29 =	simm.s32 $0x1F980;
	s30 =	simm.s32 $0x17880  }
0x6: {  	s31 =	simm.s32 $0x1F900;
	[smem:$0x7FF] =	sst s3;
	s4 =	sadd.s32 $0x50B400, s0  }
0x7: {  	s5 =	sadd.s32 $0x2C00, s0;
	s7 =	sadd.s32 $0x5B200, s0;
	s8 =	smul.u32 $0x4E000, s13  }
0x8: {  	s0 =	sadd.s32 $0xD000, s0;
	s6 =	sand.u32 $0x1, s6;
	s9 =	sshll.u32 s13, $0x1  }
0x9: {  	s20 =	smov.u32 s2;
	s17 =	smul.u32 $0x13800, s13;
	p0 =	sne.s32 s13, $0x0  }
0xa: {  	s13 =	simm.s32 $0x9;
	_ =	strace $0x8000004A;
	s10 =	ssub.s32 $0x2, s6  }
0xb: {  	s9 =	sor.u32 s6, s9;
	s6 =	smul.u32 $0x138800, s6;
	s8 =	sshrl.u32 s8, $0x2  }
0xc: {  	s19 =	smul.u32 $0x29000, s9;
	s26 =	sadd.s32 s8, s2;
	s2 =	sadd.s32 $0x138000, s2  }
0xd: {  	s11 =	sshrl.u32 s10, $0x1;
	s22 =	smul.u32 $0x520, s9;
	[dreg:$0x9] =	wrdreg s2  }
0xe: {  	s24 =	smul.u32 $0x2900, s9;
	s21 =	sadd.s32 $0x4000, s26;
	[dreg:$0x4] =	wrdreg s26  }
0xf: {  	s9 =	smul.u32 $0x52, s9;
	s12 =	sadd.s32 $0x8000, s26;
	[dreg:$0x5] =	wrdreg s21  }
0x10: {  	s10 =	ssub.s32 s10, s11;
	s23 =	sadd.s32 $0xC000, s26;
	[dreg:$0x6] =	wrdreg s12  }
0x11: {  	s14 =	sadd.s32 $0x10000, s26;
	s25 =	sadd.s32 s4, s19;
	[dreg:$0x7] =	wrdreg s23  }
0x12: {  	s8 =	sadd.s32 s5, s22;
	s15 =	sadd.s32 s7, s22;
	[dreg:$0x8] =	wrdreg s14  }
0x13: {  	s22 =	sadd.s32 s17, s6;
	s6 =	sshrl.u32 s6, $0x3;
	[dreg:$0xa] =	wrdreg s25  }
0x14: {  	s17 =	simm.s32 $0x8;
	[dreg:$0xb] =	wrdreg s8;
	s14 =	sor.u32 $0x80, s24  }
0x15: {  	[dreg:$0xc] =	wrdreg s15;
	s23 =	sadd.s32 $0x2, s9;
	s25 =	smax.u32 s10, $0x1  }
0x16: {  	s10 =	simm.s32 $0x1B880;
	s12 =	simm.s32 $0x1D880;
	s15 =	simm.s32 $0x5  }
0x17: {  	s16 =	sshll.u32 s14, $0x4;
	s8 =	sshrl.u32 s14, $0x3;
	[dreg:$0x10] =	wrdreg s23  }
0x18: {  	[dreg:$0x13] =	wrdreg s25;
	s25 =	simm.s32 $0x13880;
	s14 =	simm.s32 $0x1  }
0x19: {  	s23 =	simm.s32 $0x2;
	s18 =	sadd.s32 s4, s16;
	s19 =	sadd.s32 s5, s8  }
0x1a: {  	s21 =	sadd.s32 s7, s8;
	s8 =	sshrl.u32 s22, $0x3;
	[dreg:$0xd] =	wrdreg s18  }
0x1b: {  	s16 =	simm.s32 $0x7;
	s22 =	simm.s32 $0x0;
	[dreg:$0xe] =	wrdreg s19  }
.Ltmp0:
0x1c: {  	[dreg:$0xf] =	wrdreg s21;
	s21 =	sadd.s32 $0x3, s9;
	(pc) =	sbr.rel .LBB2_1-.Ltmp0, $4  }
0x1d: {  	s24 =	sadd.s32 s0, s8;
	s0 =	sadd.s32 s0, s6;
	s6 =	simm.s32 $0x3  }
0x1e: {  	s9 =	simm.s32 $0x40;
	s18 =	simm.s32 $0x80;
	s19 =	simm.s32 $0x4  }
0x1f: {  	s8 =	simm.s32 $0xA;
	[dreg:$0x11] =	wrdreg s24;
	s0 =	sadd.s32 $0x27000, s0  }
0x20: {  	v0 =	vimm.f32 $0.0e+00;
	s24 =	simm.s32 $0x6;
	[dreg:$0x12] =	wrdreg s0;
	s0 =	simm.s32 $0x1FA00  }
.LBB2_14:
0x21: {  	_ =	swait.ge [sflag:s13], $0x4000  }
0x22: {  	[sflag:s13] =	ssyncset.done $0x0  }
0x23: {  	[sflag:s13] =	ssyncadd.s32 $0xFFFFC000  }
0x24: {  	_ =	swait.ge [sflag:s8], $0x4000  }
0x25: {  	[sflag:s8] =	ssyncset.done $0x0  }
0x26: {  	[sflag:s8] =	ssyncadd.s32 $0xFFFFC000  }
0x27: {  	s2 =	stileid.u32;
	[bflag:$0x0] =	sbarrier.arrive $0xFFFF  }
0x28: {  	s2 =	sshll.u32 s2, $0x6;
	s26 =	rddreg [dreg:$0x4]  }
0x29: {  	s2 =	sor.u32 $0x1C0B, s2;
	s22 =	rddreg [dreg:$0x11];
	s11 =	sshrl.u32 s26, $0x3  }
0x2a: {  	[hbm:s22], [sflag:s2] =	dma.local [spmem:s11], $0x2700  }
0x2b: {  	s22 =	simm.s32 $0xB  }
0x2c: {  	_ =	swait.ge [sflag:s22], $0x2700  }
0x2d: {  	[sflag:s22] =	ssyncset.done $0x0;
	s11 =	rddreg [dreg:$0x9]  }
0x2e: {  	[sflag:s22] =	ssyncadd.s32 $0xFFFFD900;
	s11 =	sshrl.u32 @!p0 s11, $0x3;
	s22 =	rddreg [dreg:$0x12]  }
0x2f: {  	[hbm:s22], [sflag:s2] =	dma.local @!p0 [spmem:s11], $0x100  }
0x30: {  	s2 =	simm.s32 @!p0 $0xB  }
0x31: {  	_ =	swait.ge @!p0 [sflag:s2], $0x100  }
0x32: {  	s11 =	rddreg [dreg:$0x14]  }
0x33: {  	s22 =	sadd.s32 $0x1, s11;
	s11 =	rddreg [dreg:$0x13]  }
0x34: {  	p1 =	sne.s32 s22, s11  }
.Ltmp1:
0x35: {  	_ = 	snop;
	(pc) =	sbr.rel @!p1 .LBB2_15-.Ltmp1, $3  }
0x36: {  	_ =	sdelay $0x1  }
0x37: {  	[sflag:s2] =	ssyncset.done @!p0 $0x0  }
0x38: {  	[sflag:s2] =	ssyncadd.s32 @!p0 $0xFFFFFF00  }
.LBB2_1:
0x39: {  	[dreg:$0x14] =	wrdreg s22;
	s11 =	simm.s32 $0x0;
	s22 =	simm.s32 $0x200  }
.LBB2_2:
0x3a: {  	p1 =	sne.s32 s22, $0xFE00;
	[tilespmem:s11+$0x138F0] =	vst v0  }
0x3b: {  	[tilespmem:s11+$0x13880] =	vst v0  }
0x3c: {  	[tilespmem:s11+$0x13890] =	vst v0  }
.Ltmp2:
0x3d: {  	[tilespmem:s11+$0x138A0] =	vst v0;
	(pc) =	sbr.rel @p1 .LBB2_2-.Ltmp2, $4  }
0x3e: {  	[tilespmem:s11+$0x138B0] =	vst v0  }
0x3f: {  	[tilespmem:s11+$0x138C0] =	vst v0  }
0x40: {  	[tilespmem:s11+$0x138D0] =	vst v0  }
0x41: {  	[tilespmem:s11+$0x138E0] =	vst v0;
	s11 =	sshra.s32 s22, $0x2;
	s22 =	sadd.s32 $0x200, s22  }
0x42: {  	[tilespmem:s11+$0x138F0] =	vst v0  }
0x43: {  	[tilespmem:s11+$0x13880] =	vst v0  }
0x44: {  	[tilespmem:s11+$0x13890] =	vst v0  }
0x45: {  	[tilespmem:s11+$0x138A0] =	vst v0  }
0x46: {  	[tilespmem:s11+$0x138B0] =	vst v0  }
0x47: {  	[tilespmem:s11+$0x138C0] =	vst v0  }
0x48: {  	[tilespmem:s11+$0x138D0] =	vst v0  }
0x49: {  	[tilespmem:s11+$0x138E0] =	vst v0;
	s11 =	simm.s32 $0xB  }
0x4a: {  	[spmem:s26] =	stream.linear.scatter [tilespmem:s25], [sflag:$0xB], $0x4000, $0x38;
	[tilespmem:$0x1FA80] =	vst v63  }
0x4b: {  	_ =	swait.ge [sflag:s11], $0x4000  }
0x4c: {  	[sflag:s11] =	ssyncset.done $0x0  }
0x4d: {  	s2 =	rddreg [dreg:$0x5];
	[sflag:s11] =	ssyncadd.s32 $0xFFFFC000  }
0x4e: {  	[spmem:s2] =	stream.linear.scatter [tilespmem:s25], [sflag:$0xB], $0x4000, $0x38;
	[tilespmem:$0x1FA80] =	vst v63  }
0x4f: {  	_ =	swait.ge [sflag:s11], $0x4000  }
0x50: {  	[sflag:s11] =	ssyncset.done $0x0  }
0x51: {  	s26 =	rddreg [dreg:$0x6];
	[sflag:s11] =	ssyncadd.s32 $0xFFFFC000  }
0x52: {  	[spmem:s26] =	stream.linear.scatter [tilespmem:s25], [sflag:$0xB], $0x4000, $0x38;
	[tilespmem:$0x1FA80] =	vst v63  }
0x53: {  	_ =	swait.ge [sflag:s11], $0x4000  }
0x54: {  	[sflag:s11] =	ssyncset.done $0x0  }
0x55: {  	s22 =	rddreg [dreg:$0x7];
	[sflag:s11] =	ssyncadd.s32 $0xFFFFC000  }
0x56: {  	[spmem:s22] =	stream.linear.scatter [tilespmem:s25], [sflag:$0xB], $0x4000, $0x38;
	[tilespmem:$0x1FA80] =	vst v63  }
0x57: {  	_ =	swait.ge [sflag:s11], $0x4000  }
0x58: {  	[sflag:s11] =	ssyncset.done $0x0  }
0x59: {  	s26 =	rddreg [dreg:$0x8];
	[sflag:s11] =	ssyncadd.s32 $0xFFFFC000  }
0x5a: {  	[spmem:s26] =	stream.linear.scatter [tilespmem:s25], [sflag:$0xB], $0x3800, $0x38;
	[tilespmem:$0x1FA80] =	vst v63  }
0x5b: {  	_ =	swait.ge [sflag:s11], $0x3800  }
0x5c: {  	[sflag:s11] =	ssyncset.done $0x0  }
0x5d: {  	s2 =	rddreg [dreg:$0x9];
	[sflag:s11] =	ssyncadd.s32 $0xFFFFC800;
	s11 =	simm.s32 @!p0 $0x13880  }
0x5e: {  	[spmem:s2] =	stream.linear.scatter @!p0 [tilespmem:s11], [sflag:$0xB], $0x800, $0x38;
	[tilespmem:$0x1FA80] =	vst v63  }
0x5f: {  	s11 =	simm.s32 @!p0 $0xB  }
0x60: {  	_ =	swait.ge @!p0 [sflag:s11], $0x800  }
0x61: {  	[sflag:s11] =	ssyncset.done @!p0 $0x0  }
0x62: {  	[sflag:s11] =	ssyncadd.s32 @!p0 $0xFFFFF800  }
0x63: {  	[bflag:$0x0] =	sbarrier.arrive $0xFFFF  }
0x64: {  	s26 =	simm.s32 $0x0;
	s11 =	rddreg [dreg:$0xa]  }
0x65: {  	[tilespmem:s25], [sflag:$0x1] =	stream.linear.gather [hbm4b:s11+s26], $0x4000, $0x38;
	[tilespmem:$0x1FA80] =	vst v63  }
0x66: {  	s22 =	rddreg [dreg:$0xb]  }
0x67: {  	[tilespmem:s28], [sflag:$0x3] =	stream.linear.gather [hbm4b:s22+s26], $0x80, $0x38;
	[tilespmem:$0x1FA80] =	vst v63  }
0x68: {  	s11 =	rddreg [dreg:$0xc]  }
0x69: {  	[tilespmem:s29], [sflag:$0x5] =	stream.linear.gather [hbm4b:s11+s26], $0x80, $0x38;
	[tilespmem:$0x1FA80] =	vst v63  }
0x6a: {  	s22 =	rddreg [dreg:$0xd]  }
0x6b: {  	[tilespmem:s30], [sflag:$0x2] =	stream.linear.gather [hbm4b:s22+s26], $0x4000, $0x38;
	[tilespmem:$0x1FA80] =	vst v63  }
0x6c: {  	s11 =	rddreg [dreg:$0xe]  }
0x6d: {  	[tilespmem:s31], [sflag:$0x4] =	stream.linear.gather [hbm4b:s11+s26], $0x80, $0x38;
	[tilespmem:$0x1FA80] =	vst v63  }
0x6e: {  	s22 =	rddreg [dreg:$0xf]  }
0x6f: {  	[tilespmem:s0], [sflag:$0x6] =	stream.linear.gather [hbm4b:s22+s26], $0x80, $0x38;
	[tilespmem:$0x1FA80] =	vst v63  }
.LBB2_4:
0x70: {  	_ =	swait.ge [sflag:s6], $0x80  }
0x71: {  	[sflag:s6] =	ssyncset.done $0x0  }
0x72: {  	[sflag:s6] =	ssyncadd.s32 $0xFFFFFF80  }
0x73: {  	[tilespmem:s10], [sflag:$0x7] =	stream.indirect.gather [hbm4b:s1+s9], $0x80, s28, s9, $0xb8;
	[tilespmem:$0x1FA80] =	vst v63  }
0x74: {  	s2 =	simm.s32 $0x1F8C0  }
0x75: {  	[tilespmem:s12], [sflag:$0x8] =	stream.indirect.gather [hbm4b:s1+s9], $0x80, s2, s9, $0xb8;
	[tilespmem:$0x1FA80] =	vst v63  }
0x76: {  	_ =	swait.ge [sflag:s14], $0x4000  }
0x77: {  	[sflag:s14] =	ssyncset.done $0x0  }
0x78: {  	[sflag:s14] =	ssyncadd.s32 $0xFFFFC000  }
0x79: {  	_ =	swait.ge [sflag:s15], $0x80  }
0x7a: {  	[sflag:s15] =	ssyncset.done $0x0  }
0x7b: {  	[sflag:s15] =	ssyncadd.s32 $0xFFFFFF80  }
0x7c: {  	_ =	swait.ge [sflag:s16], $0x2000  }
0x7d: {  	[sflag:s16] =	ssyncset.done $0x0  }
0x7e: {  	s11 =	simm.s32 $0x0;
	[sflag:s16] =	ssyncadd.s32 $0xFFFFE000  }
0x7f: {  	v8 =	vld [tilespmem:s11+$0x1B880]  }
0x80: {  	v12 =	vld [tilespmem:s11+$0x1B890]  }
0x81: {  	v6 =	vld [tilespmem:s11+$0x1B8A0]  }
0x82: {  	v5 =	vld [tilespmem:s11+$0x1B8B0]  }
0x83: {  	v4 =	vld [tilespmem:s11+$0x1B8C0]  }
0x84: {  	v3 =	vld [tilespmem:s11+$0x1B8D0]  }
0x85: {  	v2 =	vld [tilespmem:s11+$0x1B8E0]  }
0x86: {  	v1 =	vld [tilespmem:s11+$0x1B8F0]  }
0x87: {  	v13 =	vld [tilespmem:s11+$0x13880]  }
0x88: {  	v14 =	vld [tilespmem:s11+$0x13890]  }
0x89: {  	v11 =	vld [tilespmem:s11+$0x138A0]  }
0x8a: {  	v10 =	vld [tilespmem:s11+$0x138B0]  }
0x8b: {  	v9 =	vld [tilespmem:s11+$0x138C0]  }
0x8c: {  	v7 =	vld [tilespmem:s11+$0x138D0];
	v13 =	vmul.f32 v8, v13  }
0x8d: {  	s22 =	simm.s32 $0x200;
	v12 =	vmul.f32 v12, v14;
	v8 =	vld [tilespmem:s11+$0x138E0]  }
.LBB2_5:
0x8e: {  	s2 =	sshra.s32 s22, $0x2;
	p1 =	sne.s32 s22, $0x7E00;
	[tilespmem:s11+$0x13880] =	vst v13;
	v6 =	vmul.f32 v6, v11;
	v11 =	vld [tilespmem:s11+$0x138F0]  }
0x8f: {  	v13 =	vld [tilespmem:s2+$0x1B880];
	[tilespmem:s11+$0x13890] =	vst v12;
	v5 =	vmul.f32 v5, v10  }
0x90: {  	v12 =	vld [tilespmem:s2+$0x1B890];
	[tilespmem:s11+$0x138A0] =	vst v6;
	v4 =	vmul.f32 v4, v9  }
0x91: {  	v6 =	vld [tilespmem:s2+$0x1B8A0];
	[tilespmem:s11+$0x138B0] =	vst v5;
	v3 =	vmul.f32 v3, v7  }
0x92: {  	v5 =	vld [tilespmem:s2+$0x1B8B0];
	[tilespmem:s11+$0x138C0] =	vst v4;
	v2 =	vmul.f32 v2, v8  }
0x93: {  	v4 =	vld [tilespmem:s2+$0x1B8C0];
	[tilespmem:s11+$0x138D0] =	vst v3;
	v1 =	vmul.f32 v1, v11  }
0x94: {  	v3 =	vld [tilespmem:s2+$0x1B8D0];
	[tilespmem:s11+$0x138E0] =	vst v2  }
0x95: {  	v2 =	vld [tilespmem:s2+$0x1B8E0];
	[tilespmem:s11+$0x138F0] =	vst v1;
	s11 =	smov.u32 s2  }
0x96: {  	v1 =	vld [tilespmem:s11+$0x1B8F0]  }
0x97: {  	v7 =	vld [tilespmem:s11+$0x13880]  }
0x98: {  	v8 =	vld [tilespmem:s11+$0x13890]  }
.Ltmp3:
0x99: {  	v11 =	vld [tilespmem:s11+$0x138A0];
	(pc) =	sbr.rel @p1 .LBB2_5-.Ltmp3, $4  }
0x9a: {  	v10 =	vld [tilespmem:s11+$0x138B0]  }
0x9b: {  	v9 =	vld [tilespmem:s11+$0x138C0]  }
0x9c: {  	v13 =	vmul.f32 v13, v7;
	v7 =	vld [tilespmem:s11+$0x138D0]  }
0x9d: {  	s22 =	sadd.s32 $0x200, s22;
	v12 =	vmul.f32 v12, v8;
	v8 =	vld [tilespmem:s11+$0x138E0]  }
0x9e: {  	[tilespmem:s11+$0x13880] =	vst v13;
	v6 =	vmul.f32 v6, v11;
	v11 =	vld [tilespmem:s11+$0x138F0]  }
0x9f: {  	[tilespmem:s11+$0x13890] =	vst v12;
	v5 =	vmul.f32 v5, v10  }
0xa0: {  	[tilespmem:s11+$0x138A0] =	vst v6;
	v4 =	vmul.f32 v4, v9  }
0xa1: {  	[tilespmem:s11+$0x138B0] =	vst v5;
	v3 =	vmul.f32 v3, v7  }
0xa2: {  	[tilespmem:s11+$0x138C0] =	vst v4;
	v2 =	vmul.f32 v2, v8  }
0xa3: {  	[tilespmem:s11+$0x138D0] =	vst v3;
	v1 =	vmul.f32 v1, v11  }
0xa4: {  	[tilespmem:s11+$0x138E0] =	vst v2  }
0xa5: {  	[tilespmem:s11+$0x138F0] =	vst v1  }
0xa6: {  	_ =	swait.ge [sflag:s17], $0x2000  }
0xa7: {  	[sflag:s17] =	ssyncset.done $0x0  }
0xa8: {  	s11 =	simm.s32 $0x0;
	[sflag:s17] =	ssyncadd.s32 $0xFFFFE000  }
0xa9: {  	v8 =	vld [tilespmem:s11+$0x1D880]  }
0xaa: {  	v12 =	vld [tilespmem:s11+$0x1D890]  }
0xab: {  	v6 =	vld [tilespmem:s11+$0x1D8A0]  }
0xac: {  	v5 =	vld [tilespmem:s11+$0x1D8B0]  }
0xad: {  	v4 =	vld [tilespmem:s11+$0x1D8C0]  }
0xae: {  	v3 =	vld [tilespmem:s11+$0x1D8D0]  }
0xaf: {  	v2 =	vld [tilespmem:s11+$0x1D8E0]  }
0xb0: {  	v1 =	vld [tilespmem:s11+$0x1D8F0]  }
0xb1: {  	v13 =	vld [tilespmem:s11+$0x15880]  }
0xb2: {  	v14 =	vld [tilespmem:s11+$0x15890]  }
0xb3: {  	v11 =	vld [tilespmem:s11+$0x158A0]  }
0xb4: {  	v10 =	vld [tilespmem:s11+$0x158B0]  }
0xb5: {  	v9 =	vld [tilespmem:s11+$0x158C0]  }
0xb6: {  	v7 =	vld [tilespmem:s11+$0x158D0];
	v13 =	vmul.f32 v8, v13  }
0xb7: {  	s22 =	simm.s32 $0x200;
	v12 =	vmul.f32 v12, v14;
	v8 =	vld [tilespmem:s11+$0x158E0]  }
.LBB2_7:
0xb8: {  	s2 =	sshra.s32 s22, $0x2;
	p1 =	sne.s32 s22, $0x7E00;
	[tilespmem:s11+$0x15880] =	vst v13;
	v6 =	vmul.f32 v6, v11;
	v11 =	vld [tilespmem:s11+$0x158F0]  }
0xb9: {  	v13 =	vld [tilespmem:s2+$0x1D880];
	[tilespmem:s11+$0x15890] =	vst v12;
	v5 =	vmul.f32 v5, v10  }
0xba: {  	v12 =	vld [tilespmem:s2+$0x1D890];
	[tilespmem:s11+$0x158A0] =	vst v6;
	v4 =	vmul.f32 v4, v9  }
0xbb: {  	v6 =	vld [tilespmem:s2+$0x1D8A0];
	[tilespmem:s11+$0x158B0] =	vst v5;
	v3 =	vmul.f32 v3, v7  }
0xbc: {  	v5 =	vld [tilespmem:s2+$0x1D8B0];
	[tilespmem:s11+$0x158C0] =	vst v4;
	v2 =	vmul.f32 v2, v8  }
0xbd: {  	v4 =	vld [tilespmem:s2+$0x1D8C0];
	[tilespmem:s11+$0x158D0] =	vst v3;
	v1 =	vmul.f32 v1, v11  }
0xbe: {  	v3 =	vld [tilespmem:s2+$0x1D8D0];
	[tilespmem:s11+$0x158E0] =	vst v2  }
0xbf: {  	v2 =	vld [tilespmem:s2+$0x1D8E0];
	[tilespmem:s11+$0x158F0] =	vst v1;
	s11 =	smov.u32 s2  }
0xc0: {  	v1 =	vld [tilespmem:s11+$0x1D8F0]  }
0xc1: {  	v7 =	vld [tilespmem:s11+$0x15880]  }
0xc2: {  	v8 =	vld [tilespmem:s11+$0x15890]  }
.Ltmp4:
0xc3: {  	v11 =	vld [tilespmem:s11+$0x158A0];
	(pc) =	sbr.rel @p1 .LBB2_7-.Ltmp4, $4  }
0xc4: {  	v10 =	vld [tilespmem:s11+$0x158B0]  }
0xc5: {  	v9 =	vld [tilespmem:s11+$0x158C0]  }
0xc6: {  	v13 =	vmul.f32 v13, v7;
	v7 =	vld [tilespmem:s11+$0x158D0]  }
0xc7: {  	s22 =	sadd.s32 $0x200, s22;
	v12 =	vmul.f32 v12, v8;
	v8 =	vld [tilespmem:s11+$0x158E0]  }
0xc8: {  	[tilespmem:s11+$0x15880] =	vst v13;
	v6 =	vmul.f32 v6, v11;
	v11 =	vld [tilespmem:s11+$0x158F0]  }
0xc9: {  	[tilespmem:s11+$0x15890] =	vst v12;
	v5 =	vmul.f32 v5, v10  }
0xca: {  	[tilespmem:s11+$0x158A0] =	vst v6;
	v4 =	vmul.f32 v4, v9  }
0xcb: {  	[tilespmem:s11+$0x158B0] =	vst v5;
	v3 =	vmul.f32 v3, v7  }
0xcc: {  	[tilespmem:s11+$0x158C0] =	vst v4;
	v2 =	vmul.f32 v2, v8  }
0xcd: {  	[tilespmem:s11+$0x158D0] =	vst v3;
	v1 =	vmul.f32 v1, v11  }
0xce: {  	[tilespmem:s11+$0x158E0] =	vst v2  }
0xcf: {  	[tilespmem:s11+$0x158F0] =	vst v1  }
0xd0: {  	[spmem:s20] =	stream.indirect.scatter.add.f32 [tilespmem:s25], [sflag:$0x9], $0x80, s29, s18, $0xb8;
	[tilespmem:$0x1FA80] =	vst v63  }
0xd1: {  	_ =	swait.ge [sflag:s19], $0x80  }
0xd2: {  	[sflag:s19] =	ssyncset.done $0x0  }
0xd3: {  	[sflag:s19] =	ssyncadd.s32 $0xFFFFFF80  }
0xd4: {  	[tilespmem:s10], [sflag:$0x7] =	stream.indirect.gather [hbm4b:s1+s9], $0x80, s31, s9, $0xb8;
	[tilespmem:$0x1FA80] =	vst v63  }
0xd5: {  	s2 =	simm.s32 $0x1F940  }
0xd6: {  	[tilespmem:s12], [sflag:$0x8] =	stream.indirect.gather [hbm4b:s1+s9], $0x80, s2, s9, $0xb8;
	[tilespmem:$0x1FA80] =	vst v63  }
0xd7: {  	_ =	swait.ge [sflag:s23], $0x4000  }
0xd8: {  	[sflag:s23] =	ssyncset.done $0x0  }
0xd9: {  	[sflag:s23] =	ssyncadd.s32 $0xFFFFC000  }
0xda: {  	_ =	swait.ge [sflag:s24], $0x80  }
0xdb: {  	[sflag:s24] =	ssyncset.done $0x0  }
0xdc: {  	[sflag:s24] =	ssyncadd.s32 $0xFFFFFF80  }
0xdd: {  	_ =	swait.ge [sflag:s16], $0x2000  }
0xde: {  	[sflag:s16] =	ssyncset.done $0x0  }
0xdf: {  	s11 =	simm.s32 $0x0;
	[sflag:s16] =	ssyncadd.s32 $0xFFFFE000  }
0xe0: {  	v8 =	vld [tilespmem:s11+$0x1B880]  }
0xe1: {  	v12 =	vld [tilespmem:s11+$0x1B890]  }
0xe2: {  	v6 =	vld [tilespmem:s11+$0x1B8A0]  }
0xe3: {  	v5 =	vld [tilespmem:s11+$0x1B8B0]  }
0xe4: {  	v4 =	vld [tilespmem:s11+$0x1B8C0]  }
0xe5: {  	v3 =	vld [tilespmem:s11+$0x1B8D0]  }
0xe6: {  	v2 =	vld [tilespmem:s11+$0x1B8E0]  }
0xe7: {  	v1 =	vld [tilespmem:s11+$0x1B8F0]  }
0xe8: {  	v13 =	vld [tilespmem:s11+$0x17880]  }
0xe9: {  	v14 =	vld [tilespmem:s11+$0x17890]  }
0xea: {  	v11 =	vld [tilespmem:s11+$0x178A0]  }
0xeb: {  	v10 =	vld [tilespmem:s11+$0x178B0]  }
0xec: {  	v9 =	vld [tilespmem:s11+$0x178C0]  }
0xed: {  	v7 =	vld [tilespmem:s11+$0x178D0];
	v13 =	vmul.f32 v8, v13  }
0xee: {  	s22 =	simm.s32 $0x200;
	v12 =	vmul.f32 v12, v14;
	v8 =	vld [tilespmem:s11+$0x178E0]  }
.LBB2_9:
0xef: {  	s2 =	sshra.s32 s22, $0x2;
	p1 =	sne.s32 s22, $0x7E00;
	[tilespmem:s11+$0x17880] =	vst v13;
	v6 =	vmul.f32 v6, v11;
	v11 =	vld [tilespmem:s11+$0x178F0]  }
0xf0: {  	v13 =	vld [tilespmem:s2+$0x1B880];
	[tilespmem:s11+$0x17890] =	vst v12;
	v5 =	vmul.f32 v5, v10  }
0xf1: {  	v12 =	vld [tilespmem:s2+$0x1B890];
	[tilespmem:s11+$0x178A0] =	vst v6;
	v4 =	vmul.f32 v4, v9  }
0xf2: {  	v6 =	vld [tilespmem:s2+$0x1B8A0];
	[tilespmem:s11+$0x178B0] =	vst v5;
	v3 =	vmul.f32 v3, v7  }
0xf3: {  	v5 =	vld [tilespmem:s2+$0x1B8B0];
	[tilespmem:s11+$0x178C0] =	vst v4;
	v2 =	vmul.f32 v2, v8  }
0xf4: {  	v4 =	vld [tilespmem:s2+$0x1B8C0];
	[tilespmem:s11+$0x178D0] =	vst v3;
	v1 =	vmul.f32 v1, v11  }
0xf5: {  	v3 =	vld [tilespmem:s2+$0x1B8D0];
	[tilespmem:s11+$0x178E0] =	vst v2  }
0xf6: {  	v2 =	vld [tilespmem:s2+$0x1B8E0];
	[tilespmem:s11+$0x178F0] =	vst v1;
	s11 =	smov.u32 s2  }
0xf7: {  	v1 =	vld [tilespmem:s11+$0x1B8F0]  }
0xf8: {  	v7 =	vld [tilespmem:s11+$0x17880]  }
0xf9: {  	v8 =	vld [tilespmem:s11+$0x17890]  }
.Ltmp5:
0xfa: {  	v11 =	vld [tilespmem:s11+$0x178A0];
	(pc) =	sbr.rel @p1 .LBB2_9-.Ltmp5, $4  }
0xfb: {  	v10 =	vld [tilespmem:s11+$0x178B0]  }
0xfc: {  	v9 =	vld [tilespmem:s11+$0x178C0]  }
0xfd: {  	v13 =	vmul.f32 v13, v7;
	v7 =	vld [tilespmem:s11+$0x178D0]  }
0xfe: {  	s22 =	sadd.s32 $0x200, s22;
	v12 =	vmul.f32 v12, v8;
	v8 =	vld [tilespmem:s11+$0x178E0]  }
0xff: {  	[tilespmem:s11+$0x17880] =	vst v13;
	v6 =	vmul.f32 v6, v11;
	v11 =	vld [tilespmem:s11+$0x178F0]  }
0x100: {  	[tilespmem:s11+$0x17890] =	vst v12;
	v5 =	vmul.f32 v5, v10  }
0x101: {  	[tilespmem:s11+$0x178A0] =	vst v6;
	v4 =	vmul.f32 v4, v9  }
0x102: {  	[tilespmem:s11+$0x178B0] =	vst v5;
	v3 =	vmul.f32 v3, v7  }
0x103: {  	[tilespmem:s11+$0x178C0] =	vst v4;
	v2 =	vmul.f32 v2, v8  }
0x104: {  	[tilespmem:s11+$0x178D0] =	vst v3;
	v1 =	vmul.f32 v1, v11  }
0x105: {  	[tilespmem:s11+$0x178E0] =	vst v2  }
0x106: {  	[tilespmem:s11+$0x178F0] =	vst v1  }
0x107: {  	_ =	swait.ge [sflag:s17], $0x2000  }
0x108: {  	[sflag:s17] =	ssyncset.done $0x0  }
0x109: {  	s11 =	simm.s32 $0x0;
	[sflag:s17] =	ssyncadd.s32 $0xFFFFE000  }
0x10a: {  	v8 =	vld [tilespmem:s11+$0x1D880]  }
0x10b: {  	v12 =	vld [tilespmem:s11+$0x1D890]  }
0x10c: {  	v6 =	vld [tilespmem:s11+$0x1D8A0]  }
0x10d: {  	v5 =	vld [tilespmem:s11+$0x1D8B0]  }
0x10e: {  	v4 =	vld [tilespmem:s11+$0x1D8C0]  }
0x10f: {  	v3 =	vld [tilespmem:s11+$0x1D8D0]  }
0x110: {  	v2 =	vld [tilespmem:s11+$0x1D8E0]  }
0x111: {  	v1 =	vld [tilespmem:s11+$0x1D8F0]  }
0x112: {  	v13 =	vld [tilespmem:s11+$0x19880]  }
0x113: {  	v14 =	vld [tilespmem:s11+$0x19890]  }
0x114: {  	v11 =	vld [tilespmem:s11+$0x198A0]  }
0x115: {  	v10 =	vld [tilespmem:s11+$0x198B0]  }
0x116: {  	v9 =	vld [tilespmem:s11+$0x198C0]  }
0x117: {  	v7 =	vld [tilespmem:s11+$0x198D0];
	v13 =	vmul.f32 v8, v13  }
0x118: {  	s22 =	simm.s32 $0x200;
	v12 =	vmul.f32 v12, v14;
	v8 =	vld [tilespmem:s11+$0x198E0]  }
.LBB2_11:
0x119: {  	s2 =	sshra.s32 s22, $0x2;
	p1 =	sne.s32 s22, $0x7E00;
	[tilespmem:s11+$0x19880] =	vst v13;
	v6 =	vmul.f32 v6, v11;
	v11 =	vld [tilespmem:s11+$0x198F0]  }
0x11a: {  	v13 =	vld [tilespmem:s2+$0x1D880];
	[tilespmem:s11+$0x19890] =	vst v12;
	v5 =	vmul.f32 v5, v10  }
0x11b: {  	v12 =	vld [tilespmem:s2+$0x1D890];
	[tilespmem:s11+$0x198A0] =	vst v6;
	v4 =	vmul.f32 v4, v9  }
0x11c: {  	v6 =	vld [tilespmem:s2+$0x1D8A0];
	[tilespmem:s11+$0x198B0] =	vst v5;
	v3 =	vmul.f32 v3, v7  }
0x11d: {  	v5 =	vld [tilespmem:s2+$0x1D8B0];
	[tilespmem:s11+$0x198C0] =	vst v4;
	v2 =	vmul.f32 v2, v8  }
0x11e: {  	v4 =	vld [tilespmem:s2+$0x1D8C0];
	[tilespmem:s11+$0x198D0] =	vst v3;
	v1 =	vmul.f32 v1, v11  }
0x11f: {  	v3 =	vld [tilespmem:s2+$0x1D8D0];
	[tilespmem:s11+$0x198E0] =	vst v2  }
0x120: {  	v2 =	vld [tilespmem:s2+$0x1D8E0];
	[tilespmem:s11+$0x198F0] =	vst v1;
	s11 =	smov.u32 s2  }
0x121: {  	v1 =	vld [tilespmem:s11+$0x1D8F0]  }
0x122: {  	v7 =	vld [tilespmem:s11+$0x19880]  }
0x123: {  	v8 =	vld [tilespmem:s11+$0x19890]  }
.Ltmp6:
0x124: {  	v11 =	vld [tilespmem:s11+$0x198A0];
	(pc) =	sbr.rel @p1 .LBB2_11-.Ltmp6, $4  }
0x125: {  	v10 =	vld [tilespmem:s11+$0x198B0]  }
0x126: {  	v9 =	vld [tilespmem:s11+$0x198C0]  }
0x127: {  	v13 =	vmul.f32 v13, v7;
	v7 =	vld [tilespmem:s11+$0x198D0]  }
0x128: {  	s22 =	sadd.s32 $0x200, s22;
	v12 =	vmul.f32 v12, v8;
	v8 =	vld [tilespmem:s11+$0x198E0]  }
0x129: {  	[tilespmem:s11+$0x19880] =	vst v13;
	v6 =	vmul.f32 v6, v11;
	v63 =	vld [tilespmem:s11+$0x198F0]  }
0x12a: {  	[tilespmem:s11+$0x19890] =	vst v12;
	v5 =	vmul.f32 v5, v10  }
0x12b: {  	[tilespmem:s11+$0x198A0] =	vst v6;
	v4 =	vmul.f32 v4, v9  }
0x12c: {  	p1 =	seq.s32 s26, $0x28;
	[tilespmem:s11+$0x198B0] =	vst v5;
	v3 =	vmul.f32 v3, v7  }
.Ltmp7:
0x12d: {  	[tilespmem:s11+$0x198C0] =	vst v4;
	v2 =	vmul.f32 v2, v8;
	(pc) =	sbr.rel @p1 .LBB2_14-.Ltmp7, $4  }
0x12e: {  	[tilespmem:s11+$0x198D0] =	vst v3;
	v1 =	vmul.f32 v1, v63  }
0x12f: {  	[tilespmem:s11+$0x198E0] =	vst v2  }
0x130: {  	[tilespmem:s11+$0x198F0] =	vst v1  }
0x131: {  	[spmem:s20] =	stream.indirect.scatter.add.f32 [tilespmem:s30], [sflag:$0xA], $0x80, s0, s18, $0xb8;
	[tilespmem:$0x1FA80] =	vst v63  }
0x132: {  	s2 =	sshll.u32 s26, $0x1;
	s11 =	rddreg [dreg:$0x10]  }
0x133: {  	s11 =	sadd.s32 s2, s11  }
0x134: {  	_ =	swait.ge [sflag:s13], $0x4000;
	s22 =	sshll.u32 s11, $0xB  }
0x135: {  	[sflag:s13] =	ssyncset.done $0x0;
	s11 =	sshll.u32 s11, $0x4;
	s22 =	sand.u32 $0x1FFFF000, s22  }
0x136: {  	[sflag:s13] =	ssyncadd.s32 $0xFFFFC000;
	s11 =	sand.u32 $0x1FFFFFE0, s11;
	s22 =	sadd.s32 s4, s22  }
0x137: {  	[tilespmem:s25], [sflag:$0x1] =	stream.linear.gather [hbm4b:s22+s3], $0x4000, $0x38;
	[tilespmem:$0x1FA80] =	vst v63  }
0x138: {  	s22 =	sadd.s32 s5, s11  }
0x139: {  	[tilespmem:s28], [sflag:$0x3] =	stream.linear.gather [hbm4b:s22+s3], $0x80, $0x38;
	[tilespmem:$0x1FA80] =	vst v63  }
0x13a: {  	s2 =	sadd.s32 s2, s21;
	s11 =	sadd.s32 s7, s11  }
0x13b: {  	[tilespmem:s29], [sflag:$0x5] =	stream.linear.gather [hbm4b:s11+s3], $0x80, $0x38;
	[tilespmem:$0x1FA80] =	vst v63  }
0x13c: {  	s22 =	sshll.u32 s2, $0xB;
	_ =	swait.ge [sflag:s8], $0x4000  }
0x13d: {  	s11 =	sand.u32 $0x1FFFF800, s22;
	[sflag:s8] =	ssyncset.done $0x0  }
0x13e: {  	s2 =	sshll.u32 s2, $0x4;
	s11 =	sadd.s32 s4, s11;
	[sflag:s8] =	ssyncadd.s32 $0xFFFFC000  }
0x13f: {  	[tilespmem:s30], [sflag:$0x2] =	stream.linear.gather [hbm4b:s11+s3], $0x4000, $0x38;
	[tilespmem:$0x1FA80] =	vst v63  }
.Ltmp8:
0x140: {  	s2 =	sand.u32 $0x1FFFFFF0, s2;
	(pc) =	sbr.rel .LBB2_4-.Ltmp8, $4  }
0x141: {  	s22 =	sadd.s32 s5, s2  }
0x142: {  	[tilespmem:s31], [sflag:$0x4] =	stream.linear.gather [hbm4b:s22+s3], $0x80, $0x38;
	[tilespmem:$0x1FA80] =	vst v63  }
0x143: {  	s26 =	sadd.s32 $0x1, s26;
	s2 =	sadd.s32 s7, s2  }
0x144: {  	[tilespmem:s0], [sflag:$0x6] =	stream.linear.gather [hbm4b:s2+s3], $0x80, $0x38;
	[tilespmem:$0x1FA80] =	vst v63  }
.LBB2_15:
0x145: {  	_ =	sfence.sel $0x180000  }
0x146: {  	[bflag:$0x0] =	sbarrier.arrive $0xFFFF  }
0x147: {  	_ =	strace $0x9000004A  }
0x148: {  	[bflag:$0x2] =	sbarrier.arrive $0xFFFF  }
0x149: {  	s0 =	rddreg [dreg:$0x3]  }
0x14a: {  	s0 =	sadd.s32 @!p0 $0x100000, s0  }
0x14b: {  	[sflag:s0] =	ssyncadd.tile.s32 @!p0 $0x1;
	_ =	shalt  }
.Lfunc_end2:
_tile_overlayer_lowered:
.L_overlay_start_2:
0x14c: {  	(tag) =	ssettag $0x2  }
0x14d: {  	s0 =	rddreg [dreg:$0x0];
	s2 =	stileid.u32  }
0x14e: {  	s1 =	rddreg [dreg:$0x1];
	p0 =	sne.s32 s2, $0x0  }
0x14f: {  	s3 =	rddreg [dreg:$0x2];
	[bflag:$0x3] =	sbarrier.arrive $0xFFFF;
	s2 =	simm.s32 @!p0 $0x1C0B  }
0x150: {  	[timem:s3], [sflag:s2] =	dma.local @!p0 [hbm:s0], s1  }
0x151: {  	s0 =	simm.s32 @!p0 $0xB  }
0x152: {  	_ =	swait.ge @!p0 [sflag:s0], s1  }
0x153: {  	s1 =	ssub.s32 @!p0 $0x0, s1;
	[sflag:s0] =	ssyncset.done @!p0 $0x0  }
0x154: {  	[sflag:s0] =	ssyncadd.s32 @!p0 s1  }
0x155: {  	[bflag:$0x3] =	sbarrier.arrive $0xFFFF  }
0x156: {  	_ =	shalt  }

// kernel: kernel.8.cloned.1.call-start
scs
__scs_entry_jumppad:
0x0: {  	(pc) =	sbr.rel $0x88, $3  }
0x1: {  	(tag) =	ssettag $0x0;
	lr =	simm.s32 $0x1  }
0x2: {  	[smem:$0x3F94] =	sst lr;
	_ =	strace $0xD0000000  }
0x3: {  	_ = 	snop  }
0x4: {  	_ = 	snop  }
0x5: {  	_ = 	snop  }
0x6: {  	_ = 	snop  }
0x7: {  	_ = 	snop  }
__scs_overlays_trampoline_lowered:
0x8: {  	[smem:$0x3FA3] =	sst s0  }
0x9: {  	[smem:$0x3FA4] =	sst s1  }
0xa: {  	[smem:$0x3FA5] =	sst s2  }
0xb: {  	[smem:$0x3FA6] =	sst s3  }
0xc: {  	[smem:$0x3FA7] =	sst s4  }
0xd: {  	[smem:$0x3FA8] =	sst s5  }
0xe: {  	[smem:$0x3FA9] =	sst s6  }
0xf: {  	[smem:$0x3FAA] =	sst s7  }
0x10: {  	[smem:$0x3FAB] =	sst s8  }
0x11: {  	[smem:$0x3FAC] =	sst s9;
	s0 =	simm.s32 @!p0 $0x0  }
0x12: {  	s1 =	sld [smem:$0x3F92];
	s0 =	simm.s32 @p0 $0x1  }
0x13: {  	[smem:$0x3FAD] =	sst s0;
	s0 =	simm.s32 @!p1 $0x0  }
0x14: {  	s2 =	sld [smem:$0x3F91];
	s0 =	simm.s32 @p1 $0x1  }
0x15: {  	[smem:$0x3FAE] =	sst s0;
	s0 =	simm.s32 @!p2 $0x0  }
0x16: {  	s3 =	sld [smem:$0x3FDB];
	s0 =	simm.s32 @p2 $0x1  }
0x17: {  	s4 =	simm.s32 $0x1BF5;
	[smem:$0x3FB0] =	sst s0  }
0x18: {  	s0 =	sld [smem:$0x3F93];
	_ =	swait.ge [sflag:s4], $0x0  }
0x19: {  	s7 =	sld [smem:$0x3F94]  }
0x1a: {  	s8 =	sadd.s32 $0xFFFFE003, lr  }
0x1b: {  	s9 =	sadd.s32 $0xFFFFFEF7, lr;
	s5 =	simm.s32 $0xFFFFFFFF;
	p2 =	slt.u32 s8, $0xFFFFF086  }
0x1c: {  	p1 =	slt.u32 s9, $0xF7A;
	s5 =	simm.s32 @!p2 $0x0  }
0x1d: {  	s5 =	simm.s32 @p1 $0x1;
	p0 =	seq.s32 s7, s2  }
0x1e: {  	s7 =	smul.u32 @!p0 $0xF7A, s2;
	p2 =	seq.s32 @!p0 s5, $0x0  }
0x1f: {  	s9 =	smul.u32 $0xF7A, s1;
	s8 =	simm.s32 @!p0 $0x1BF5;
	p2 =	por !p2, p0  }
0x20: {  	[sflag:s8] =	ssyncset.s32 @!p0 $0xFFFFF086;
	s6 =	sadd.s32 @!p0 s3, s7;
	s7 =	simm.s32 @!p0 $0x108  }
0x21: {  	s3 =	sadd.s32 s3, s9;
	s6 =	sadd.s32 @!p0 $0x88, s6;
	s7 =	simm.s32 @p2 $0x1082  }
0x22: {  	[simem:s7], [sflag:s8] =	dma.local @!p0 [hbm:s6], $0xF7A  }
0x23: {  	s9 =	sor.u32 $0xD0000000, s2;
	s6 =	simm.s32 $0x108;
	_ =	swait.ge @!p0 [sflag:s8], $0x0  }
0x24: {  	s3 =	sadd.s32 $0x88, s3;
	s6 =	simm.s32 @!p1 $0x1082;
	[sflag:s4] =	ssyncset.s32 $0xFFFFF086  }
0x25: {  	[simem:s6], [sflag:s4] =	dma.local [hbm:s3], $0xF7A  }
0x26: {  	[smem:$0x3F94] =	sst s1;
	(tag) =	ssettag s2;
	_ =	strace s9  }
0x27: {  	s1 =	sld [smem:$0x3FA4]  }
0x28: {  	s2 =	sld [smem:$0x3FA5]  }
0x29: {  	s4 =	sld [smem:$0x3FA7]  }
0x2a: {  	p0 =	seq.s32 s5, $0x0;
	s5 =	sld [smem:$0x3FA8]  }
0x2b: {  	s6 =	sld [smem:$0x3FA9]  }
0x2c: {  	s7 =	sld [smem:$0x3FAA]  }
0x2d: {  	s3 =	simm.s32 $0x108;
	s8 =	sld [smem:$0x3FAB]  }
0x2e: {  	s3 =	simm.s32 @!p0 $0x1082;
	s9 =	sld [smem:$0x3FAC]  }
0x2f: {  	lr =	sadd.s32 s0, s3;
	s0 =	sld [smem:$0x3FA3]  }
0x30: {  	s3 =	sld [smem:$0x3FA6]  }
0x31: {  	[smem:$0x3FAF] =	sst s10  }
0x32: {  	s10 =	sld [smem:$0x3FAD];
	_ =	sdelay $0x3  }
0x33: {  	p0 =	seq.s32 s10, $0x1;
	s10 =	sld [smem:$0x3FAF];
	_ =	sdelay $0x3  }
0x34: {  	[smem:$0x3FAF] =	sst s10  }
0x35: {  	s10 =	sld [smem:$0x3FAE];
	_ =	sdelay $0x3  }
0x36: {  	p1 =	seq.s32 s10, $0x1;
	s10 =	sld [smem:$0x3FAF];
	_ =	sdelay $0x3  }
0x37: {  	[smem:$0x3FAF] =	sst s10  }
0x38: {  	s10 =	sld [smem:$0x3FB0]  }
0x39: {  	_ = 	snop;
	(pc) =	sbr.ind lr, $3  }
0x3a: {  	_ = 	snop  }
0x3b: {  	_ = 	snop  }
0x3c: {  	p2 =	seq.s32 s10, $0x1;
	s10 =	sld [smem:$0x3FAF]  }
0x3d: {  	_ =	shalt  }
0x3e: {  	_ =	shalt  }
0x3f: {  	_ =	shalt  }
0x40: {  	_ =	shalt  }
0x41: {  	_ =	shalt  }
0x42: {  	_ =	shalt  }
0x43: {  	_ =	shalt  }
0x44: {  	_ =	shalt  }
0x45: {  	_ =	shalt  }
0x46: {  	_ =	shalt  }
0x47: {  	_ =	shalt  }
0x48: {  	_ =	shalt  }
0x49: {  	_ =	shalt  }
0x4a: {  	_ =	shalt  }
0x4b: {  	_ =	shalt  }
0x4c: {  	_ =	shalt  }
0x4d: {  	_ =	shalt  }
0x4e: {  	_ =	shalt  }
0x4f: {  	_ =	shalt  }
0x50: {  	_ =	shalt  }
0x51: {  	_ =	shalt  }
0x52: {  	_ =	shalt  }
0x53: {  	_ =	shalt  }
0x54: {  	_ =	shalt  }
0x55: {  	_ =	shalt  }
0x56: {  	_ =	shalt  }
0x57: {  	_ =	shalt  }
0x58: {  	_ =	shalt  }
0x59: {  	_ =	shalt  }
0x5a: {  	_ =	shalt  }
0x5b: {  	_ =	shalt  }
0x5c: {  	_ =	shalt  }
0x5d: {  	_ =	shalt  }
0x5e: {  	_ =	shalt  }
0x5f: {  	_ =	shalt  }
0x60: {  	_ =	shalt  }
0x61: {  	_ =	shalt  }
0x62: {  	_ =	shalt  }
0x63: {  	_ =	shalt  }
0x64: {  	_ =	shalt  }
0x65: {  	_ =	shalt  }
0x66: {  	_ =	shalt  }
0x67: {  	_ =	shalt  }
0x68: {  	_ =	shalt  }
0x69: {  	_ =	shalt  }
0x6a: {  	_ =	shalt  }
0x6b: {  	_ =	shalt  }
0x6c: {  	_ =	shalt  }
0x6d: {  	_ =	shalt  }
0x6e: {  	_ =	shalt  }
0x6f: {  	_ =	shalt  }
0x70: {  	_ =	shalt  }
0x71: {  	_ =	shalt  }
0x72: {  	_ =	shalt  }
0x73: {  	_ =	shalt  }
0x74: {  	_ =	shalt  }
0x75: {  	_ =	shalt  }
0x76: {  	_ =	shalt  }
0x77: {  	_ =	shalt  }
0x78: {  	_ =	shalt  }
0x79: {  	_ =	shalt  }
0x7a: {  	_ =	shalt  }
0x7b: {  	_ =	shalt  }
0x7c: {  	_ =	shalt  }
0x7d: {  	_ =	shalt  }
0x7e: {  	_ =	shalt  }
0x7f: {  	_ =	shalt  }
0x80: {  	_ =	shalt  }
0x81: {  	_ =	shalt  }
0x82: {  	_ =	shalt  }
0x83: {  	_ =	shalt  }
0x84: {  	_ =	shalt  }
0x85: {  	_ =	shalt  }
0x86: {  	_ =	shalt  }
0x87: {  	_ =	shalt  }
.Lfunc_end0:
.L_simem_size_0:
called_computation_lowered:
.L_overlay_start_0:
0x88: {  	s2 =	sld [smem:$0x3FD9]  }
0x89: {  	s3 =	sld [smem:$0x3FFE];
	_ =	sdelay $0x1  }
0x8a: {  	s1 =	srdreg.scid  }
0x8b: {  	s0 =	sand.u32 $0x1, s1  }
0x8c: {  	s16 =	sshll.u32 s0, $0xA;
	s2 =	sadd.s32 s3, s2  }
0x8d: {  	s2 =	sadd.s32 s2, s16  }
0x8e: {  	[smem:$0x3FBB] =	sst s2  }
0x8f: {  	_ = 	snop  }
0x90: {  	(tm) =	ssettm $0x1  }
0x91: {  	s17 =	sld [smem:$0x3FFB];
	_ =	sdelay $0x3  }
0x92: {  	_ =	strace s17  }
0x93: {  	s2 =	sld [smem:$0x3FFC];
	_ =	sdelay $0x3  }
0x94: {  	_ =	strace s2  }
0x95: {  	s2 =	sld [smem:$0x3FFD];
	_ =	sdelay $0x3  }
0x96: {  	_ =	strace s2  }
0x97: {  	_ =	strace $0x8FFFFFFF  }
0x98: {  	s18 =	sld [smem:$0x3FDB];
	_ =	sdelay $0x1  }
0x99: {  	s19 =	simm.s32 $_scs_section_size  }
0x9a: {  	s4 =	simm.s32 $_size__tile_overlayer_lowered;
	s5 =	simm.s32 $_tile_overlayer_lowered  }
0x9b: {  	s22 =	simm.s32 $0x1BFF;
	s21 =	sshll.u32 s5, $0x1;
	s2 =	sadd.s32 s19, s18  }
0x9c: {  	s6 =	simm.s32 $0x0;
	s20 =	sshll.u32 s4, $0x1;
	s4 =	sadd.s32 s21, s2  }
0x9d: {  	[timem:s6], [sflag:s22] =	dma.local [hbm:s4], s20  }
0x9e: {  	_ =	swait.ge [sflag:s22], s20  }
0x9f: {  	s3 =	ssub.s32 $0x0, s20;
	[sflag:s22] =	ssyncset.done $0x0  }
0xa0: {  	[sflag:s22] =	ssyncadd.s32 s3;
	_ =	sdelay $0x1  }
0xa1: {  	s23 =	simm.s32 $0x1B8B  }
0xa2: {  	_ =	swait.ge [sflag:s23], $0x1  }
0xa3: {  	[sflag:s23] =	ssyncset.done $0x0  }
0xa4: {  	s25 =	simm.s32 $0x1B8E;
	s24 =	sld [smem:$0x3FFE];
	[sflag:s23] =	ssyncadd.s32 $0xFFFFFFFF  }
0xa5: {  	s26 =	simm.s32 $execute0_lowered;
	[smem:$0x3FD2] =	sst s25  }
0xa6: {  	s4 =	sshll.u32 s26, $0x1;
	_ =	strace $0x80000046;
	[dreg:$0x1] =	wrdreg $0xFFFFFFFF  }
0xa7: {  	s28 =	simm.s32 $_size_execute0_lowered;
	s2 =	sadd.s32 s2, s4;
	[dreg:$0x0] =	wrdreg $0x0  }
0xa8: {  	s4 =	sshll.u32 s28, $0x1;
	[dreg:$0x2] =	wrdreg s2  }
0xa9: {  	[dreg:$0x3] =	wrdreg s4  }
0xaa: {  	[dreg:$0x4] =	wrdreg $0xC0  }
0xab: {  	_ =	task [dreg:s6], $0x5FFFF  }
0xac: {  	[dreg:$0x1] =	wrdreg $0xFFFFFFFF  }
0xad: {  	[dreg:$0x0] =	wrdreg $0x60  }
0xae: {  	[dreg:$0x2] =	wrdreg s24  }
0xaf: {  	[dreg:$0x3] =	wrdreg $0x0  }
0xb0: {  	[dreg:$0x4] =	wrdreg $0x9  }
0xb1: {  	_ =	task.clear_ibuf [dreg:s6], $0x5FFFF;
	_ =	strace $0x90000046  }
0xb2: {  	s29 =	simm.s32 $0x9;
	_ =	strace $0x80000048  }
0xb3: {  	_ =	swait.ge [sflag:s29], $0x1  }
0xb4: {  	[sflag:s29] =	ssyncadd.s32 $0xFFFFFFFF  }
0xb5: {  	_ =	strace $0x90000048  }
0xb6: {  	_ =	sfence  }
0xb7: {  	s30 =	sld [smem:$0x0];
	_ =	sdelay $0x2  }
0xb8: {  	s31 =	sshll.u32 s1, $0xD;
	s1 =	sshrl.u32 s1, $0x2  }
0xb9: {  	s3 =	sand.u32 $0x4000, s31;
	s1 =	sadd.s32 s1, s30  }
0xba: {  	s0 =	sor.u32 s3, s0;
	s1 =	sshll.u32 s1, $0x11  }
0xbb: {  	s0 =	sor.u32 s1, s0  }
0xbc: {  	s0 =	sadd.s32 $0x8F2B, s0  }
0xbd: {  	[sflag:s0] =	ssyncadd.remote.s32 $0x1  }
0xbe: {  	_ =	sfence.sel $0xFFFF  }
0xbf: {  	[dreg:$0x0] =	wrdreg $0xFFFFFFFF;
	(pc) =	sbr.abs _section_cstart, $3  }
0xc0: {  	[dreg:$0x1] =	wrdreg $0xFFFFFFFF  }
0xc1: {  	_ =	task.clear_ibuf [dreg:s6], $0x2FFFF;
	_ =	strace $0x9FFFFFFF  }
0xc2: {  	(tm) =	ssettm $0x7FFFFFFF  }
0xc3: {  	_ =	shalt  }
tec
execute0_lowered:
.L_overlay_start_1:
0x0: {  	(tag) =	ssettag $0x1  }
0x1: {  	s0 =	rddreg [dreg:$0x0]  }
0x2: {  	s1 =	rddreg [dreg:$0x1];
	s2 =	simm.s32 $0x0  }
0x3: {  	s21 =	stileid.u32;
	s4 =	srdreg.scid;
	s28 =	simm.s32 $0x3  }
0x4: {  	s29 =	simm.s32 $0x80;
	s30 =	simm.s32 $0x2;
	s31 =	simm.s32 $0x4  }
0x5: {  	[smem:$0x7FF] =	sst s2;
	s3 =	sadd.s32 $0x50B400, s0;
	s5 =	smul.u32 $0x4E000, s21  }
0x6: {  	s6 =	sadd.s32 $0x2C00, s0;
	s0 =	sadd.s32 $0xD000, s0;
	s7 =	sand.u32 $0x1, s4  }
0x7: {  	s25 =	sshll.u32 s21, $0x1;
	s19 =	smul.u32 $0xA4, s21;
	p0 =	sne.s32 s21, $0x0  }
0x8: {  	_ =	strace $0x80000047;
	s10 =	sor.u32 s7, s25;
	s5 =	sshrl.u32 s5, $0x2  }
0x9: {  	s8 =	ssub.s32 $0x2, s7;
	s13 =	smul.u32 $0x29000, s10;
	s4 =	sadd.s32 s5, s1  }
0xa: {  	s9 =	sshrl.u32 s8, $0x1;
	s11 =	smul.u32 $0x2900, s10;
	s12 =	sadd.s32 $0x4000, s4  }
0xb: {  	s10 =	smul.u32 $0x520, s10;
	s14 =	sadd.s32 $0x8000, s4;
	[dreg:$0x3] =	wrdreg s12  }
0xc: {  	s26 =	ssub.s32 s8, s9;
	s15 =	sadd.s32 $0xC000, s4;
	[dreg:$0x4] =	wrdreg s14  }
0xd: {  	s9 =	sadd.s32 $0x138000, s1;
	s16 =	sadd.s32 $0x10000, s4;
	[dreg:$0x5] =	wrdreg s15  }
0xe: {  	s8 =	sadd.s32 s3, s13;
	s17 =	sor.u32 $0x80, s11;
	[dreg:$0x6] =	wrdreg s16  }
0xf: {  	s13 =	smul.u32 $0x138800, s7;
	s10 =	sadd.s32 s6, s10;
	[dreg:$0x7] =	wrdreg s8  }
0x10: {  	s7 =	smul.u32 $0x52, s7;
	[dreg:$0x8] =	wrdreg s10;
	s18 =	sshll.u32 s17, $0x4  }
0x11: {  	s14 =	smul.u32 $0x13800, s21;
	s8 =	sshrl.u32 s17, $0x3;
	s16 =	smax.u32 s26, $0x1  }
0x12: {  	s21 =	simm.s32 $0x13880;
	s12 =	sadd.s32 s3, s18;
	s15 =	sshrl.u32 s13, $0x3  }
0x13: {  	s22 =	sadd.s32 s7, s19;
	s14 =	sadd.s32 s14, s13;
	s13 =	sadd.s32 s6, s8  }
0x14: {  	s15 =	sadd.s32 s0, s15;
	s23 =	sshll.u32 s22, $0x4;
	s20 =	sshrl.u32 s14, $0x3  }
0x15: {  	s15 =	sadd.s32 $0x27000, s15;
	s5 =	sadd.s32 s6, s23;
	s23 =	simm.s32 $0x1B880  }
0x16: {  	s14 =	sadd.s32 s0, s20;
	s0 =	sadd.s32 $0x2, s22;
	s17 =	sadd.s32 $0x30, s5  }
0x17: {  	s22 =	simm.s32 $0x7;
	s24 =	sshll.u32 s0, $0xB;
	s0 =	sshrl.u32 s0, $0x1  }
0x18: {  	s5 =	simm.s32 $0x0;
	s25 =	sadd.s32 s24, s3;
	s26 =	sshll.u32 s0, $0x5  }
0x19: {  	s0 =	sshll.u32 s0, $0xC;
	s24 =	simm.s32 $0x17880;
	s18 =	sadd.s32 $0x800, s25  }
0x1a: {  	s19 =	sadd.s32 s26, s6;
	s20 =	sadd.s32 s0, s3;
	s25 =	simm.s32 $0x1B900  }
0x1b: {  	v0 =	vimm.f32 $0.0e+00;
	s26 =	simm.s32 $0x1;
	s0 =	simm.s32 $0x5;
	s3 =	simm.s32 $0x6  }
.LBB2_1:
0x1c: {  	s6 =	simm.s32 $0x0;
	s7 =	simm.s32 $0x200  }
.LBB2_2:
0x1d: {  	p1 =	sne.s32 s7, $0xFE00;
	[tilespmem:s6+$0x138F0] =	vst v0  }
0x1e: {  	[tilespmem:s6+$0x13880] =	vst v0  }
0x1f: {  	[tilespmem:s6+$0x13890] =	vst v0  }
.Ltmp0:
0x20: {  	[tilespmem:s6+$0x138A0] =	vst v0;
	(pc) =	sbr.rel @p1 .LBB2_2-.Ltmp0, $4  }
0x21: {  	[tilespmem:s6+$0x138B0] =	vst v0  }
0x22: {  	[tilespmem:s6+$0x138C0] =	vst v0  }
0x23: {  	[tilespmem:s6+$0x138D0] =	vst v0  }
0x24: {  	[tilespmem:s6+$0x138E0] =	vst v0;
	s6 =	sshra.s32 s7, $0x2;
	s7 =	sadd.s32 $0x200, s7  }
0x25: {  	[tilespmem:s6+$0x138F0] =	vst v0  }
0x26: {  	[tilespmem:s6+$0x13880] =	vst v0  }
0x27: {  	[tilespmem:s6+$0x13890] =	vst v0  }
0x28: {  	[tilespmem:s6+$0x138A0] =	vst v0  }
0x29: {  	[tilespmem:s6+$0x138B0] =	vst v0  }
0x2a: {  	[tilespmem:s6+$0x138C0] =	vst v0  }
0x2b: {  	[tilespmem:s6+$0x138D0] =	vst v0  }
0x2c: {  	[tilespmem:s6+$0x138E0] =	vst v0  }
0x2d: {  	[spmem:s4] =	stream.linear.scatter [tilespmem:s21], [sflag:$0x7], $0x4000, $0x38;
	[tilespmem:$0x1B980] =	vst v63  }
0x2e: {  	_ =	swait.ge [sflag:s22], $0x4000  }
0x2f: {  	[sflag:s22] =	ssyncset.done $0x0  }
0x30: {  	s8 =	rddreg [dreg:$0x3];
	[sflag:s22] =	ssyncadd.s32 $0xFFFFC000  }
0x31: {  	[spmem:s8] =	stream.linear.scatter [tilespmem:s21], [sflag:$0x7], $0x4000, $0x38;
	[tilespmem:$0x1B980] =	vst v63  }
0x32: {  	_ =	swait.ge [sflag:s22], $0x4000  }
0x33: {  	[sflag:s22] =	ssyncset.done $0x0  }
0x34: {  	s10 =	rddreg [dreg:$0x4];
	[sflag:s22] =	ssyncadd.s32 $0xFFFFC000  }
0x35: {  	[spmem:s10] =	stream.linear.scatter [tilespmem:s21], [sflag:$0x7], $0x4000, $0x38;
	[tilespmem:$0x1B980] =	vst v63  }
0x36: {  	_ =	swait.ge [sflag:s22], $0x4000  }
0x37: {  	[sflag:s22] =	ssyncset.done $0x0  }
0x38: {  	s11 =	rddreg [dreg:$0x5];
	[sflag:s22] =	ssyncadd.s32 $0xFFFFC000  }
0x39: {  	[spmem:s11] =	stream.linear.scatter [tilespmem:s21], [sflag:$0x7], $0x4000, $0x38;
	[tilespmem:$0x1B980] =	vst v63  }
0x3a: {  	_ =	swait.ge [sflag:s22], $0x4000  }
0x3b: {  	[sflag:s22] =	ssyncset.done $0x0  }
0x3c: {  	s7 =	rddreg [dreg:$0x6];
	[sflag:s22] =	ssyncadd.s32 $0xFFFFC000  }
0x3d: {  	[spmem:s7] =	stream.linear.scatter [tilespmem:s21], [sflag:$0x7], $0x3800, $0x38;
	[tilespmem:$0x1B980] =	vst v63  }
0x3e: {  	_ =	swait.ge [sflag:s22], $0x3800  }
0x3f: {  	[sflag:s22] =	ssyncset.done $0x0  }
0x40: {  	s6 =	simm.s32 @!p0 $0x13880;
	[sflag:s22] =	ssyncadd.s32 $0xFFFFC800  }
0x41: {  	[spmem:s9] =	stream.linear.scatter @!p0 [tilespmem:s6], [sflag:$0x7], $0x800, $0x38;
	[tilespmem:$0x1B980] =	vst v63  }
0x42: {  	s6 =	simm.s32 @!p0 $0x7  }
0x43: {  	_ =	swait.ge @!p0 [sflag:s6], $0x800  }
0x44: {  	[sflag:s6] =	ssyncset.done @!p0 $0x0  }
0x45: {  	[sflag:s6] =	ssyncadd.s32 @!p0 $0xFFFFF800  }
0x46: {  	[bflag:$0x0] =	sbarrier.arrive $0xFFFF  }
0x47: {  	s8 =	simm.s32 $0x0;
	s7 =	rddreg [dreg:$0x7]  }
0x48: {  	[tilespmem:s21], [sflag:$0x1] =	stream.linear.gather [hbm4b:s7+s8], $0x4000, $0x38;
	[tilespmem:$0x1B980] =	vst v63  }
0x49: {  	s10 =	rddreg [dreg:$0x8]  }
0x4a: {  	[tilespmem:s23], [sflag:$0x3] =	stream.linear.gather [hbm4b:s10+s8], $0x80, $0x38;
	[tilespmem:$0x1B980] =	vst v63  }
0x4b: {  	_ = 	snop  }
0x4c: {  	[tilespmem:s24], [sflag:$0x2] =	stream.linear.gather [hbm4b:s12+s8], $0x4000, $0x38;
	[tilespmem:$0x1B980] =	vst v63  }
0x4d: {  	_ = 	snop  }
0x4e: {  	[tilespmem:s25], [sflag:$0x4] =	stream.linear.gather [hbm4b:s13+s8], $0x80, $0x38;
	[tilespmem:$0x1B980] =	vst v63  }
0x4f: {  	_ =	swait.ge [sflag:s26], $0x4000  }
0x50: {  	[sflag:s26] =	ssyncset.done $0x0  }
0x51: {  	[sflag:s26] =	ssyncadd.s32 $0xFFFFC000  }
0x52: {  	_ =	swait.ge [sflag:s28], $0x80  }
0x53: {  	[sflag:s28] =	ssyncset.done $0x0  }
0x54: {  	[sflag:s28] =	ssyncadd.s32 $0xFFFFFF80  }
0x55: {  	[spmem:s1] =	stream.indirect.scatter.add.f32 [tilespmem:s21], [sflag:$0x5], $0x80, s23, s29, $0xb8;
	[tilespmem:$0x1B980] =	vst v63  }
0x56: {  	_ =	swait.ge [sflag:s30], $0x4000  }
0x57: {  	[sflag:s30] =	ssyncset.done $0x0  }
0x58: {  	[sflag:s30] =	ssyncadd.s32 $0xFFFFC000  }
0x59: {  	_ =	swait.ge [sflag:s31], $0x80  }
0x5a: {  	[sflag:s31] =	ssyncset.done $0x0  }
0x5b: {  	[sflag:s31] =	ssyncadd.s32 $0xFFFFFF80  }
0x5c: {  	[spmem:s1] =	stream.indirect.scatter.add.f32 [tilespmem:s24], [sflag:$0x6], $0x80, s25, s29, $0xb8;
	[tilespmem:$0x1B980] =	vst v63  }
0x5d: {  	_ =	swait.ge [sflag:s0], $0x4000  }
0x5e: {  	[sflag:s0] =	ssyncset.done $0x0  }
0x5f: {  	[sflag:s0] =	ssyncadd.s32 $0xFFFFC000  }
0x60: {  	[tilespmem:s21], [sflag:$0x1] =	stream.linear.gather [hbm4b:s20+s2], $0x4000, $0x38;
	[tilespmem:$0x1B980] =	vst v63  }
0x61: {  	s11 =	sadd.s32 $0x0, s19  }
0x62: {  	[tilespmem:s23], [sflag:$0x3] =	stream.linear.gather [hbm4b:s11+s2], $0x80, $0x38;
	[tilespmem:$0x1B980] =	vst v63  }
0x63: {  	_ =	swait.ge [sflag:s3], $0x4000  }
0x64: {  	s6 =	simm.s32 $0x20;
	s7 =	sadd.s32 $0x1000, s18;
	[sflag:s3] =	ssyncset.done $0x0  }
0x65: {  	s10 =	sadd.s32 $0x0, s17;
	s8 =	sadd.s32 $0x1000, s20;
	[sflag:s3] =	ssyncadd.s32 $0xFFFFC000  }
0x66: {  	[tilespmem:s24], [sflag:$0x2] =	stream.linear.gather [hbm4b:s18+s2], $0x4000, $0x38;
	[tilespmem:$0x1B980] =	vst v63  }
.LBB2_4:
0x67: {  	[tilespmem:s25], [sflag:$0x4] =	stream.linear.gather [hbm4b:s10+s2], $0x80, $0x38;
	[tilespmem:$0x1B980] =	vst v63  }
0x68: {  	s10 =	smov.u32 s6  }
0x69: {  	p1 =	sne.s32 s6, $0x4E0;
	s6 =	sadd.s32 $0x20, s6;
	_ =	swait.ge [sflag:s26], $0x4000  }
0x6a: {  	[sflag:s26] =	ssyncset.done $0x0  }
0x6b: {  	[sflag:s26] =	ssyncadd.s32 $0xFFFFC000  }
0x6c: {  	_ =	swait.ge [sflag:s28], $0x80  }
0x6d: {  	[sflag:s28] =	ssyncset.done $0x0  }
0x6e: {  	[sflag:s28] =	ssyncadd.s32 $0xFFFFFF80  }
0x6f: {  	[spmem:s1] =	stream.indirect.scatter.add.f32 [tilespmem:s21], [sflag:$0x5], $0x80, s23, s29, $0xb8;
	[tilespmem:$0x1B980] =	vst v63  }
0x70: {  	_ =	swait.ge [sflag:s30], $0x4000  }
0x71: {  	[sflag:s30] =	ssyncset.done $0x0  }
0x72: {  	[sflag:s30] =	ssyncadd.s32 $0xFFFFC000  }
0x73: {  	_ =	swait.ge [sflag:s31], $0x80  }
0x74: {  	[sflag:s31] =	ssyncset.done $0x0  }
0x75: {  	[sflag:s31] =	ssyncadd.s32 $0xFFFFFF80  }
0x76: {  	[spmem:s1] =	stream.indirect.scatter.add.f32 [tilespmem:s24], [sflag:$0x6], $0x80, s25, s29, $0xb8;
	[tilespmem:$0x1B980] =	vst v63  }
0x77: {  	_ =	swait.ge [sflag:s0], $0x4000  }
0x78: {  	[sflag:s0] =	ssyncset.done $0x0  }
0x79: {  	[sflag:s0] =	ssyncadd.s32 $0xFFFFC000  }
0x7a: {  	[tilespmem:s21], [sflag:$0x1] =	stream.linear.gather [hbm4b:s8+s2], $0x4000, $0x38;
	[tilespmem:$0x1B980] =	vst v63  }
0x7b: {  	s11 =	sadd.s32 s10, s19  }
0x7c: {  	[tilespmem:s23], [sflag:$0x3] =	stream.linear.gather [hbm4b:s11+s2], $0x80, $0x38;
	[tilespmem:$0x1B980] =	vst v63  }
.Ltmp1:
0x7d: {  	_ =	swait.ge [sflag:s3], $0x4000;
	(pc) =	sbr.rel @p1 .LBB2_4-.Ltmp1, $4  }
0x7e: {  	[sflag:s3] =	ssyncset.done $0x0  }
0x7f: {  	[sflag:s3] =	ssyncadd.s32 $0xFFFFC000  }
0x80: {  	[tilespmem:s24], [sflag:$0x2] =	stream.linear.gather [hbm4b:s7+s2], $0x4000, $0x38;
	[tilespmem:$0x1B980] =	vst v63  }
0x81: {  	s10 =	sadd.s32 s10, s17;
	s8 =	sadd.s32 $0x1000, s8;
	s7 =	sadd.s32 $0x1000, s7  }
0x82: {  	[tilespmem:s25], [sflag:$0x4] =	stream.linear.gather [hbm4b:s10+s2], $0x80, $0x38;
	[tilespmem:$0x1B980] =	vst v63  }
0x83: {  	_ =	swait.ge [sflag:s26], $0x4000  }
0x84: {  	[sflag:s26] =	ssyncset.done $0x0  }
0x85: {  	[sflag:s26] =	ssyncadd.s32 $0xFFFFC000  }
0x86: {  	_ =	swait.ge [sflag:s28], $0x80  }
0x87: {  	[sflag:s28] =	ssyncset.done $0x0  }
0x88: {  	[sflag:s28] =	ssyncadd.s32 $0xFFFFFF80  }
0x89: {  	[spmem:s1] =	stream.indirect.scatter.add.f32 [tilespmem:s21], [sflag:$0x5], $0x80, s23, s29, $0xb8;
	[tilespmem:$0x1B980] =	vst v63  }
0x8a: {  	_ =	swait.ge [sflag:s30], $0x4000  }
0x8b: {  	[sflag:s30] =	ssyncset.done $0x0  }
0x8c: {  	[sflag:s30] =	ssyncadd.s32 $0xFFFFC000  }
0x8d: {  	_ =	swait.ge [sflag:s31], $0x80  }
0x8e: {  	[sflag:s31] =	ssyncset.done $0x0  }
0x8f: {  	[sflag:s31] =	ssyncadd.s32 $0xFFFFFF80  }
0x90: {  	[spmem:s1] =	stream.indirect.scatter.add.f32 [tilespmem:s24], [sflag:$0x6], $0x80, s25, s29, $0xb8;
	[tilespmem:$0x1B980] =	vst v63  }
0x91: {  	_ =	swait.ge [sflag:s0], $0x4000  }
0x92: {  	[sflag:s0] =	ssyncset.done $0x0  }
0x93: {  	[sflag:s0] =	ssyncadd.s32 $0xFFFFC000  }
0x94: {  	_ =	swait.ge [sflag:s3], $0x4000  }
0x95: {  	s6 =	stileid.u32;
	[sflag:s3] =	ssyncset.done $0x0  }
0x96: {  	s6 =	sshll.u32 s6, $0x6;
	[sflag:s3] =	ssyncadd.s32 $0xFFFFC000  }
0x97: {  	s7 =	sshrl.u32 s4, $0x3;
	s6 =	sor.u32 $0x1C07, s6;
	[bflag:$0x0] =	sbarrier.arrive $0xFFFF  }
0x98: {  	[hbm:s14], [sflag:s6] =	dma.local [spmem:s7], $0x2700  }
0x99: {  	_ =	swait.ge [sflag:s22], $0x2700  }
0x9a: {  	s5 =	sadd.s32 $0x1, s5;
	[sflag:s22] =	ssyncset.done $0x0  }
0x9b: {  	p1 =	sne.s32 s5, s16;
	s7 =	sshrl.u32 @!p0 s9, $0x3;
	[sflag:s22] =	ssyncadd.s32 $0xFFFFD900  }
0x9c: {  	[hbm:s15], [sflag:s6] =	dma.local @!p0 [spmem:s7], $0x100  }
.Ltmp2:
0x9d: {  	_ = 	snop;
	(pc) =	sbr.rel @p1 .LBB2_1-.Ltmp2, $4  }
0x9e: {  	s6 =	simm.s32 @!p0 $0x7  }
0x9f: {  	_ =	swait.ge @!p0 [sflag:s6], $0x100  }
0xa0: {  	[sflag:s6] =	ssyncset.done @!p0 $0x0  }
0xa1: {  	[sflag:s6] =	ssyncadd.s32 @!p0 $0xFFFFFF00  }
0xa2: {  	_ =	sfence.sel $0x180000  }
0xa3: {  	[bflag:$0x0] =	sbarrier.arrive $0xFFFF  }
0xa4: {  	_ =	strace $0x90000047  }
0xa5: {  	[bflag:$0x2] =	sbarrier.arrive $0xFFFF  }
0xa6: {  	s0 =	rddreg [dreg:$0x2]  }
0xa7: {  	s0 =	sadd.s32 @!p0 $0x100000, s0  }
0xa8: {  	[sflag:s0] =	ssyncadd.tile.s32 @!p0 $0x1;
	_ =	shalt  }
.Lfunc_end2:
_tile_overlayer_lowered:
.L_overlay_start_2:
0xa9: {  	(tag) =	ssettag $0x2  }
0xaa: {  	s0 =	rddreg [dreg:$0x0];
	s2 =	stileid.u32  }
0xab: {  	s1 =	rddreg [dreg:$0x1];
	p0 =	sne.s32 s2, $0x0  }
0xac: {  	s3 =	rddreg [dreg:$0x2];
	[bflag:$0x3] =	sbarrier.arrive $0xFFFF;
	s2 =	simm.s32 @!p0 $0x1C07  }
0xad: {  	[timem:s3], [sflag:s2] =	dma.local @!p0 [hbm:s0], s1  }
0xae: {  	s0 =	simm.s32 @!p0 $0x7  }
0xaf: {  	_ =	swait.ge @!p0 [sflag:s0], s1  }
0xb0: {  	s1 =	ssub.s32 @!p0 $0x0, s1;
	[sflag:s0] =	ssyncset.done @!p0 $0x0  }
0xb1: {  	[sflag:s0] =	ssyncadd.s32 @!p0 s1  }
0xb2: {  	[bflag:$0x3] =	sbarrier.arrive $0xFFFF  }
0xb3: {  	_ =	shalt  }

</sc_bundles>
